<compile_context>
chip_gen: v7x
topology: tpu7x:2x2x1
jax: 0.10.2.dev20260603
libtpu: 0.0.44.dev20260713+nightly
codegen_flags: <defaults>
</compile_context>

<pallas_src>
import functools

import numpy as np

import jax
import jax.numpy as jnp
from jax import lax
from jax.experimental import pallas as pl
from jax.experimental.pallas import tpu as pltpu
from jax.experimental.pallas import tpu_sc as plsc

N = 10000
E = 320000
D = 128
H = 32
P = 4
N4 = N // P
LW = P * H

NC = 2
NS = 16
NW = NC * NS
CHUNK = 128
NCH = 80
EPW = NCH * CHUNK
EPWR = E // NW
NBUF = 5
NPAD = 10240
NP4 = NPAD // P
ZR = NPAD // NS
SEG = N // NS
CW = 32
BR = 2000
B4 = BR // P


def _sc_agg_counts_body(y, ei4, z32, ones_h, out_sum, out_cnt,
                        sidx, didx, rows, ysp, acc, s0, s1, s2, s3, s4,
                        t0, t1, t2, t3, t4, ones_v, cacc, cs):
    cid = lax.axis_index("c")
    sid = lax.axis_index("s")
    wid = sid * NC + cid
    pltpu.sync_copy(z32, acc.at[pl.ds(sid * ZR, ZR)])
    pltpu.sync_copy(z32, cacc.at[pl.ds(sid * ZR, ZR)])
    pltpu.sync_copy(y.at[pl.ds(sid * SEG, SEG)], ysp.at[pl.ds(sid * SEG, SEG)])
    pltpu.sync_copy(ei4.at[0, wid], sidx)
    pltpu.sync_copy(ei4.at[1, wid], didx)
    pltpu.sync_copy(ones_h, ones_v)
    plsc.subcore_barrier()
    gsem = [s0, s1, s2, s3, s4]
    tsem = [t0, t1, t2, t3, t4]
    for b in range(NBUF):
        pltpu.async_copy(ysp.at[sidx.at[b]], rows.at[b], gsem[b])

    def group(g, carry):
        for b in range(NBUF):
            j = g * NBUF + b
            bp = (b - 1) % NBUF
            pltpu.make_async_copy(y.at[pl.ds(0, CHUNK)], rows.at[b], gsem[b]).wait()
            pltpu.async_copy(rows.at[b], acc.at[didx.at[j]], tsem[b], add=True)
            pltpu.async_copy(ones_v, cacc.at[didx.at[j]], cs, add=True)

            @pl.when(g >= 1)
            def _():
                pltpu.make_async_copy(ones_v, cacc.at[didx.at[0]], cs).wait()

            cond = (g >= 1) if b == 0 else (g <= NCH // NBUF - 2)

            @pl.when(cond)
            def _():
                jp = j - 1
                pltpu.make_async_copy(rows.at[bp], acc.at[didx.at[jp]],
                                      tsem[bp]).wait()
                pltpu.async_copy(ysp.at[sidx.at[jp + NBUF]], rows.at[bp], gsem[bp])
        return carry

    lax.fori_loop(0, NCH // NBUF, group, 0)
    for b in range(NBUF):
        pltpu.make_async_copy(rows.at[b], acc.at[didx.at[NCH - NBUF + b]],
                              tsem[b]).wait()
        pltpu.make_async_copy(ones_v, cacc.at[didx.at[0]], cs).wait()
    plsc.subcore_barrier()
    pltpu.sync_copy(acc.at[pl.ds(sid * ZR, ZR)], out_sum.at[cid, pl.ds(sid * ZR, ZR)])
    pltpu.sync_copy(cacc.at[pl.ds(sid * ZR, ZR)], out_cnt.at[cid, pl.ds(sid * ZR, ZR)])


def _sc_agg_body(y, ei4, z32, out_sum,
                 sidx, didx, rows, ysp, acc, s0, s1, s2, s3, s4,
                 t0, t1, t2, t3, t4):
    cid = lax.axis_index("c")
    sid = lax.axis_index("s")
    wid = sid * NC + cid
    pltpu.sync_copy(z32, acc.at[pl.ds(sid * ZR, ZR)])
    pltpu.sync_copy(y.at[pl.ds(sid * SEG, SEG)], ysp.at[pl.ds(sid * SEG, SEG)])
    pltpu.sync_copy(ei4.at[0, wid], sidx)
    pltpu.sync_copy(ei4.at[1, wid], didx)
    plsc.subcore_barrier()
    gsem = [s0, s1, s2, s3, s4]
    tsem = [t0, t1, t2, t3, t4]
    for b in range(NBUF):
        pltpu.async_copy(ysp.at[sidx.at[b]], rows.at[b], gsem[b])

    def group(g, carry):
        for b in range(NBUF):
            j = g * NBUF + b
            bp = (b - 1) % NBUF
            pltpu.make_async_copy(y.at[pl.ds(0, CHUNK)], rows.at[b], gsem[b]).wait()
            pltpu.async_copy(rows.at[b], acc.at[didx.at[j]], tsem[b], add=True)

            cond = (g >= 1) if b == 0 else (g <= NCH // NBUF - 2)

            @pl.when(cond)
            def _():
                jp = j - 1
                pltpu.make_async_copy(rows.at[bp], acc.at[didx.at[jp]],
                                      tsem[bp]).wait()
                pltpu.async_copy(ysp.at[sidx.at[jp + NBUF]], rows.at[bp], gsem[bp])
        return carry

    lax.fori_loop(0, NCH // NBUF, group, 0)
    for b in range(NBUF):
        pltpu.make_async_copy(rows.at[b], acc.at[didx.at[NCH - NBUF + b]],
                              tsem[b]).wait()
    plsc.subcore_barrier()
    pltpu.sync_copy(acc.at[pl.ds(sid * ZR, ZR)], out_sum.at[cid, pl.ds(sid * ZR, ZR)])


@functools.cache
def _sc_kernels():
    mesh = plsc.VectorSubcoreMesh(core_axis_name="c", subcore_axis_name="s",
                                  num_cores=NC, num_subcores=NS)
    common_scratch = [
        pltpu.VMEM((NCH, CHUNK), jnp.int32),
        pltpu.VMEM((NCH, CHUNK), jnp.int32),
        pltpu.VMEM((NBUF, CHUNK, H), jnp.float32),
        pltpu.VMEM_SHARED((N, H), jnp.float32),
        pltpu.VMEM_SHARED((NPAD, H), jnp.float32),
    ] + [pltpu.SemaphoreType.DMA] * (2 * NBUF)
    agg_counts = pl.kernel(
        _sc_agg_counts_body,
        out_type=[jax.ShapeDtypeStruct((NC, NPAD, H), jnp.float32),
                  jax.ShapeDtypeStruct((NC, NPAD, CW), jnp.float32)],
        mesh=mesh,
        compiler_params=pltpu.CompilerParams(use_tc_tiling_on_sc=False),
        scratch_types=common_scratch + [
            pltpu.VMEM((CHUNK, CW), jnp.float32),
            pltpu.VMEM_SHARED((NPAD, CW), jnp.float32),
            pltpu.SemaphoreType.DMA,
        ],
    )
    agg = pl.kernel(
        _sc_agg_body,
        out_type=[jax.ShapeDtypeStruct((NC, NPAD, H), jnp.float32)],
        mesh=mesh,
        compiler_params=pltpu.CompilerParams(use_tc_tiling_on_sc=False),
        scratch_types=common_scratch,
    )
    return agg_counts, agg



def _proj_body(x, wlT, wrT, bl, y_ref, z_ref):
    xb = x[...]
    y_ref[...] = jnp.dot(xb, wlT[...], preferred_element_type=jnp.float32)
    z_ref[...] = jnp.dot(xb, wrT[...], preferred_element_type=jnp.float32) + bl[...]


_proj = pl.pallas_call(
    _proj_body,
    out_shape=[jax.ShapeDtypeStruct((N, H), jnp.float32)] * 2,
)


def _comb_body(ps, pc, z, wlbd, wrbd, blp, y_ref, z_ref):
    inv = 1.0 / jnp.maximum(pc[0] + pc[1], 1.0)
    h = jnp.maximum((ps[0] + ps[1]) * inv + z[...], 0.0)
    y_ref[...] = jnp.dot(h, wlbd[...], preferred_element_type=jnp.float32)
    z_ref[...] = jnp.dot(h, wrbd[...], preferred_element_type=jnp.float32) + blp[...]


_comb = pl.pallas_call(
    _comb_body,
    out_shape=[jax.ShapeDtypeStruct((N4, LW), jnp.float32)] * 2,
)


def _head_body(ps, pc, z, wh1bd, bh1p, wh2bd, bh2p, o_ref):
    inv = 1.0 / jnp.maximum(pc[0] + pc[1], 1.0)
    h = jnp.maximum((ps[0] + ps[1]) * inv + z[...], 0.0)
    t = jnp.maximum(jnp.dot(h, wh1bd[...], preferred_element_type=jnp.float32)
                    + bh1p[...], 0.0)
    o_ref[...] = jnp.dot(t, wh2bd[...], preferred_element_type=jnp.float32) + bh2p[...]


_head = pl.pallas_call(
    _head_body,
    out_shape=jax.ShapeDtypeStruct((N4, LW), jnp.float32),
)


_EPAD = np.stack([
    np.zeros((NW, EPW - EPWR), np.int32),
    np.broadcast_to(N + np.arange(EPW - EPWR, dtype=np.int32), (NW, EPW - EPWR)),
])


def _bd4(w):
    return jax.scipy.linalg.block_diag(w, w, w, w)


def _tile4(b):
    return jnp.tile(b, P).reshape(1, LW)


def kernel(x, edge_index, Wl1, bl1, Wr1, Wl2, bl2, Wr2, Wl3, bl3, Wr3,
           Wh1, bh1, Wh2, bh2):
    _sc_agg_counts, _sc_agg = _sc_kernels()
    ei = edge_index.astype(jnp.int32).reshape(2, NW, EPWR)
    ei4 = jnp.concatenate([ei, _EPAD], axis=2).reshape(2, NW, NCH, CHUNK)
    z32 = np.zeros((ZR, H), np.float32)
    ones_h = np.ones((CHUNK, CW), np.float32)

    y1, zb1 = _proj(x, Wl1.T, Wr1.T, bl1.reshape(1, H))
    psum1, pcnt1 = _sc_agg_counts(y1, ei4, z32, ones_h)
    ps1 = psum1.reshape(NC, NP4, LW)[:, :N4]
    pc1 = pcnt1.reshape(NC, NP4, LW)[:, :N4]
    y2p, zb2 = _comb(ps1, pc1, zb1.reshape(N4, LW),
                     _bd4(Wl2.T), _bd4(Wr2.T), _tile4(bl2))
    (psum2,) = _sc_agg(y2p.reshape(N, H), ei4, z32)
    ps2 = psum2.reshape(NC, NP4, LW)[:, :N4]
    y3p, zb3 = _comb(ps2, pc1, zb2, _bd4(Wl3.T), _bd4(Wr3.T), _tile4(bl3))
    (psum3,) = _sc_agg(y3p.reshape(N, H), ei4, z32)
    ps3 = psum3.reshape(NC, NP4, LW)[:, :N4]
    wh2p = jnp.zeros((H, H), jnp.float32).at[:, :3].set(Wh2.T)
    bh2p = jnp.zeros((H,), jnp.float32).at[:3].set(bh2)
    outp = _head(ps3, pc1, zb3,
                 _bd4(Wh1.T), _tile4(bh1), _bd4(wh2p), _tile4(bh2p))
    return outp.reshape(N, H)[:, :3]

# --- scband reference (transcript-rebuilt; emitter-appended) ---
"""Pipeline reference for scband-qnetwork-89627377533571 (READ-ONLY COPY).

The authoritative reference and input builder live on the scoring server;
editing this copy changes nothing except your own understanding.
"""

import jax, jax.numpy as jnp
import numpy as np

N = 10000
E = 320000
NODE_DIM = 128
HIDDEN = 32
N_ACTIONS = 3


def sage_conv(x, src, dst, Wl, bl, Wr, n):
    # PyG SAGEConv (mean aggr): out = lin_l(mean_{j->i} x_j) + lin_r(x_i)
    msgs = jnp.take(x, src, axis=0)
    summed = jax.ops.segment_sum(msgs, dst, num_segments=n)
    counts = jax.ops.segment_sum(jnp.ones((dst.shape[0],), dtype=x.dtype), dst, num_segments=n)
    mean = summed / jnp.maximum(counts, 1.0)[:, None]
    return mean @ Wl.T + bl + x @ Wr.T


def setup_inputs(seed: int = 0):
    key = jax.random.key(seed)
    ks = jax.random.split(key, 16)
    x = jax.random.normal(ks[0], (N, NODE_DIM), dtype=jnp.float32)
    edge_index = jax.random.randint(ks[1], (2, E), 0, N)
    s = 0.1
    params = {
        'Wl1': jax.random.normal(ks[2], (HIDDEN, NODE_DIM), dtype=jnp.float32) * s,
        'bl1': jnp.zeros((HIDDEN,), dtype=jnp.float32),
        'Wr1': jax.random.normal(ks[3], (HIDDEN, NODE_DIM), dtype=jnp.float32) * s,
        'Wl2': jax.random.normal(ks[4], (HIDDEN, HIDDEN), dtype=jnp.float32) * s,
        'bl2': jnp.zeros((HIDDEN,), dtype=jnp.float32),
        'Wr2': jax.random.normal(ks[5], (HIDDEN, HIDDEN), dtype=jnp.float32) * s,
        'Wl3': jax.random.normal(ks[6], (HIDDEN, HIDDEN), dtype=jnp.float32) * s,
        'bl3': jnp.zeros((HIDDEN,), dtype=jnp.float32),
        'Wr3': jax.random.normal(ks[7], (HIDDEN, HIDDEN), dtype=jnp.float32) * s,
        'Wh1': jax.random.normal(ks[8], (HIDDEN, HIDDEN), dtype=jnp.float32) * s,
        'bh1': jnp.zeros((HIDDEN,), dtype=jnp.float32),
        'Wh2': jax.random.normal(ks[9], (N_ACTIONS, HIDDEN), dtype=jnp.float32) * s,
        'bh2': jnp.zeros((N_ACTIONS,), dtype=jnp.float32),
    }
    return {'x': x, 'edge_index': edge_index, **params}


def reference(x, edge_index, Wl1, bl1, Wr1, Wl2, bl2, Wr2, Wl3, bl3, Wr3, Wh1, bh1, Wh2, bh2):
    src = edge_index[0]
    dst = edge_index[1]
    h = jax.nn.relu(sage_conv(x, src, dst, Wl1, bl1, Wr1, N))
    h = jax.nn.relu(sage_conv(h, src, dst, Wl2, bl2, Wr2, N))
    h = jax.nn.relu(sage_conv(h, src, dst, Wl3, bl3, Wr3, N))
    h = jax.nn.relu(h @ Wh1.T + bh1)
    return h @ Wh2.T + bh2

if __name__ == "__main__":
    import jax
    _d = setup_inputs()
    print(jax.jit(kernel)(*tuple(_d.values())))

</pallas_src>

<mosaic_0001>
#map = affine_map<(d0, d1) -> (0, 0)>
#map1 = affine_map<(d0, d1) -> (0, 0, 0, 0)>
#map2 = affine_map<(d0, d1) -> (0, 0, 0)>
module attributes {stable_mosaic.version = 14 : i64} {
  func.func @_sc_agg_counts_body(%arg0: i32, %arg1: i32, %arg2: memref<10000x32xf32, #tpu.memory_space<hbm>>, %arg3: memref<2x32x80x128xi32, #tpu.memory_space<hbm>>, %arg4: memref<640x32xf32, #tpu.memory_space<hbm>>, %arg5: memref<128x32xf32, #tpu.memory_space<hbm>>, %arg6: memref<2x10240x32xf32, #tpu.memory_space<hbm>>, %arg7: memref<2x10240x32xf32, #tpu.memory_space<hbm>>, %arg8: memref<80x128xi32, #tpu.memory_space<vmem>>, %arg9: memref<80x128xi32, #tpu.memory_space<vmem>>, %arg10: memref<5x128x32xf32, #tpu.memory_space<vmem>>, %arg11: memref<10000x32xf32, #tpu.memory_space<vmem_shared>>, %arg12: memref<10240x32xf32, #tpu.memory_space<vmem_shared>>, %arg13: memref<!tpu.dma_semaphore, #tpu.memory_space<semaphore_mem>>, %arg14: memref<!tpu.dma_semaphore, #tpu.memory_space<semaphore_mem>>, %arg15: memref<!tpu.dma_semaphore, #tpu.memory_space<semaphore_mem>>, %arg16: memref<!tpu.dma_semaphore, #tpu.memory_space<semaphore_mem>>, %arg17: memref<!tpu.dma_semaphore, #tpu.memory_space<semaphore_mem>>, %arg18: memref<!tpu.dma_semaphore, #tpu.memory_space<semaphore_mem>>, %arg19: memref<!tpu.dma_semaphore, #tpu.memory_space<semaphore_mem>>, %arg20: memref<!tpu.dma_semaphore, #tpu.memory_space<semaphore_mem>>, %arg21: memref<!tpu.dma_semaphore, #tpu.memory_space<semaphore_mem>>, %arg22: memref<!tpu.dma_semaphore, #tpu.memory_space<semaphore_mem>>, %arg23: memref<128x32xf32, #tpu.memory_space<vmem>>, %arg24: memref<10240x32xf32, #tpu.memory_space<vmem_shared>>, %arg25: memref<!tpu.dma_semaphore, #tpu.memory_space<semaphore_mem>>) attributes {dimension_semantics = [#tpu.dimension_semantics<core_parallel>, #tpu.dimension_semantics<subcore_parallel>], iteration_bounds = array<i64: 2, 16>, scalar_prefetch = 0 : i64, scratch_operands = 18 : i64, tpu.core_type = #tpu.core_type<sc_vector_subcore>, window_params = [{transform_indices = #map}, {transform_indices = #map1}, {transform_indices = #map}, {transform_indices = #map}, {transform_indices = #map2}, {transform_indices = #map2}]} {
    %mul3A = arith.constant 2 : i32
    %mul3A_0 = arith.muli %arg1, %mul3A : i32
    %add3A = arith.addi %mul3A_0, %arg0 : i32
    %mul3A_1 = arith.constant 640 : i32
    %mul3A_2 = arith.muli %arg1, %mul3A_1 : i32
    "tpu.region"() ({
      %run_scoped3A_177 = tpu.sem_alloc : memref<!tpu.dma_semaphore, #tpu.memory_space<semaphore_mem>>
      %dma_start3A_178 = arith.constant 0 : i32
      %dma_start3A_179 = tpu.memref_slice %arg12[%mul3A_2, %dma_start3A_178] : memref<10240x32xf32, #tpu.memory_space<vmem_shared>> -> memref<640x32xf32, #tpu.memory_space<vmem_shared>>
      tpu.enqueue_dma source(%arg4 : memref<640x32xf32, #tpu.memory_space<hbm>>) target(%dma_start3A_179 : memref<640x32xf32, #tpu.memory_space<vmem_shared>>) target_semaphore(%run_scoped3A_177 : memref<!tpu.dma_semaphore, #tpu.memory_space<semaphore_mem>>)
      %dma_wait3A_180 = arith.constant 0 : i32
      %dma_wait3A_181 = tpu.memref_slice %arg12[%mul3A_2, %dma_wait3A_180] : memref<10240x32xf32, #tpu.memory_space<vmem_shared>> -> memref<640x32xf32, #tpu.memory_space<vmem_shared>>
      tpu.wait_dma2 semaphore(%run_scoped3A_177 : memref<!tpu.dma_semaphore, #tpu.memory_space<semaphore_mem>>) src(%arg4 : memref<640x32xf32, #tpu.memory_space<hbm>>) dst(%dma_wait3A_181 : memref<640x32xf32, #tpu.memory_space<vmem_shared>>)
      tpu.yield
    }) : () -> ()
    %mul3A_3 = arith.constant 640 : i32
    %mul3A_4 = arith.muli %arg1, %mul3A_3 : i32
    "tpu.region"() ({
      %run_scoped3A_177 = tpu.sem_alloc : memref<!tpu.dma_semaphore, #tpu.memory_space<semaphore_mem>>
      %dma_start3A_178 = arith.constant 0 : i32
      %dma_start3A_179 = tpu.memref_slice %arg24[%mul3A_4, %dma_start3A_178] : memref<10240x32xf32, #tpu.memory_space<vmem_shared>> -> memref<640x32xf32, #tpu.memory_space<vmem_shared>>
      tpu.enqueue_dma source(%arg4 : memref<640x32xf32, #tpu.memory_space<hbm>>) target(%dma_start3A_179 : memref<640x32xf32, #tpu.memory_space<vmem_shared>>) target_semaphore(%run_scoped3A_177 : memref<!tpu.dma_semaphore, #tpu.memory_space<semaphore_mem>>)
      %dma_wait3A_180 = arith.constant 0 : i32
      %dma_wait3A_181 = tpu.memref_slice %arg24[%mul3A_4, %dma_wait3A_180] : memref<10240x32xf32, #tpu.memory_space<vmem_shared>> -> memref<640x32xf32, #tpu.memory_space<vmem_shared>>
      tpu.wait_dma2 semaphore(%run_scoped3A_177 : memref<!tpu.dma_semaphore, #tpu.memory_space<semaphore_mem>>) src(%arg4 : memref<640x32xf32, #tpu.memory_space<hbm>>) dst(%dma_wait3A_181 : memref<640x32xf32, #tpu.memory_space<vmem_shared>>)
      tpu.yield
    }) : () -> ()
    %mul3A_5 = arith.constant 625 : i32
    %mul3A_6 = arith.muli %arg1, %mul3A_5 : i32
    %mul3A_7 = arith.constant 625 : i32
    %mul3A_8 = arith.muli %arg1, %mul3A_7 : i32
    "tpu.region"() ({
      %run_scoped3A_177 = tpu.sem_alloc : memref<!tpu.dma_semaphore, #tpu.memory_space<semaphore_mem>>
      %dma_start3A_178 = arith.constant 0 : i32
      %dma_start3A_179 = tpu.memref_slice %arg11[%mul3A_8, %dma_start3A_178] : memref<10000x32xf32, #tpu.memory_space<vmem_shared>> -> memref<625x32xf32, #tpu.memory_space<vmem_shared>>
      %dma_start3A_180 = arith.constant 0 : i32
      %dma_start3A_181 = tpu.memref_slice %arg2[%mul3A_6, %dma_start3A_180] : memref<10000x32xf32, #tpu.memory_space<hbm>> -> memref<625x32xf32, #tpu.memory_space<hbm>>
      tpu.enqueue_dma source(%dma_start3A_181 : memref<625x32xf32, #tpu.memory_space<hbm>>) target(%dma_start3A_179 : memref<625x32xf32, #tpu.memory_space<vmem_shared>>) target_semaphore(%run_scoped3A_177 : memref<!tpu.dma_semaphore, #tpu.memory_space<semaphore_mem>>)
      %dma_wait3A_182 = arith.constant 0 : i32
      %dma_wait3A_183 = tpu.memref_slice %arg11[%mul3A_8, %dma_wait3A_182] : memref<10000x32xf32, #tpu.memory_space<vmem_shared>> -> memref<625x32xf32, #tpu.memory_space<vmem_shared>>
      %dma_wait3A_184 = arith.constant 0 : i32
      %dma_wait3A_185 = tpu.memref_slice %arg2[%mul3A_6, %dma_wait3A_184] : memref<10000x32xf32, #tpu.memory_space<hbm>> -> memref<625x32xf32, #tpu.memory_space<hbm>>
      tpu.wait_dma2 semaphore(%run_scoped3A_177 : memref<!tpu.dma_semaphore, #tpu.memory_space<semaphore_mem>>) src(%dma_wait3A_185 : memref<625x32xf32, #tpu.memory_space<hbm>>) dst(%dma_wait3A_183 : memref<625x32xf32, #tpu.memory_space<vmem_shared>>)
      tpu.yield
    }) : () -> ()
    %run_scoped3A = arith.constant 0 : i32
    "tpu.region"() ({
      %run_scoped3A_177 = tpu.sem_alloc : memref<!tpu.dma_semaphore, #tpu.memory_space<semaphore_mem>>
      %dma_start3A_178 = arith.constant 0 : i32
      %dma_start3A_179 = arith.constant 0 : i32
      %dma_start3A_180 = tpu.memref_slice %arg3[%run_scoped3A, %add3A, %dma_start3A_178, %dma_start3A_179] : memref<2x32x80x128xi32, #tpu.memory_space<hbm>> -> memref<1x1x80x128xi32, #tpu.memory_space<hbm>>
      %dma_start3A_181 = tpu.memref_squeeze %dma_start3A_180 : memref<1x1x80x128xi32, #tpu.memory_space<hbm>> -> memref<80x128xi32, #tpu.memory_space<hbm>>
      %dma_start3A_182 = arith.constant 0 : i32
      %dma_start3A_183 = arith.constant 0 : i32
      %dma_start3A_184 = tpu.memref_slice %arg3[%run_scoped3A, %add3A, %dma_start3A_182, %dma_start3A_183] : memref<2x32x80x128xi32, #tpu.memory_space<hbm>> -> memref<1x1x80x128xi32, #tpu.memory_space<hbm>>
      %dma_start3A_185 = tpu.memref_squeeze %dma_start3A_184 : memref<1x1x80x128xi32, #tpu.memory_space<hbm>> -> memref<80x128xi32, #tpu.memory_space<hbm>>
      tpu.enqueue_dma source(%dma_start3A_185 : memref<80x128xi32, #tpu.memory_space<hbm>>) target(%arg8 : memref<80x128xi32, #tpu.memory_space<vmem>>) target_semaphore(%run_scoped3A_177 : memref<!tpu.dma_semaphore, #tpu.memory_space<semaphore_mem>>)
      %dma_wait3A_186 = arith.constant 0 : i32
      %dma_wait3A_187 = arith.constant 0 : i32
      %dma_wait3A_188 = tpu.memref_slice %arg3[%run_scoped3A, %add3A, %dma_wait3A_186, %dma_wait3A_187] : memref<2x32x80x128xi32, #tpu.memory_space<hbm>> -> memref<1x1x80x128xi32, #tpu.memory_space<hbm>>
      %dma_wait3A_189 = tpu.memref_squeeze %dma_wait3A_188 : memref<1x1x80x128xi32, #tpu.memory_space<hbm>> -> memref<80x128xi32, #tpu.memory_space<hbm>>
      %dma_wait3A_190 = arith.constant 0 : i32
      %dma_wait3A_191 = arith.constant 0 : i32
      %dma_wait3A_192 = tpu.memref_slice %arg3[%run_scoped3A, %add3A, %dma_wait3A_190, %dma_wait3A_191] : memref<2x32x80x128xi32, #tpu.memory_space<hbm>> -> memref<1x1x80x128xi32, #tpu.memory_space<hbm>>
      %dma_wait3A_193 = tpu.memref_squeeze %dma_wait3A_192 : memref<1x1x80x128xi32, #tpu.memory_space<hbm>> -> memref<80x128xi32, #tpu.memory_space<hbm>>
      tpu.wait_dma2 semaphore(%run_scoped3A_177 : memref<!tpu.dma_semaphore, #tpu.memory_space<semaphore_mem>>) src(%dma_wait3A_193 : memref<80x128xi32, #tpu.memory_space<hbm>>) dst(%arg8 : memref<80x128xi32, #tpu.memory_space<vmem>>)
      tpu.yield
    }) : () -> ()
    %run_scoped3A_9 = arith.constant 1 : i32
    "tpu.region"() ({
      %run_scoped3A_177 = tpu.sem_alloc : memref<!tpu.dma_semaphore, #tpu.memory_space<semaphore_mem>>
      %dma_start3A_178 = arith.constant 0 : i32
      %dma_start3A_179 = arith.constant 0 : i32
      %dma_start3A_180 = tpu.memref_slice %arg3[%run_scoped3A_9, %add3A, %dma_start3A_178, %dma_start3A_179] : memref<2x32x80x128xi32, #tpu.memory_space<hbm>> -> memref<1x1x80x128xi32, #tpu.memory_space<hbm>>
      %dma_start3A_181 = tpu.memref_squeeze %dma_start3A_180 : memref<1x1x80x128xi32, #tpu.memory_space<hbm>> -> memref<80x128xi32, #tpu.memory_space<hbm>>
      %dma_start3A_182 = arith.constant 0 : i32
      %dma_start3A_183 = arith.constant 0 : i32
      %dma_start3A_184 = tpu.memref_slice %arg3[%run_scoped3A_9, %add3A, %dma_start3A_182, %dma_start3A_183] : memref<2x32x80x128xi32, #tpu.memory_space<hbm>> -> memref<1x1x80x128xi32, #tpu.memory_space<hbm>>
      %dma_start3A_185 = tpu.memref_squeeze %dma_start3A_184 : memref<1x1x80x128xi32, #tpu.memory_space<hbm>> -> memref<80x128xi32, #tpu.memory_space<hbm>>
      tpu.enqueue_dma source(%dma_start3A_185 : memref<80x128xi32, #tpu.memory_space<hbm>>) target(%arg9 : memref<80x128xi32, #tpu.memory_space<vmem>>) target_semaphore(%run_scoped3A_177 : memref<!tpu.dma_semaphore, #tpu.memory_space<semaphore_mem>>)
      %dma_wait3A_186 = arith.constant 0 : i32
      %dma_wait3A_187 = arith.constant 0 : i32
      %dma_wait3A_188 = tpu.memref_slice %arg3[%run_scoped3A_9, %add3A, %dma_wait3A_186, %dma_wait3A_187] : memref<2x32x80x128xi32, #tpu.memory_space<hbm>> -> memref<1x1x80x128xi32, #tpu.memory_space<hbm>>
      %dma_wait3A_189 = tpu.memref_squeeze %dma_wait3A_188 : memref<1x1x80x128xi32, #tpu.memory_space<hbm>> -> memref<80x128xi32, #tpu.memory_space<hbm>>
      %dma_wait3A_190 = arith.constant 0 : i32
      %dma_wait3A_191 = arith.constant 0 : i32
      %dma_wait3A_192 = tpu.memref_slice %arg3[%run_scoped3A_9, %add3A, %dma_wait3A_190, %dma_wait3A_191] : memref<2x32x80x128xi32, #tpu.memory_space<hbm>> -> memref<1x1x80x128xi32, #tpu.memory_space<hbm>>
      %dma_wait3A_193 = tpu.memref_squeeze %dma_wait3A_192 : memref<1x1x80x128xi32, #tpu.memory_space<hbm>> -> memref<80x128xi32, #tpu.memory_space<hbm>>
      tpu.wait_dma2 semaphore(%run_scoped3A_177 : memref<!tpu.dma_semaphore, #tpu.memory_space<semaphore_mem>>) src(%dma_wait3A_193 : memref<80x128xi32, #tpu.memory_space<hbm>>) dst(%arg9 : memref<80x128xi32, #tpu.memory_space<vmem>>)
      tpu.yield
    }) : () -> ()
    "tpu.region"() ({
      %run_scoped3A_177 = tpu.sem_alloc : memref<!tpu.dma_semaphore, #tpu.memory_space<semaphore_mem>>
      tpu.enqueue_dma source(%arg5 : memref<128x32xf32, #tpu.memory_space<hbm>>) target(%arg23 : memref<128x32xf32, #tpu.memory_space<vmem>>) target_semaphore(%run_scoped3A_177 : memref<!tpu.dma_semaphore, #tpu.memory_space<semaphore_mem>>)
      tpu.wait_dma2 semaphore(%run_scoped3A_177 : memref<!tpu.dma_semaphore, #tpu.memory_space<semaphore_mem>>) src(%arg5 : memref<128x32xf32, #tpu.memory_space<hbm>>) dst(%arg23 : memref<128x32xf32, #tpu.memory_space<vmem>>)
      tpu.yield
    }) : () -> ()
    %barrier3A = arith.constant 0 : index
    tpu.barrier barrier_id(%barrier3A)
    %dma_start3A = arith.constant 0 : i32
    %dma_start3A_10 = arith.constant 0 : i32
    %dma_start3A_11 = arith.constant 0 : i32
    %dma_start3A_12 = arith.constant 0 : i32
    %dma_start3A_13 = tpu.memref_slice %arg10[%dma_start3A_10, %dma_start3A_11, %dma_start3A_12] : memref<5x128x32xf32, #tpu.memory_space<vmem>> -> memref<1x128x32xf32, #tpu.memory_space<vmem>>
    %dma_start3A_14 = tpu.memref_squeeze %dma_start3A_13 : memref<1x128x32xf32, #tpu.memory_space<vmem>> -> memref<128x32xf32, #tpu.memory_space<vmem>>
    %dma_start3A_15 = arith.constant 0 : i32
    %dma_start3A_16 = tpu.memref_slice %arg8[%dma_start3A, %dma_start3A_15] : memref<80x128xi32, #tpu.memory_space<vmem>> -> memref<1x128xi32, #tpu.memory_space<vmem>>
    %dma_start3A_17 = tpu.memref_squeeze %dma_start3A_16 : memref<1x128xi32, #tpu.memory_space<vmem>> -> memref<128xi32, #tpu.memory_space<vmem>>
    %dma_start3A_18 = arith.constant 0 : i32
    %dma_start3A_19 = arith.constant 0 : i32
    %dma_start3A_20 = tpu.memref_slice %arg11[%dma_start3A_18, %dma_start3A_19] : memref<10000x32xf32, #tpu.memory_space<vmem_shared>> -> memref<10000x32xf32, #tpu.memory_space<vmem_shared>>
    tpu.enqueue_indirect_dma source(%dma_start3A_20 : memref<10000x32xf32, #tpu.memory_space<vmem_shared>>) target(%dma_start3A_14 : memref<128x32xf32, #tpu.memory_space<vmem>>) offsets(%dma_start3A_17 : memref<128xi32, #tpu.memory_space<vmem>>) semaphore(%arg13 : memref<!tpu.dma_semaphore, #tpu.memory_space<semaphore_mem>>)
    %dma_start3A_21 = arith.constant 1 : i32
    %dma_start3A_22 = arith.constant 1 : i32
    %dma_start3A_23 = arith.constant 0 : i32
    %dma_start3A_24 = arith.constant 0 : i32
    %dma_start3A_25 = tpu.memref_slice %arg10[%dma_start3A_22, %dma_start3A_23, %dma_start3A_24] : memref<5x128x32xf32, #tpu.memory_space<vmem>> -> memref<1x128x32xf32, #tpu.memory_space<vmem>>
    %dma_start3A_26 = tpu.memref_squeeze %dma_start3A_25 : memref<1x128x32xf32, #tpu.memory_space<vmem>> -> memref<128x32xf32, #tpu.memory_space<vmem>>
    %dma_start3A_27 = arith.constant 0 : i32
    %dma_start3A_28 = tpu.memref_slice %arg8[%dma_start3A_21, %dma_start3A_27] : memref<80x128xi32, #tpu.memory_space<vmem>> -> memref<1x128xi32, #tpu.memory_space<vmem>>
    %dma_start3A_29 = tpu.memref_squeeze %dma_start3A_28 : memref<1x128xi32, #tpu.memory_space<vmem>> -> memref<128xi32, #tpu.memory_space<vmem>>
    %dma_start3A_30 = arith.constant 0 : i32
    %dma_start3A_31 = arith.constant 0 : i32
    %dma_start3A_32 = tpu.memref_slice %arg11[%dma_start3A_30, %dma_start3A_31] : memref<10000x32xf32, #tpu.memory_space<vmem_shared>> -> memref<10000x32xf32, #tpu.memory_space<vmem_shared>>
    tpu.enqueue_indirect_dma source(%dma_start3A_32 : memref<10000x32xf32, #tpu.memory_space<vmem_shared>>) target(%dma_start3A_26 : memref<128x32xf32, #tpu.memory_space<vmem>>) offsets(%dma_start3A_29 : memref<128xi32, #tpu.memory_space<vmem>>) semaphore(%arg14 : memref<!tpu.dma_semaphore, #tpu.memory_space<semaphore_mem>>)
    %dma_start3A_33 = arith.constant 2 : i32
    %dma_start3A_34 = arith.constant 2 : i32
    %dma_start3A_35 = arith.constant 0 : i32
    %dma_start3A_36 = arith.constant 0 : i32
    %dma_start3A_37 = tpu.memref_slice %arg10[%dma_start3A_34, %dma_start3A_35, %dma_start3A_36] : memref<5x128x32xf32, #tpu.memory_space<vmem>> -> memref<1x128x32xf32, #tpu.memory_space<vmem>>
    %dma_start3A_38 = tpu.memref_squeeze %dma_start3A_37 : memref<1x128x32xf32, #tpu.memory_space<vmem>> -> memref<128x32xf32, #tpu.memory_space<vmem>>
    %dma_start3A_39 = arith.constant 0 : i32
    %dma_start3A_40 = tpu.memref_slice %arg8[%dma_start3A_33, %dma_start3A_39] : memref<80x128xi32, #tpu.memory_space<vmem>> -> memref<1x128xi32, #tpu.memory_space<vmem>>
    %dma_start3A_41 = tpu.memref_squeeze %dma_start3A_40 : memref<1x128xi32, #tpu.memory_space<vmem>> -> memref<128xi32, #tpu.memory_space<vmem>>
    %dma_start3A_42 = arith.constant 0 : i32
    %dma_start3A_43 = arith.constant 0 : i32
    %dma_start3A_44 = tpu.memref_slice %arg11[%dma_start3A_42, %dma_start3A_43] : memref<10000x32xf32, #tpu.memory_space<vmem_shared>> -> memref<10000x32xf32, #tpu.memory_space<vmem_shared>>
    tpu.enqueue_indirect_dma source(%dma_start3A_44 : memref<10000x32xf32, #tpu.memory_space<vmem_shared>>) target(%dma_start3A_38 : memref<128x32xf32, #tpu.memory_space<vmem>>) offsets(%dma_start3A_41 : memref<128xi32, #tpu.memory_space<vmem>>) semaphore(%arg15 : memref<!tpu.dma_semaphore, #tpu.memory_space<semaphore_mem>>)
    %dma_start3A_45 = arith.constant 3 : i32
    %dma_start3A_46 = arith.constant 3 : i32
    %dma_start3A_47 = arith.constant 0 : i32
    %dma_start3A_48 = arith.constant 0 : i32
    %dma_start3A_49 = tpu.memref_slice %arg10[%dma_start3A_46, %dma_start3A_47, %dma_start3A_48] : memref<5x128x32xf32, #tpu.memory_space<vmem>> -> memref<1x128x32xf32, #tpu.memory_space<vmem>>
    %dma_start3A_50 = tpu.memref_squeeze %dma_start3A_49 : memref<1x128x32xf32, #tpu.memory_space<vmem>> -> memref<128x32xf32, #tpu.memory_space<vmem>>
    %dma_start3A_51 = arith.constant 0 : i32
    %dma_start3A_52 = tpu.memref_slice %arg8[%dma_start3A_45, %dma_start3A_51] : memref<80x128xi32, #tpu.memory_space<vmem>> -> memref<1x128xi32, #tpu.memory_space<vmem>>
    %dma_start3A_53 = tpu.memref_squeeze %dma_start3A_52 : memref<1x128xi32, #tpu.memory_space<vmem>> -> memref<128xi32, #tpu.memory_space<vmem>>
    %dma_start3A_54 = arith.constant 0 : i32
    %dma_start3A_55 = arith.constant 0 : i32
    %dma_start3A_56 = tpu.memref_slice %arg11[%dma_start3A_54, %dma_start3A_55] : memref<10000x32xf32, #tpu.memory_space<vmem_shared>> -> memref<10000x32xf32, #tpu.memory_space<vmem_shared>>
    tpu.enqueue_indirect_dma source(%dma_start3A_56 : memref<10000x32xf32, #tpu.memory_space<vmem_shared>>) target(%dma_start3A_50 : memref<128x32xf32, #tpu.memory_space<vmem>>) offsets(%dma_start3A_53 : memref<128xi32, #tpu.memory_space<vmem>>) semaphore(%arg16 : memref<!tpu.dma_semaphore, #tpu.memory_space<semaphore_mem>>)
    %dma_start3A_57 = arith.constant 4 : i32
    %dma_start3A_58 = arith.constant 4 : i32
    %dma_start3A_59 = arith.constant 0 : i32
    %dma_start3A_60 = arith.constant 0 : i32
    %dma_start3A_61 = tpu.memref_slice %arg10[%dma_start3A_58, %dma_start3A_59, %dma_start3A_60] : memref<5x128x32xf32, #tpu.memory_space<vmem>> -> memref<1x128x32xf32, #tpu.memory_space<vmem>>
    %dma_start3A_62 = tpu.memref_squeeze %dma_start3A_61 : memref<1x128x32xf32, #tpu.memory_space<vmem>> -> memref<128x32xf32, #tpu.memory_space<vmem>>
    %dma_start3A_63 = arith.constant 0 : i32
    %dma_start3A_64 = tpu.memref_slice %arg8[%dma_start3A_57, %dma_start3A_63] : memref<80x128xi32, #tpu.memory_space<vmem>> -> memref<1x128xi32, #tpu.memory_space<vmem>>
    %dma_start3A_65 = tpu.memref_squeeze %dma_start3A_64 : memref<1x128xi32, #tpu.memory_space<vmem>> -> memref<128xi32, #tpu.memory_space<vmem>>
    %dma_start3A_66 = arith.constant 0 : i32
    %dma_start3A_67 = arith.constant 0 : i32
    %dma_start3A_68 = tpu.memref_slice %arg11[%dma_start3A_66, %dma_start3A_67] : memref<10000x32xf32, #tpu.memory_space<vmem_shared>> -> memref<10000x32xf32, #tpu.memory_space<vmem_shared>>
    tpu.enqueue_indirect_dma source(%dma_start3A_68 : memref<10000x32xf32, #tpu.memory_space<vmem_shared>>) target(%dma_start3A_62 : memref<128x32xf32, #tpu.memory_space<vmem>>) offsets(%dma_start3A_65 : memref<128xi32, #tpu.memory_space<vmem>>) semaphore(%arg17 : memref<!tpu.dma_semaphore, #tpu.memory_space<semaphore_mem>>)
    %scan3A = arith.constant 0 : i32
    %scan3A_69 = arith.constant 0 : i32
    %scan3A_70 = arith.constant 16 : i32
    %scan3A_71 = arith.addi %scan3A_69, %scan3A_70 : i32
    %scan3A_72 = arith.constant 1 : i32
    scf.for %scan3A_177 = %scan3A_69 to %scan3A_71 step %scan3A_72  : i32 {
      %mul3A_178 = arith.constant 5 : i32
      %mul3A_179 = arith.muli %scan3A_177, %mul3A_178 : i32
      %add3A_180 = arith.constant 0 : i32
      %add3A_181 = arith.addi %mul3A_179, %add3A_180 : i32
      %dma_wait3A_182 = arith.constant 0 : i32
      %dma_wait3A_183 = arith.constant 0 : i32
      %dma_wait3A_184 = arith.constant 0 : i32
      %dma_wait3A_185 = tpu.memref_slice %arg10[%dma_wait3A_182, %dma_wait3A_183, %dma_wait3A_184] : memref<5x128x32xf32, #tpu.memory_space<vmem>> -> memref<1x128x32xf32, #tpu.memory_space<vmem>>
      %dma_wait3A_186 = tpu.memref_squeeze %dma_wait3A_185 : memref<1x128x32xf32, #tpu.memory_space<vmem>> -> memref<128x32xf32, #tpu.memory_space<vmem>>
      %dma_wait3A_187 = arith.constant 0 : i32
      %dma_wait3A_188 = arith.constant 0 : i32
      %dma_wait3A_189 = tpu.memref_slice %arg2[%dma_wait3A_187, %dma_wait3A_188] : memref<10000x32xf32, #tpu.memory_space<hbm>> -> memref<128x32xf32, #tpu.memory_space<hbm>>
      %dma_wait3A_190 = arith.constant 0 : i32
      %dma_wait3A_191 = arith.constant 0 : i32
      %dma_wait3A_192 = tpu.memref_slice %arg10[%dma_wait3A_182, %dma_wait3A_190, %dma_wait3A_191] : memref<5x128x32xf32, #tpu.memory_space<vmem>> -> memref<1x128x32xf32, #tpu.memory_space<vmem>>
      %dma_wait3A_193 = tpu.memref_squeeze %dma_wait3A_192 : memref<1x128x32xf32, #tpu.memory_space<vmem>> -> memref<128x32xf32, #tpu.memory_space<vmem>>
      %dma_wait3A_194 = arith.constant 0 : i32
      %dma_wait3A_195 = arith.constant 0 : i32
      %dma_wait3A_196 = tpu.memref_slice %arg2[%dma_wait3A_194, %dma_wait3A_195] : memref<10000x32xf32, #tpu.memory_space<hbm>> -> memref<128x32xf32, #tpu.memory_space<hbm>>
      tpu.wait_dma2 semaphore(%arg13 : memref<!tpu.dma_semaphore, #tpu.memory_space<semaphore_mem>>) src(%dma_wait3A_196 : memref<128x32xf32, #tpu.memory_space<hbm>>) dst(%dma_wait3A_193 : memref<128x32xf32, #tpu.memory_space<vmem>>)
      %dma_start3A_197 = arith.constant 0 : i32
      %dma_start3A_198 = arith.constant 0 : i32
      %dma_start3A_199 = arith.constant 0 : i32
      %dma_start3A_200 = tpu.memref_slice %arg10[%dma_start3A_197, %dma_start3A_198, %dma_start3A_199] : memref<5x128x32xf32, #tpu.memory_space<vmem>> -> memref<1x128x32xf32, #tpu.memory_space<vmem>>
      %dma_start3A_201 = tpu.memref_squeeze %dma_start3A_200 : memref<1x128x32xf32, #tpu.memory_space<vmem>> -> memref<128x32xf32, #tpu.memory_space<vmem>>
      %dma_start3A_202 = arith.constant 0 : i32
      %dma_start3A_203 = tpu.memref_slice %arg9[%add3A_181, %dma_start3A_202] : memref<80x128xi32, #tpu.memory_space<vmem>> -> memref<1x128xi32, #tpu.memory_space<vmem>>
      %dma_start3A_204 = tpu.memref_squeeze %dma_start3A_203 : memref<1x128xi32, #tpu.memory_space<vmem>> -> memref<128xi32, #tpu.memory_space<vmem>>
      %dma_start3A_205 = arith.constant 0 : i32
      %dma_start3A_206 = arith.constant 0 : i32
      %dma_start3A_207 = tpu.memref_slice %arg12[%dma_start3A_205, %dma_start3A_206] : memref<10240x32xf32, #tpu.memory_space<vmem_shared>> -> memref<10240x32xf32, #tpu.memory_space<vmem_shared>>
      tpu.enqueue_indirect_dma source(%dma_start3A_201 : memref<128x32xf32, #tpu.memory_space<vmem>>) target(%dma_start3A_207 : memref<10240x32xf32, #tpu.memory_space<vmem_shared>>) offsets(%dma_start3A_204 : memref<128xi32, #tpu.memory_space<vmem>>) semaphore(%arg18 : memref<!tpu.dma_semaphore, #tpu.memory_space<semaphore_mem>>) {add = true}
      %dma_start3A_208 = arith.constant 0 : i32
      %dma_start3A_209 = tpu.memref_slice %arg9[%add3A_181, %dma_start3A_208] : memref<80x128xi32, #tpu.memory_space<vmem>> -> memref<1x128xi32, #tpu.memory_space<vmem>>
      %dma_start3A_210 = tpu.memref_squeeze %dma_start3A_209 : memref<1x128xi32, #tpu.memory_space<vmem>> -> memref<128xi32, #tpu.memory_space<vmem>>
      %dma_start3A_211 = arith.constant 0 : i32
      %dma_start3A_212 = arith.constant 0 : i32
      %dma_start3A_213 = tpu.memref_slice %arg24[%dma_start3A_211, %dma_start3A_212] : memref<10240x32xf32, #tpu.memory_space<vmem_shared>> -> memref<10240x32xf32, #tpu.memory_space<vmem_shared>>
      tpu.enqueue_indirect_dma source(%arg23 : memref<128x32xf32, #tpu.memory_space<vmem>>) target(%dma_start3A_213 : memref<10240x32xf32, #tpu.memory_space<vmem_shared>>) offsets(%dma_start3A_210 : memref<128xi32, #tpu.memory_space<vmem>>) semaphore(%arg25 : memref<!tpu.dma_semaphore, #tpu.memory_space<semaphore_mem>>) {add = true}
      %ge3A = arith.constant 1 : i32
      %ge3A_214 = arith.cmpi sge, %scan3A_177, %ge3A : i32
      %convert_element_type3A = arith.extui %ge3A_214 : i1 to i32
      %cond3A = arith.constant 0 : i32
      %cond3A_215 = arith.cmpi ne, %convert_element_type3A, %cond3A : i32
      scf.if %cond3A_215 {
        %dma_wait3A_404 = arith.constant 0 : i32
        %dma_wait3A_405 = arith.constant 0 : i32
        %dma_wait3A_406 = tpu.memref_slice %arg9[%dma_wait3A_404, %dma_wait3A_405] : memref<80x128xi32, #tpu.memory_space<vmem>> -> memref<1x128xi32, #tpu.memory_space<vmem>>
        %dma_wait3A_407 = tpu.memref_squeeze %dma_wait3A_406 : memref<1x128xi32, #tpu.memory_space<vmem>> -> memref<128xi32, #tpu.memory_space<vmem>>
        %dma_wait3A_408 = arith.constant 0 : i32
        %dma_wait3A_409 = arith.constant 0 : i32
        %dma_wait3A_410 = tpu.memref_slice %arg24[%dma_wait3A_408, %dma_wait3A_409] : memref<10240x32xf32, #tpu.memory_space<vmem_shared>> -> memref<10240x32xf32, #tpu.memory_space<vmem_shared>>
        tpu.wait_indirect_dma semaphore(%arg25 : memref<!tpu.dma_semaphore, #tpu.memory_space<semaphore_mem>>) src(%arg23 : memref<128x32xf32, #tpu.memory_space<vmem>>) dst(%dma_wait3A_410 : memref<10240x32xf32, #tpu.memory_space<vmem_shared>>)
      } else {
      }
      %ge3A_216 = arith.constant 1 : i32
      %ge3A_217 = arith.cmpi sge, %scan3A_177, %ge3A_216 : i32
      %convert_element_type3A_218 = arith.extui %ge3A_217 : i1 to i32
      %cond3A_219 = arith.constant 0 : i32
      %cond3A_220 = arith.cmpi ne, %convert_element_type3A_218, %cond3A_219 : i32
      scf.if %cond3A_220 {
        %sub3A = arith.constant 1 : i32
        %sub3A_404 = arith.subi %add3A_181, %sub3A : i32
        %dma_wait3A_405 = arith.constant 4 : i32
        %dma_wait3A_406 = arith.constant 0 : i32
        %dma_wait3A_407 = arith.constant 0 : i32
        %dma_wait3A_408 = tpu.memref_slice %arg10[%dma_wait3A_405, %dma_wait3A_406, %dma_wait3A_407] : memref<5x128x32xf32, #tpu.memory_space<vmem>> -> memref<1x128x32xf32, #tpu.memory_space<vmem>>
        %dma_wait3A_409 = tpu.memref_squeeze %dma_wait3A_408 : memref<1x128x32xf32, #tpu.memory_space<vmem>> -> memref<128x32xf32, #tpu.memory_space<vmem>>
        %dma_wait3A_410 = arith.constant 0 : i32
        %dma_wait3A_411 = tpu.memref_slice %arg9[%sub3A_404, %dma_wait3A_410] : memref<80x128xi32, #tpu.memory_space<vmem>> -> memref<1x128xi32, #tpu.memory_space<vmem>>
        %dma_wait3A_412 = tpu.memref_squeeze %dma_wait3A_411 : memref<1x128xi32, #tpu.memory_space<vmem>> -> memref<128xi32, #tpu.memory_space<vmem>>
        %dma_wait3A_413 = arith.constant 0 : i32
        %dma_wait3A_414 = arith.constant 0 : i32
        %dma_wait3A_415 = tpu.memref_slice %arg12[%dma_wait3A_413, %dma_wait3A_414] : memref<10240x32xf32, #tpu.memory_space<vmem_shared>> -> memref<10240x32xf32, #tpu.memory_space<vmem_shared>>
        tpu.wait_indirect_dma semaphore(%arg22 : memref<!tpu.dma_semaphore, #tpu.memory_space<semaphore_mem>>) src(%dma_wait3A_409 : memref<128x32xf32, #tpu.memory_space<vmem>>) dst(%dma_wait3A_415 : memref<10240x32xf32, #tpu.memory_space<vmem_shared>>)
        %add3A_416 = arith.constant 5 : i32
        %add3A_417 = arith.addi %sub3A_404, %add3A_416 : i32
        %dma_start3A_418 = arith.constant 4 : i32
        %dma_start3A_419 = arith.constant 0 : i32
        %dma_start3A_420 = arith.constant 0 : i32
        %dma_start3A_421 = tpu.memref_slice %arg10[%dma_start3A_418, %dma_start3A_419, %dma_start3A_420] : memref<5x128x32xf32, #tpu.memory_space<vmem>> -> memref<1x128x32xf32, #tpu.memory_space<vmem>>
        %dma_start3A_422 = tpu.memref_squeeze %dma_start3A_421 : memref<1x128x32xf32, #tpu.memory_space<vmem>> -> memref<128x32xf32, #tpu.memory_space<vmem>>
        %dma_start3A_423 = arith.constant 0 : i32
        %dma_start3A_424 = tpu.memref_slice %arg8[%add3A_417, %dma_start3A_423] : memref<80x128xi32, #tpu.memory_space<vmem>> -> memref<1x128xi32, #tpu.memory_space<vmem>>
        %dma_start3A_425 = tpu.memref_squeeze %dma_start3A_424 : memref<1x128xi32, #tpu.memory_space<vmem>> -> memref<128xi32, #tpu.memory_space<vmem>>
        %dma_start3A_426 = arith.constant 0 : i32
        %dma_start3A_427 = arith.constant 0 : i32
        %dma_start3A_428 = tpu.memref_slice %arg11[%dma_start3A_426, %dma_start3A_427] : memref<10000x32xf32, #tpu.memory_space<vmem_shared>> -> memref<10000x32xf32, #tpu.memory_space<vmem_shared>>
        tpu.enqueue_indirect_dma source(%dma_start3A_428 : memref<10000x32xf32, #tpu.memory_space<vmem_shared>>) target(%dma_start3A_422 : memref<128x32xf32, #tpu.memory_space<vmem>>) offsets(%dma_start3A_425 : memref<128xi32, #tpu.memory_space<vmem>>) semaphore(%arg17 : memref<!tpu.dma_semaphore, #tpu.memory_space<semaphore_mem>>)
      } else {
      }
      %mul3A_221 = arith.constant 5 : i32
      %mul3A_222 = arith.muli %scan3A_177, %mul3A_221 : i32
      %add3A_223 = arith.constant 1 : i32
      %add3A_224 = arith.addi %mul3A_222, %add3A_223 : i32
      %dma_wait3A_225 = arith.constant 1 : i32
      %dma_wait3A_226 = arith.constant 0 : i32
      %dma_wait3A_227 = arith.constant 0 : i32
      %dma_wait3A_228 = tpu.memref_slice %arg10[%dma_wait3A_225, %dma_wait3A_226, %dma_wait3A_227] : memref<5x128x32xf32, #tpu.memory_space<vmem>> -> memref<1x128x32xf32, #tpu.memory_space<vmem>>
      %dma_wait3A_229 = tpu.memref_squeeze %dma_wait3A_228 : memref<1x128x32xf32, #tpu.memory_space<vmem>> -> memref<128x32xf32, #tpu.memory_space<vmem>>
      %dma_wait3A_230 = arith.constant 0 : i32
      %dma_wait3A_231 = arith.constant 0 : i32
      %dma_wait3A_232 = tpu.memref_slice %arg2[%dma_wait3A_230, %dma_wait3A_231] : memref<10000x32xf32, #tpu.memory_space<hbm>> -> memref<128x32xf32, #tpu.memory_space<hbm>>
      %dma_wait3A_233 = arith.constant 0 : i32
      %dma_wait3A_234 = arith.constant 0 : i32
      %dma_wait3A_235 = tpu.memref_slice %arg10[%dma_wait3A_225, %dma_wait3A_233, %dma_wait3A_234] : memref<5x128x32xf32, #tpu.memory_space<vmem>> -> memref<1x128x32xf32, #tpu.memory_space<vmem>>
      %dma_wait3A_236 = tpu.memref_squeeze %dma_wait3A_235 : memref<1x128x32xf32, #tpu.memory_space<vmem>> -> memref<128x32xf32, #tpu.memory_space<vmem>>
      %dma_wait3A_237 = arith.constant 0 : i32
      %dma_wait3A_238 = arith.constant 0 : i32
      %dma_wait3A_239 = tpu.memref_slice %arg2[%dma_wait3A_237, %dma_wait3A_238] : memref<10000x32xf32, #tpu.memory_space<hbm>> -> memref<128x32xf32, #tpu.memory_space<hbm>>
      tpu.wait_dma2 semaphore(%arg14 : memref<!tpu.dma_semaphore, #tpu.memory_space<semaphore_mem>>) src(%dma_wait3A_239 : memref<128x32xf32, #tpu.memory_space<hbm>>) dst(%dma_wait3A_236 : memref<128x32xf32, #tpu.memory_space<vmem>>)
      %dma_start3A_240 = arith.constant 1 : i32
      %dma_start3A_241 = arith.constant 0 : i32
      %dma_start3A_242 = arith.constant 0 : i32
      %dma_start3A_243 = tpu.memref_slice %arg10[%dma_start3A_240, %dma_start3A_241, %dma_start3A_242] : memref<5x128x32xf32, #tpu.memory_space<vmem>> -> memref<1x128x32xf32, #tpu.memory_space<vmem>>
      %dma_start3A_244 = tpu.memref_squeeze %dma_start3A_243 : memref<1x128x32xf32, #tpu.memory_space<vmem>> -> memref<128x32xf32, #tpu.memory_space<vmem>>
      %dma_start3A_245 = arith.constant 0 : i32
      %dma_start3A_246 = tpu.memref_slice %arg9[%add3A_224, %dma_start3A_245] : memref<80x128xi32, #tpu.memory_space<vmem>> -> memref<1x128xi32, #tpu.memory_space<vmem>>
      %dma_start3A_247 = tpu.memref_squeeze %dma_start3A_246 : memref<1x128xi32, #tpu.memory_space<vmem>> -> memref<128xi32, #tpu.memory_space<vmem>>
      %dma_start3A_248 = arith.constant 0 : i32
      %dma_start3A_249 = arith.constant 0 : i32
      %dma_start3A_250 = tpu.memref_slice %arg12[%dma_start3A_248, %dma_start3A_249] : memref<10240x32xf32, #tpu.memory_space<vmem_shared>> -> memref<10240x32xf32, #tpu.memory_space<vmem_shared>>
      tpu.enqueue_indirect_dma source(%dma_start3A_244 : memref<128x32xf32, #tpu.memory_space<vmem>>) target(%dma_start3A_250 : memref<10240x32xf32, #tpu.memory_space<vmem_shared>>) offsets(%dma_start3A_247 : memref<128xi32, #tpu.memory_space<vmem>>) semaphore(%arg19 : memref<!tpu.dma_semaphore, #tpu.memory_space<semaphore_mem>>) {add = true}
      %dma_start3A_251 = arith.constant 0 : i32
      %dma_start3A_252 = tpu.memref_slice %arg9[%add3A_224, %dma_start3A_251] : memref<80x128xi32, #tpu.memory_space<vmem>> -> memref<1x128xi32, #tpu.memory_space<vmem>>
      %dma_start3A_253 = tpu.memref_squeeze %dma_start3A_252 : memref<1x128xi32, #tpu.memory_space<vmem>> -> memref<128xi32, #tpu.memory_space<vmem>>
      %dma_start3A_254 = arith.constant 0 : i32
      %dma_start3A_255 = arith.constant 0 : i32
      %dma_start3A_256 = tpu.memref_slice %arg24[%dma_start3A_254, %dma_start3A_255] : memref<10240x32xf32, #tpu.memory_space<vmem_shared>> -> memref<10240x32xf32, #tpu.memory_space<vmem_shared>>
      tpu.enqueue_indirect_dma source(%arg23 : memref<128x32xf32, #tpu.memory_space<vmem>>) target(%dma_start3A_256 : memref<10240x32xf32, #tpu.memory_space<vmem_shared>>) offsets(%dma_start3A_253 : memref<128xi32, #tpu.memory_space<vmem>>) semaphore(%arg25 : memref<!tpu.dma_semaphore, #tpu.memory_space<semaphore_mem>>) {add = true}
      %ge3A_257 = arith.constant 1 : i32
      %ge3A_258 = arith.cmpi sge, %scan3A_177, %ge3A_257 : i32
      %convert_element_type3A_259 = arith.extui %ge3A_258 : i1 to i32
      %cond3A_260 = arith.constant 0 : i32
      %cond3A_261 = arith.cmpi ne, %convert_element_type3A_259, %cond3A_260 : i32
      scf.if %cond3A_261 {
        %dma_wait3A_404 = arith.constant 0 : i32
        %dma_wait3A_405 = arith.constant 0 : i32
        %dma_wait3A_406 = tpu.memref_slice %arg9[%dma_wait3A_404, %dma_wait3A_405] : memref<80x128xi32, #tpu.memory_space<vmem>> -> memref<1x128xi32, #tpu.memory_space<vmem>>
        %dma_wait3A_407 = tpu.memref_squeeze %dma_wait3A_406 : memref<1x128xi32, #tpu.memory_space<vmem>> -> memref<128xi32, #tpu.memory_space<vmem>>
        %dma_wait3A_408 = arith.constant 0 : i32
        %dma_wait3A_409 = arith.constant 0 : i32
        %dma_wait3A_410 = tpu.memref_slice %arg24[%dma_wait3A_408, %dma_wait3A_409] : memref<10240x32xf32, #tpu.memory_space<vmem_shared>> -> memref<10240x32xf32, #tpu.memory_space<vmem_shared>>
        tpu.wait_indirect_dma semaphore(%arg25 : memref<!tpu.dma_semaphore, #tpu.memory_space<semaphore_mem>>) src(%arg23 : memref<128x32xf32, #tpu.memory_space<vmem>>) dst(%dma_wait3A_410 : memref<10240x32xf32, #tpu.memory_space<vmem_shared>>)
      } else {
      }
      %le3A = arith.constant 14 : i32
      %le3A_262 = arith.cmpi sle, %scan3A_177, %le3A : i32
      %convert_element_type3A_263 = arith.extui %le3A_262 : i1 to i32
      %cond3A_264 = arith.constant 0 : i32
      %cond3A_265 = arith.cmpi ne, %convert_element_type3A_263, %cond3A_264 : i32
      scf.if %cond3A_265 {
        %sub3A = arith.constant 1 : i32
        %sub3A_404 = arith.subi %add3A_224, %sub3A : i32
        %dma_wait3A_405 = arith.constant 0 : i32
        %dma_wait3A_406 = arith.constant 0 : i32
        %dma_wait3A_407 = arith.constant 0 : i32
        %dma_wait3A_408 = tpu.memref_slice %arg10[%dma_wait3A_405, %dma_wait3A_406, %dma_wait3A_407] : memref<5x128x32xf32, #tpu.memory_space<vmem>> -> memref<1x128x32xf32, #tpu.memory_space<vmem>>
        %dma_wait3A_409 = tpu.memref_squeeze %dma_wait3A_408 : memref<1x128x32xf32, #tpu.memory_space<vmem>> -> memref<128x32xf32, #tpu.memory_space<vmem>>
        %dma_wait3A_410 = arith.constant 0 : i32
        %dma_wait3A_411 = tpu.memref_slice %arg9[%sub3A_404, %dma_wait3A_410] : memref<80x128xi32, #tpu.memory_space<vmem>> -> memref<1x128xi32, #tpu.memory_space<vmem>>
        %dma_wait3A_412 = tpu.memref_squeeze %dma_wait3A_411 : memref<1x128xi32, #tpu.memory_space<vmem>> -> memref<128xi32, #tpu.memory_space<vmem>>
        %dma_wait3A_413 = arith.constant 0 : i32
        %dma_wait3A_414 = arith.constant 0 : i32
        %dma_wait3A_415 = tpu.memref_slice %arg12[%dma_wait3A_413, %dma_wait3A_414] : memref<10240x32xf32, #tpu.memory_space<vmem_shared>> -> memref<10240x32xf32, #tpu.memory_space<vmem_shared>>
        tpu.wait_indirect_dma semaphore(%arg18 : memref<!tpu.dma_semaphore, #tpu.memory_space<semaphore_mem>>) src(%dma_wait3A_409 : memref<128x32xf32, #tpu.memory_space<vmem>>) dst(%dma_wait3A_415 : memref<10240x32xf32, #tpu.memory_space<vmem_shared>>)
        %add3A_416 = arith.constant 5 : i32
        %add3A_417 = arith.addi %sub3A_404, %add3A_416 : i32
        %dma_start3A_418 = arith.constant 0 : i32
        %dma_start3A_419 = arith.constant 0 : i32
        %dma_start3A_420 = arith.constant 0 : i32
        %dma_start3A_421 = tpu.memref_slice %arg10[%dma_start3A_418, %dma_start3A_419, %dma_start3A_420] : memref<5x128x32xf32, #tpu.memory_space<vmem>> -> memref<1x128x32xf32, #tpu.memory_space<vmem>>
        %dma_start3A_422 = tpu.memref_squeeze %dma_start3A_421 : memref<1x128x32xf32, #tpu.memory_space<vmem>> -> memref<128x32xf32, #tpu.memory_space<vmem>>
        %dma_start3A_423 = arith.constant 0 : i32
        %dma_start3A_424 = tpu.memref_slice %arg8[%add3A_417, %dma_start3A_423] : memref<80x128xi32, #tpu.memory_space<vmem>> -> memref<1x128xi32, #tpu.memory_space<vmem>>
        %dma_start3A_425 = tpu.memref_squeeze %dma_start3A_424 : memref<1x128xi32, #tpu.memory_space<vmem>> -> memref<128xi32, #tpu.memory_space<vmem>>
        %dma_start3A_426 = arith.constant 0 : i32
        %dma_start3A_427 = arith.constant 0 : i32
        %dma_start3A_428 = tpu.memref_slice %arg11[%dma_start3A_426, %dma_start3A_427] : memref<10000x32xf32, #tpu.memory_space<vmem_shared>> -> memref<10000x32xf32, #tpu.memory_space<vmem_shared>>
        tpu.enqueue_indirect_dma source(%dma_start3A_428 : memref<10000x32xf32, #tpu.memory_space<vmem_shared>>) target(%dma_start3A_422 : memref<128x32xf32, #tpu.memory_space<vmem>>) offsets(%dma_start3A_425 : memref<128xi32, #tpu.memory_space<vmem>>) semaphore(%arg13 : memref<!tpu.dma_semaphore, #tpu.memory_space<semaphore_mem>>)
      } else {
      }
      %mul3A_266 = arith.constant 5 : i32
      %mul3A_267 = arith.muli %scan3A_177, %mul3A_266 : i32
      %add3A_268 = arith.constant 2 : i32
      %add3A_269 = arith.addi %mul3A_267, %add3A_268 : i32
      %dma_wait3A_270 = arith.constant 2 : i32
      %dma_wait3A_271 = arith.constant 0 : i32
      %dma_wait3A_272 = arith.constant 0 : i32
      %dma_wait3A_273 = tpu.memref_slice %arg10[%dma_wait3A_270, %dma_wait3A_271, %dma_wait3A_272] : memref<5x128x32xf32, #tpu.memory_space<vmem>> -> memref<1x128x32xf32, #tpu.memory_space<vmem>>
      %dma_wait3A_274 = tpu.memref_squeeze %dma_wait3A_273 : memref<1x128x32xf32, #tpu.memory_space<vmem>> -> memref<128x32xf32, #tpu.memory_space<vmem>>
      %dma_wait3A_275 = arith.constant 0 : i32
      %dma_wait3A_276 = arith.constant 0 : i32
      %dma_wait3A_277 = tpu.memref_slice %arg2[%dma_wait3A_275, %dma_wait3A_276] : memref<10000x32xf32, #tpu.memory_space<hbm>> -> memref<128x32xf32, #tpu.memory_space<hbm>>
      %dma_wait3A_278 = arith.constant 0 : i32
      %dma_wait3A_279 = arith.constant 0 : i32
      %dma_wait3A_280 = tpu.memref_slice %arg10[%dma_wait3A_270, %dma_wait3A_278, %dma_wait3A_279] : memref<5x128x32xf32, #tpu.memory_space<vmem>> -> memref<1x128x32xf32, #tpu.memory_space<vmem>>
      %dma_wait3A_281 = tpu.memref_squeeze %dma_wait3A_280 : memref<1x128x32xf32, #tpu.memory_space<vmem>> -> memref<128x32xf32, #tpu.memory_space<vmem>>
      %dma_wait3A_282 = arith.constant 0 : i32
      %dma_wait3A_283 = arith.constant 0 : i32
      %dma_wait3A_284 = tpu.memref_slice %arg2[%dma_wait3A_282, %dma_wait3A_283] : memref<10000x32xf32, #tpu.memory_space<hbm>> -> memref<128x32xf32, #tpu.memory_space<hbm>>
      tpu.wait_dma2 semaphore(%arg15 : memref<!tpu.dma_semaphore, #tpu.memory_space<semaphore_mem>>) src(%dma_wait3A_284 : memref<128x32xf32, #tpu.memory_space<hbm>>) dst(%dma_wait3A_281 : memref<128x32xf32, #tpu.memory_space<vmem>>)
      %dma_start3A_285 = arith.constant 2 : i32
      %dma_start3A_286 = arith.constant 0 : i32
      %dma_start3A_287 = arith.constant 0 : i32
      %dma_start3A_288 = tpu.memref_slice %arg10[%dma_start3A_285, %dma_start3A_286, %dma_start3A_287] : memref<5x128x32xf32, #tpu.memory_space<vmem>> -> memref<1x128x32xf32, #tpu.memory_space<vmem>>
      %dma_start3A_289 = tpu.memref_squeeze %dma_start3A_288 : memref<1x128x32xf32, #tpu.memory_space<vmem>> -> memref<128x32xf32, #tpu.memory_space<vmem>>
      %dma_start3A_290 = arith.constant 0 : i32
      %dma_start3A_291 = tpu.memref_slice %arg9[%add3A_269, %dma_start3A_290] : memref<80x128xi32, #tpu.memory_space<vmem>> -> memref<1x128xi32, #tpu.memory_space<vmem>>
      %dma_start3A_292 = tpu.memref_squeeze %dma_start3A_291 : memref<1x128xi32, #tpu.memory_space<vmem>> -> memref<128xi32, #tpu.memory_space<vmem>>
      %dma_start3A_293 = arith.constant 0 : i32
      %dma_start3A_294 = arith.constant 0 : i32
      %dma_start3A_295 = tpu.memref_slice %arg12[%dma_start3A_293, %dma_start3A_294] : memref<10240x32xf32, #tpu.memory_space<vmem_shared>> -> memref<10240x32xf32, #tpu.memory_space<vmem_shared>>
      tpu.enqueue_indirect_dma source(%dma_start3A_289 : memref<128x32xf32, #tpu.memory_space<vmem>>) target(%dma_start3A_295 : memref<10240x32xf32, #tpu.memory_space<vmem_shared>>) offsets(%dma_start3A_292 : memref<128xi32, #tpu.memory_space<vmem>>) semaphore(%arg20 : memref<!tpu.dma_semaphore, #tpu.memory_space<semaphore_mem>>) {add = true}
      %dma_start3A_296 = arith.constant 0 : i32
      %dma_start3A_297 = tpu.memref_slice %arg9[%add3A_269, %dma_start3A_296] : memref<80x128xi32, #tpu.memory_space<vmem>> -> memref<1x128xi32, #tpu.memory_space<vmem>>
      %dma_start3A_298 = tpu.memref_squeeze %dma_start3A_297 : memref<1x128xi32, #tpu.memory_space<vmem>> -> memref<128xi32, #tpu.memory_space<vmem>>
      %dma_start3A_299 = arith.constant 0 : i32
      %dma_start3A_300 = arith.constant 0 : i32
      %dma_start3A_301 = tpu.memref_slice %arg24[%dma_start3A_299, %dma_start3A_300] : memref<10240x32xf32, #tpu.memory_space<vmem_shared>> -> memref<10240x32xf32, #tpu.memory_space<vmem_shared>>
      tpu.enqueue_indirect_dma source(%arg23 : memref<128x32xf32, #tpu.memory_space<vmem>>) target(%dma_start3A_301 : memref<10240x32xf32, #tpu.memory_space<vmem_shared>>) offsets(%dma_start3A_298 : memref<128xi32, #tpu.memory_space<vmem>>) semaphore(%arg25 : memref<!tpu.dma_semaphore, #tpu.memory_space<semaphore_mem>>) {add = true}
      %ge3A_302 = arith.constant 1 : i32
      %ge3A_303 = arith.cmpi sge, %scan3A_177, %ge3A_302 : i32
      %convert_element_type3A_304 = arith.extui %ge3A_303 : i1 to i32
      %cond3A_305 = arith.constant 0 : i32
      %cond3A_306 = arith.cmpi ne, %convert_element_type3A_304, %cond3A_305 : i32
      scf.if %cond3A_306 {
        %dma_wait3A_404 = arith.constant 0 : i32
        %dma_wait3A_405 = arith.constant 0 : i32
        %dma_wait3A_406 = tpu.memref_slice %arg9[%dma_wait3A_404, %dma_wait3A_405] : memref<80x128xi32, #tpu.memory_space<vmem>> -> memref<1x128xi32, #tpu.memory_space<vmem>>
        %dma_wait3A_407 = tpu.memref_squeeze %dma_wait3A_406 : memref<1x128xi32, #tpu.memory_space<vmem>> -> memref<128xi32, #tpu.memory_space<vmem>>
        %dma_wait3A_408 = arith.constant 0 : i32
        %dma_wait3A_409 = arith.constant 0 : i32
        %dma_wait3A_410 = tpu.memref_slice %arg24[%dma_wait3A_408, %dma_wait3A_409] : memref<10240x32xf32, #tpu.memory_space<vmem_shared>> -> memref<10240x32xf32, #tpu.memory_space<vmem_shared>>
        tpu.wait_indirect_dma semaphore(%arg25 : memref<!tpu.dma_semaphore, #tpu.memory_space<semaphore_mem>>) src(%arg23 : memref<128x32xf32, #tpu.memory_space<vmem>>) dst(%dma_wait3A_410 : memref<10240x32xf32, #tpu.memory_space<vmem_shared>>)
      } else {
      }
      %le3A_307 = arith.constant 14 : i32
      %le3A_308 = arith.cmpi sle, %scan3A_177, %le3A_307 : i32
      %convert_element_type3A_309 = arith.extui %le3A_308 : i1 to i32
      %cond3A_310 = arith.constant 0 : i32
      %cond3A_311 = arith.cmpi ne, %convert_element_type3A_309, %cond3A_310 : i32
      scf.if %cond3A_311 {
        %sub3A = arith.constant 1 : i32
        %sub3A_404 = arith.subi %add3A_269, %sub3A : i32
        %dma_wait3A_405 = arith.constant 1 : i32
        %dma_wait3A_406 = arith.constant 0 : i32
        %dma_wait3A_407 = arith.constant 0 : i32
        %dma_wait3A_408 = tpu.memref_slice %arg10[%dma_wait3A_405, %dma_wait3A_406, %dma_wait3A_407] : memref<5x128x32xf32, #tpu.memory_space<vmem>> -> memref<1x128x32xf32, #tpu.memory_space<vmem>>
        %dma_wait3A_409 = tpu.memref_squeeze %dma_wait3A_408 : memref<1x128x32xf32, #tpu.memory_space<vmem>> -> memref<128x32xf32, #tpu.memory_space<vmem>>
        %dma_wait3A_410 = arith.constant 0 : i32
        %dma_wait3A_411 = tpu.memref_slice %arg9[%sub3A_404, %dma_wait3A_410] : memref<80x128xi32, #tpu.memory_space<vmem>> -> memref<1x128xi32, #tpu.memory_space<vmem>>
        %dma_wait3A_412 = tpu.memref_squeeze %dma_wait3A_411 : memref<1x128xi32, #tpu.memory_space<vmem>> -> memref<128xi32, #tpu.memory_space<vmem>>
        %dma_wait3A_413 = arith.constant 0 : i32
        %dma_wait3A_414 = arith.constant 0 : i32
        %dma_wait3A_415 = tpu.memref_slice %arg12[%dma_wait3A_413, %dma_wait3A_414] : memref<10240x32xf32, #tpu.memory_space<vmem_shared>> -> memref<10240x32xf32, #tpu.memory_space<vmem_shared>>
        tpu.wait_indirect_dma semaphore(%arg19 : memref<!tpu.dma_semaphore, #tpu.memory_space<semaphore_mem>>) src(%dma_wait3A_409 : memref<128x32xf32, #tpu.memory_space<vmem>>) dst(%dma_wait3A_415 : memref<10240x32xf32, #tpu.memory_space<vmem_shared>>)
        %add3A_416 = arith.constant 5 : i32
        %add3A_417 = arith.addi %sub3A_404, %add3A_416 : i32
        %dma_start3A_418 = arith.constant 1 : i32
        %dma_start3A_419 = arith.constant 0 : i32
        %dma_start3A_420 = arith.constant 0 : i32
        %dma_start3A_421 = tpu.memref_slice %arg10[%dma_start3A_418, %dma_start3A_419, %dma_start3A_420] : memref<5x128x32xf32, #tpu.memory_space<vmem>> -> memref<1x128x32xf32, #tpu.memory_space<vmem>>
        %dma_start3A_422 = tpu.memref_squeeze %dma_start3A_421 : memref<1x128x32xf32, #tpu.memory_space<vmem>> -> memref<128x32xf32, #tpu.memory_space<vmem>>
        %dma_start3A_423 = arith.constant 0 : i32
        %dma_start3A_424 = tpu.memref_slice %arg8[%add3A_417, %dma_start3A_423] : memref<80x128xi32, #tpu.memory_space<vmem>> -> memref<1x128xi32, #tpu.memory_space<vmem>>
        %dma_start3A_425 = tpu.memref_squeeze %dma_start3A_424 : memref<1x128xi32, #tpu.memory_space<vmem>> -> memref<128xi32, #tpu.memory_space<vmem>>
        %dma_start3A_426 = arith.constant 0 : i32
        %dma_start3A_427 = arith.constant 0 : i32
        %dma_start3A_428 = tpu.memref_slice %arg11[%dma_start3A_426, %dma_start3A_427] : memref<10000x32xf32, #tpu.memory_space<vmem_shared>> -> memref<10000x32xf32, #tpu.memory_space<vmem_shared>>
        tpu.enqueue_indirect_dma source(%dma_start3A_428 : memref<10000x32xf32, #tpu.memory_space<vmem_shared>>) target(%dma_start3A_422 : memref<128x32xf32, #tpu.memory_space<vmem>>) offsets(%dma_start3A_425 : memref<128xi32, #tpu.memory_space<vmem>>) semaphore(%arg14 : memref<!tpu.dma_semaphore, #tpu.memory_space<semaphore_mem>>)
      } else {
      }
      %mul3A_312 = arith.constant 5 : i32
      %mul3A_313 = arith.muli %scan3A_177, %mul3A_312 : i32
      %add3A_314 = arith.constant 3 : i32
      %add3A_315 = arith.addi %mul3A_313, %add3A_314 : i32
      %dma_wait3A_316 = arith.constant 3 : i32
      %dma_wait3A_317 = arith.constant 0 : i32
      %dma_wait3A_318 = arith.constant 0 : i32
      %dma_wait3A_319 = tpu.memref_slice %arg10[%dma_wait3A_316, %dma_wait3A_317, %dma_wait3A_318] : memref<5x128x32xf32, #tpu.memory_space<vmem>> -> memref<1x128x32xf32, #tpu.memory_space<vmem>>
      %dma_wait3A_320 = tpu.memref_squeeze %dma_wait3A_319 : memref<1x128x32xf32, #tpu.memory_space<vmem>> -> memref<128x32xf32, #tpu.memory_space<vmem>>
      %dma_wait3A_321 = arith.constant 0 : i32
      %dma_wait3A_322 = arith.constant 0 : i32
      %dma_wait3A_323 = tpu.memref_slice %arg2[%dma_wait3A_321, %dma_wait3A_322] : memref<10000x32xf32, #tpu.memory_space<hbm>> -> memref<128x32xf32, #tpu.memory_space<hbm>>
      %dma_wait3A_324 = arith.constant 0 : i32
      %dma_wait3A_325 = arith.constant 0 : i32
      %dma_wait3A_326 = tpu.memref_slice %arg10[%dma_wait3A_316, %dma_wait3A_324, %dma_wait3A_325] : memref<5x128x32xf32, #tpu.memory_space<vmem>> -> memref<1x128x32xf32, #tpu.memory_space<vmem>>
      %dma_wait3A_327 = tpu.memref_squeeze %dma_wait3A_326 : memref<1x128x32xf32, #tpu.memory_space<vmem>> -> memref<128x32xf32, #tpu.memory_space<vmem>>
      %dma_wait3A_328 = arith.constant 0 : i32
      %dma_wait3A_329 = arith.constant 0 : i32
      %dma_wait3A_330 = tpu.memref_slice %arg2[%dma_wait3A_328, %dma_wait3A_329] : memref<10000x32xf32, #tpu.memory_space<hbm>> -> memref<128x32xf32, #tpu.memory_space<hbm>>
      tpu.wait_dma2 semaphore(%arg16 : memref<!tpu.dma_semaphore, #tpu.memory_space<semaphore_mem>>) src(%dma_wait3A_330 : memref<128x32xf32, #tpu.memory_space<hbm>>) dst(%dma_wait3A_327 : memref<128x32xf32, #tpu.memory_space<vmem>>)
      %dma_start3A_331 = arith.constant 3 : i32
      %dma_start3A_332 = arith.constant 0 : i32
      %dma_start3A_333 = arith.constant 0 : i32
      %dma_start3A_334 = tpu.memref_slice %arg10[%dma_start3A_331, %dma_start3A_332, %dma_start3A_333] : memref<5x128x32xf32, #tpu.memory_space<vmem>> -> memref<1x128x32xf32, #tpu.memory_space<vmem>>
      %dma_start3A_335 = tpu.memref_squeeze %dma_start3A_334 : memref<1x128x32xf32, #tpu.memory_space<vmem>> -> memref<128x32xf32, #tpu.memory_space<vmem>>
      %dma_start3A_336 = arith.constant 0 : i32
      %dma_start3A_337 = tpu.memref_slice %arg9[%add3A_315, %dma_start3A_336] : memref<80x128xi32, #tpu.memory_space<vmem>> -> memref<1x128xi32, #tpu.memory_space<vmem>>
      %dma_start3A_338 = tpu.memref_squeeze %dma_start3A_337 : memref<1x128xi32, #tpu.memory_space<vmem>> -> memref<128xi32, #tpu.memory_space<vmem>>
      %dma_start3A_339 = arith.constant 0 : i32
      %dma_start3A_340 = arith.constant 0 : i32
      %dma_start3A_341 = tpu.memref_slice %arg12[%dma_start3A_339, %dma_start3A_340] : memref<10240x32xf32, #tpu.memory_space<vmem_shared>> -> memref<10240x32xf32, #tpu.memory_space<vmem_shared>>
      tpu.enqueue_indirect_dma source(%dma_start3A_335 : memref<128x32xf32, #tpu.memory_space<vmem>>) target(%dma_start3A_341 : memref<10240x32xf32, #tpu.memory_space<vmem_shared>>) offsets(%dma_start3A_338 : memref<128xi32, #tpu.memory_space<vmem>>) semaphore(%arg21 : memref<!tpu.dma_semaphore, #tpu.memory_space<semaphore_mem>>) {add = true}
      %dma_start3A_342 = arith.constant 0 : i32
      %dma_start3A_343 = tpu.memref_slice %arg9[%add3A_315, %dma_start3A_342] : memref<80x128xi32, #tpu.memory_space<vmem>> -> memref<1x128xi32, #tpu.memory_space<vmem>>
      %dma_start3A_344 = tpu.memref_squeeze %dma_start3A_343 : memref<1x128xi32, #tpu.memory_space<vmem>> -> memref<128xi32, #tpu.memory_space<vmem>>
      %dma_start3A_345 = arith.constant 0 : i32
      %dma_start3A_346 = arith.constant 0 : i32
      %dma_start3A_347 = tpu.memref_slice %arg24[%dma_start3A_345, %dma_start3A_346] : memref<10240x32xf32, #tpu.memory_space<vmem_shared>> -> memref<10240x32xf32, #tpu.memory_space<vmem_shared>>
      tpu.enqueue_indirect_dma source(%arg23 : memref<128x32xf32, #tpu.memory_space<vmem>>) target(%dma_start3A_347 : memref<10240x32xf32, #tpu.memory_space<vmem_shared>>) offsets(%dma_start3A_344 : memref<128xi32, #tpu.memory_space<vmem>>) semaphore(%arg25 : memref<!tpu.dma_semaphore, #tpu.memory_space<semaphore_mem>>) {add = true}
      %ge3A_348 = arith.constant 1 : i32
      %ge3A_349 = arith.cmpi sge, %scan3A_177, %ge3A_348 : i32
      %convert_element_type3A_350 = arith.extui %ge3A_349 : i1 to i32
      %cond3A_351 = arith.constant 0 : i32
      %cond3A_352 = arith.cmpi ne, %convert_element_type3A_350, %cond3A_351 : i32
      scf.if %cond3A_352 {
        %dma_wait3A_404 = arith.constant 0 : i32
        %dma_wait3A_405 = arith.constant 0 : i32
        %dma_wait3A_406 = tpu.memref_slice %arg9[%dma_wait3A_404, %dma_wait3A_405] : memref<80x128xi32, #tpu.memory_space<vmem>> -> memref<1x128xi32, #tpu.memory_space<vmem>>
        %dma_wait3A_407 = tpu.memref_squeeze %dma_wait3A_406 : memref<1x128xi32, #tpu.memory_space<vmem>> -> memref<128xi32, #tpu.memory_space<vmem>>
        %dma_wait3A_408 = arith.constant 0 : i32
        %dma_wait3A_409 = arith.constant 0 : i32
        %dma_wait3A_410 = tpu.memref_slice %arg24[%dma_wait3A_408, %dma_wait3A_409] : memref<10240x32xf32, #tpu.memory_space<vmem_shared>> -> memref<10240x32xf32, #tpu.memory_space<vmem_shared>>
        tpu.wait_indirect_dma semaphore(%arg25 : memref<!tpu.dma_semaphore, #tpu.memory_space<semaphore_mem>>) src(%arg23 : memref<128x32xf32, #tpu.memory_space<vmem>>) dst(%dma_wait3A_410 : memref<10240x32xf32, #tpu.memory_space<vmem_shared>>)
      } else {
      }
      %le3A_353 = arith.constant 14 : i32
      %le3A_354 = arith.cmpi sle, %scan3A_177, %le3A_353 : i32
      %convert_element_type3A_355 = arith.extui %le3A_354 : i1 to i32
      %cond3A_356 = arith.constant 0 : i32
      %cond3A_357 = arith.cmpi ne, %convert_element_type3A_355, %cond3A_356 : i32
      scf.if %cond3A_357 {
        %sub3A = arith.constant 1 : i32
        %sub3A_404 = arith.subi %add3A_315, %sub3A : i32
        %dma_wait3A_405 = arith.constant 2 : i32
        %dma_wait3A_406 = arith.constant 0 : i32
        %dma_wait3A_407 = arith.constant 0 : i32
        %dma_wait3A_408 = tpu.memref_slice %arg10[%dma_wait3A_405, %dma_wait3A_406, %dma_wait3A_407] : memref<5x128x32xf32, #tpu.memory_space<vmem>> -> memref<1x128x32xf32, #tpu.memory_space<vmem>>
        %dma_wait3A_409 = tpu.memref_squeeze %dma_wait3A_408 : memref<1x128x32xf32, #tpu.memory_space<vmem>> -> memref<128x32xf32, #tpu.memory_space<vmem>>
        %dma_wait3A_410 = arith.constant 0 : i32
        %dma_wait3A_411 = tpu.memref_slice %arg9[%sub3A_404, %dma_wait3A_410] : memref<80x128xi32, #tpu.memory_space<vmem>> -> memref<1x128xi32, #tpu.memory_space<vmem>>
        %dma_wait3A_412 = tpu.memref_squeeze %dma_wait3A_411 : memref<1x128xi32, #tpu.memory_space<vmem>> -> memref<128xi32, #tpu.memory_space<vmem>>
        %dma_wait3A_413 = arith.constant 0 : i32
        %dma_wait3A_414 = arith.constant 0 : i32
        %dma_wait3A_415 = tpu.memref_slice %arg12[%dma_wait3A_413, %dma_wait3A_414] : memref<10240x32xf32, #tpu.memory_space<vmem_shared>> -> memref<10240x32xf32, #tpu.memory_space<vmem_shared>>
        tpu.wait_indirect_dma semaphore(%arg20 : memref<!tpu.dma_semaphore, #tpu.memory_space<semaphore_mem>>) src(%dma_wait3A_409 : memref<128x32xf32, #tpu.memory_space<vmem>>) dst(%dma_wait3A_415 : memref<10240x32xf32, #tpu.memory_space<vmem_shared>>)
        %add3A_416 = arith.constant 5 : i32
        %add3A_417 = arith.addi %sub3A_404, %add3A_416 : i32
        %dma_start3A_418 = arith.constant 2 : i32
        %dma_start3A_419 = arith.constant 0 : i32
        %dma_start3A_420 = arith.constant 0 : i32
        %dma_start3A_421 = tpu.memref_slice %arg10[%dma_start3A_418, %dma_start3A_419, %dma_start3A_420] : memref<5x128x32xf32, #tpu.memory_space<vmem>> -> memref<1x128x32xf32, #tpu.memory_space<vmem>>
        %dma_start3A_422 = tpu.memref_squeeze %dma_start3A_421 : memref<1x128x32xf32, #tpu.memory_space<vmem>> -> memref<128x32xf32, #tpu.memory_space<vmem>>
        %dma_start3A_423 = arith.constant 0 : i32
        %dma_start3A_424 = tpu.memref_slice %arg8[%add3A_417, %dma_start3A_423] : memref<80x128xi32, #tpu.memory_space<vmem>> -> memref<1x128xi32, #tpu.memory_space<vmem>>
        %dma_start3A_425 = tpu.memref_squeeze %dma_start3A_424 : memref<1x128xi32, #tpu.memory_space<vmem>> -> memref<128xi32, #tpu.memory_space<vmem>>
        %dma_start3A_426 = arith.constant 0 : i32
        %dma_start3A_427 = arith.constant 0 : i32
        %dma_start3A_428 = tpu.memref_slice %arg11[%dma_start3A_426, %dma_start3A_427] : memref<10000x32xf32, #tpu.memory_space<vmem_shared>> -> memref<10000x32xf32, #tpu.memory_space<vmem_shared>>
        tpu.enqueue_indirect_dma source(%dma_start3A_428 : memref<10000x32xf32, #tpu.memory_space<vmem_shared>>) target(%dma_start3A_422 : memref<128x32xf32, #tpu.memory_space<vmem>>) offsets(%dma_start3A_425 : memref<128xi32, #tpu.memory_space<vmem>>) semaphore(%arg15 : memref<!tpu.dma_semaphore, #tpu.memory_space<semaphore_mem>>)
      } else {
      }
      %mul3A_358 = arith.constant 5 : i32
      %mul3A_359 = arith.muli %scan3A_177, %mul3A_358 : i32
      %add3A_360 = arith.constant 4 : i32
      %add3A_361 = arith.addi %mul3A_359, %add3A_360 : i32
      %dma_wait3A_362 = arith.constant 4 : i32
      %dma_wait3A_363 = arith.constant 0 : i32
      %dma_wait3A_364 = arith.constant 0 : i32
      %dma_wait3A_365 = tpu.memref_slice %arg10[%dma_wait3A_362, %dma_wait3A_363, %dma_wait3A_364] : memref<5x128x32xf32, #tpu.memory_space<vmem>> -> memref<1x128x32xf32, #tpu.memory_space<vmem>>
      %dma_wait3A_366 = tpu.memref_squeeze %dma_wait3A_365 : memref<1x128x32xf32, #tpu.memory_space<vmem>> -> memref<128x32xf32, #tpu.memory_space<vmem>>
      %dma_wait3A_367 = arith.constant 0 : i32
      %dma_wait3A_368 = arith.constant 0 : i32
      %dma_wait3A_369 = tpu.memref_slice %arg2[%dma_wait3A_367, %dma_wait3A_368] : memref<10000x32xf32, #tpu.memory_space<hbm>> -> memref<128x32xf32, #tpu.memory_space<hbm>>
      %dma_wait3A_370 = arith.constant 0 : i32
      %dma_wait3A_371 = arith.constant 0 : i32
      %dma_wait3A_372 = tpu.memref_slice %arg10[%dma_wait3A_362, %dma_wait3A_370, %dma_wait3A_371] : memref<5x128x32xf32, #tpu.memory_space<vmem>> -> memref<1x128x32xf32, #tpu.memory_space<vmem>>
      %dma_wait3A_373 = tpu.memref_squeeze %dma_wait3A_372 : memref<1x128x32xf32, #tpu.memory_space<vmem>> -> memref<128x32xf32, #tpu.memory_space<vmem>>
      %dma_wait3A_374 = arith.constant 0 : i32
      %dma_wait3A_375 = arith.constant 0 : i32
      %dma_wait3A_376 = tpu.memref_slice %arg2[%dma_wait3A_374, %dma_wait3A_375] : memref<10000x32xf32, #tpu.memory_space<hbm>> -> memref<128x32xf32, #tpu.memory_space<hbm>>
      tpu.wait_dma2 semaphore(%arg17 : memref<!tpu.dma_semaphore, #tpu.memory_space<semaphore_mem>>) src(%dma_wait3A_376 : memref<128x32xf32, #tpu.memory_space<hbm>>) dst(%dma_wait3A_373 : memref<128x32xf32, #tpu.memory_space<vmem>>)
      %dma_start3A_377 = arith.constant 4 : i32
      %dma_start3A_378 = arith.constant 0 : i32
      %dma_start3A_379 = arith.constant 0 : i32
      %dma_start3A_380 = tpu.memref_slice %arg10[%dma_start3A_377, %dma_start3A_378, %dma_start3A_379] : memref<5x128x32xf32, #tpu.memory_space<vmem>> -> memref<1x128x32xf32, #tpu.memory_space<vmem>>
      %dma_start3A_381 = tpu.memref_squeeze %dma_start3A_380 : memref<1x128x32xf32, #tpu.memory_space<vmem>> -> memref<128x32xf32, #tpu.memory_space<vmem>>
      %dma_start3A_382 = arith.constant 0 : i32
      %dma_start3A_383 = tpu.memref_slice %arg9[%add3A_361, %dma_start3A_382] : memref<80x128xi32, #tpu.memory_space<vmem>> -> memref<1x128xi32, #tpu.memory_space<vmem>>
      %dma_start3A_384 = tpu.memref_squeeze %dma_start3A_383 : memref<1x128xi32, #tpu.memory_space<vmem>> -> memref<128xi32, #tpu.memory_space<vmem>>
      %dma_start3A_385 = arith.constant 0 : i32
      %dma_start3A_386 = arith.constant 0 : i32
      %dma_start3A_387 = tpu.memref_slice %arg12[%dma_start3A_385, %dma_start3A_386] : memref<10240x32xf32, #tpu.memory_space<vmem_shared>> -> memref<10240x32xf32, #tpu.memory_space<vmem_shared>>
      tpu.enqueue_indirect_dma source(%dma_start3A_381 : memref<128x32xf32, #tpu.memory_space<vmem>>) target(%dma_start3A_387 : memref<10240x32xf32, #tpu.memory_space<vmem_shared>>) offsets(%dma_start3A_384 : memref<128xi32, #tpu.memory_space<vmem>>) semaphore(%arg22 : memref<!tpu.dma_semaphore, #tpu.memory_space<semaphore_mem>>) {add = true}
      %dma_start3A_388 = arith.constant 0 : i32
      %dma_start3A_389 = tpu.memref_slice %arg9[%add3A_361, %dma_start3A_388] : memref<80x128xi32, #tpu.memory_space<vmem>> -> memref<1x128xi32, #tpu.memory_space<vmem>>
      %dma_start3A_390 = tpu.memref_squeeze %dma_start3A_389 : memref<1x128xi32, #tpu.memory_space<vmem>> -> memref<128xi32, #tpu.memory_space<vmem>>
      %dma_start3A_391 = arith.constant 0 : i32
      %dma_start3A_392 = arith.constant 0 : i32
      %dma_start3A_393 = tpu.memref_slice %arg24[%dma_start3A_391, %dma_start3A_392] : memref<10240x32xf32, #tpu.memory_space<vmem_shared>> -> memref<10240x32xf32, #tpu.memory_space<vmem_shared>>
      tpu.enqueue_indirect_dma source(%arg23 : memref<128x32xf32, #tpu.memory_space<vmem>>) target(%dma_start3A_393 : memref<10240x32xf32, #tpu.memory_space<vmem_shared>>) offsets(%dma_start3A_390 : memref<128xi32, #tpu.memory_space<vmem>>) semaphore(%arg25 : memref<!tpu.dma_semaphore, #tpu.memory_space<semaphore_mem>>) {add = true}
      %ge3A_394 = arith.constant 1 : i32
      %ge3A_395 = arith.cmpi sge, %scan3A_177, %ge3A_394 : i32
      %convert_element_type3A_396 = arith.extui %ge3A_395 : i1 to i32
      %cond3A_397 = arith.constant 0 : i32
      %cond3A_398 = arith.cmpi ne, %convert_element_type3A_396, %cond3A_397 : i32
      scf.if %cond3A_398 {
        %dma_wait3A_404 = arith.constant 0 : i32
        %dma_wait3A_405 = arith.constant 0 : i32
        %dma_wait3A_406 = tpu.memref_slice %arg9[%dma_wait3A_404, %dma_wait3A_405] : memref<80x128xi32, #tpu.memory_space<vmem>> -> memref<1x128xi32, #tpu.memory_space<vmem>>
        %dma_wait3A_407 = tpu.memref_squeeze %dma_wait3A_406 : memref<1x128xi32, #tpu.memory_space<vmem>> -> memref<128xi32, #tpu.memory_space<vmem>>
        %dma_wait3A_408 = arith.constant 0 : i32
        %dma_wait3A_409 = arith.constant 0 : i32
        %dma_wait3A_410 = tpu.memref_slice %arg24[%dma_wait3A_408, %dma_wait3A_409] : memref<10240x32xf32, #tpu.memory_space<vmem_shared>> -> memref<10240x32xf32, #tpu.memory_space<vmem_shared>>
        tpu.wait_indirect_dma semaphore(%arg25 : memref<!tpu.dma_semaphore, #tpu.memory_space<semaphore_mem>>) src(%arg23 : memref<128x32xf32, #tpu.memory_space<vmem>>) dst(%dma_wait3A_410 : memref<10240x32xf32, #tpu.memory_space<vmem_shared>>)
      } else {
      }
      %le3A_399 = arith.constant 14 : i32
      %le3A_400 = arith.cmpi sle, %scan3A_177, %le3A_399 : i32
      %convert_element_type3A_401 = arith.extui %le3A_400 : i1 to i32
      %cond3A_402 = arith.constant 0 : i32
      %cond3A_403 = arith.cmpi ne, %convert_element_type3A_401, %cond3A_402 : i32
      scf.if %cond3A_403 {
        %sub3A = arith.constant 1 : i32
        %sub3A_404 = arith.subi %add3A_361, %sub3A : i32
        %dma_wait3A_405 = arith.constant 3 : i32
        %dma_wait3A_406 = arith.constant 0 : i32
        %dma_wait3A_407 = arith.constant 0 : i32
        %dma_wait3A_408 = tpu.memref_slice %arg10[%dma_wait3A_405, %dma_wait3A_406, %dma_wait3A_407] : memref<5x128x32xf32, #tpu.memory_space<vmem>> -> memref<1x128x32xf32, #tpu.memory_space<vmem>>
        %dma_wait3A_409 = tpu.memref_squeeze %dma_wait3A_408 : memref<1x128x32xf32, #tpu.memory_space<vmem>> -> memref<128x32xf32, #tpu.memory_space<vmem>>
        %dma_wait3A_410 = arith.constant 0 : i32
        %dma_wait3A_411 = tpu.memref_slice %arg9[%sub3A_404, %dma_wait3A_410] : memref<80x128xi32, #tpu.memory_space<vmem>> -> memref<1x128xi32, #tpu.memory_space<vmem>>
        %dma_wait3A_412 = tpu.memref_squeeze %dma_wait3A_411 : memref<1x128xi32, #tpu.memory_space<vmem>> -> memref<128xi32, #tpu.memory_space<vmem>>
        %dma_wait3A_413 = arith.constant 0 : i32
        %dma_wait3A_414 = arith.constant 0 : i32
        %dma_wait3A_415 = tpu.memref_slice %arg12[%dma_wait3A_413, %dma_wait3A_414] : memref<10240x32xf32, #tpu.memory_space<vmem_shared>> -> memref<10240x32xf32, #tpu.memory_space<vmem_shared>>
        tpu.wait_indirect_dma semaphore(%arg21 : memref<!tpu.dma_semaphore, #tpu.memory_space<semaphore_mem>>) src(%dma_wait3A_409 : memref<128x32xf32, #tpu.memory_space<vmem>>) dst(%dma_wait3A_415 : memref<10240x32xf32, #tpu.memory_space<vmem_shared>>)
        %add3A_416 = arith.constant 5 : i32
        %add3A_417 = arith.addi %sub3A_404, %add3A_416 : i32
        %dma_start3A_418 = arith.constant 3 : i32
        %dma_start3A_419 = arith.constant 0 : i32
        %dma_start3A_420 = arith.constant 0 : i32
        %dma_start3A_421 = tpu.memref_slice %arg10[%dma_start3A_418, %dma_start3A_419, %dma_start3A_420] : memref<5x128x32xf32, #tpu.memory_space<vmem>> -> memref<1x128x32xf32, #tpu.memory_space<vmem>>
        %dma_start3A_422 = tpu.memref_squeeze %dma_start3A_421 : memref<1x128x32xf32, #tpu.memory_space<vmem>> -> memref<128x32xf32, #tpu.memory_space<vmem>>
        %dma_start3A_423 = arith.constant 0 : i32
        %dma_start3A_424 = tpu.memref_slice %arg8[%add3A_417, %dma_start3A_423] : memref<80x128xi32, #tpu.memory_space<vmem>> -> memref<1x128xi32, #tpu.memory_space<vmem>>
        %dma_start3A_425 = tpu.memref_squeeze %dma_start3A_424 : memref<1x128xi32, #tpu.memory_space<vmem>> -> memref<128xi32, #tpu.memory_space<vmem>>
        %dma_start3A_426 = arith.constant 0 : i32
        %dma_start3A_427 = arith.constant 0 : i32
        %dma_start3A_428 = tpu.memref_slice %arg11[%dma_start3A_426, %dma_start3A_427] : memref<10000x32xf32, #tpu.memory_space<vmem_shared>> -> memref<10000x32xf32, #tpu.memory_space<vmem_shared>>
        tpu.enqueue_indirect_dma source(%dma_start3A_428 : memref<10000x32xf32, #tpu.memory_space<vmem_shared>>) target(%dma_start3A_422 : memref<128x32xf32, #tpu.memory_space<vmem>>) offsets(%dma_start3A_425 : memref<128xi32, #tpu.memory_space<vmem>>) semaphore(%arg16 : memref<!tpu.dma_semaphore, #tpu.memory_space<semaphore_mem>>)
      } else {
      }
    }
    %scan3A_73 = arith.constant 16 : i32
    %dma_wait3A = arith.constant 0 : i32
    %dma_wait3A_74 = arith.constant 75 : i32
    %dma_wait3A_75 = arith.constant 0 : i32
    %dma_wait3A_76 = arith.constant 0 : i32
    %dma_wait3A_77 = tpu.memref_slice %arg10[%dma_wait3A, %dma_wait3A_75, %dma_wait3A_76] : memref<5x128x32xf32, #tpu.memory_space<vmem>> -> memref<1x128x32xf32, #tpu.memory_space<vmem>>
    %dma_wait3A_78 = tpu.memref_squeeze %dma_wait3A_77 : memref<1x128x32xf32, #tpu.memory_space<vmem>> -> memref<128x32xf32, #tpu.memory_space<vmem>>
    %dma_wait3A_79 = arith.constant 0 : i32
    %dma_wait3A_80 = tpu.memref_slice %arg9[%dma_wait3A_74, %dma_wait3A_79] : memref<80x128xi32, #tpu.memory_space<vmem>> -> memref<1x128xi32, #tpu.memory_space<vmem>>
    %dma_wait3A_81 = tpu.memref_squeeze %dma_wait3A_80 : memref<1x128xi32, #tpu.memory_space<vmem>> -> memref<128xi32, #tpu.memory_space<vmem>>
    %dma_wait3A_82 = arith.constant 0 : i32
    %dma_wait3A_83 = arith.constant 0 : i32
    %dma_wait3A_84 = tpu.memref_slice %arg12[%dma_wait3A_82, %dma_wait3A_83] : memref<10240x32xf32, #tpu.memory_space<vmem_shared>> -> memref<10240x32xf32, #tpu.memory_space<vmem_shared>>
    tpu.wait_indirect_dma semaphore(%arg18 : memref<!tpu.dma_semaphore, #tpu.memory_space<semaphore_mem>>) src(%dma_wait3A_78 : memref<128x32xf32, #tpu.memory_space<vmem>>) dst(%dma_wait3A_84 : memref<10240x32xf32, #tpu.memory_space<vmem_shared>>)
    %dma_wait3A_85 = arith.constant 0 : i32
    %dma_wait3A_86 = arith.constant 0 : i32
    %dma_wait3A_87 = tpu.memref_slice %arg9[%dma_wait3A_85, %dma_wait3A_86] : memref<80x128xi32, #tpu.memory_space<vmem>> -> memref<1x128xi32, #tpu.memory_space<vmem>>
    %dma_wait3A_88 = tpu.memref_squeeze %dma_wait3A_87 : memref<1x128xi32, #tpu.memory_space<vmem>> -> memref<128xi32, #tpu.memory_space<vmem>>
    %dma_wait3A_89 = arith.constant 0 : i32
    %dma_wait3A_90 = arith.constant 0 : i32
    %dma_wait3A_91 = tpu.memref_slice %arg24[%dma_wait3A_89, %dma_wait3A_90] : memref<10240x32xf32, #tpu.memory_space<vmem_shared>> -> memref<10240x32xf32, #tpu.memory_space<vmem_shared>>
    tpu.wait_indirect_dma semaphore(%arg25 : memref<!tpu.dma_semaphore, #tpu.memory_space<semaphore_mem>>) src(%arg23 : memref<128x32xf32, #tpu.memory_space<vmem>>) dst(%dma_wait3A_91 : memref<10240x32xf32, #tpu.memory_space<vmem_shared>>)
    %dma_wait3A_92 = arith.constant 1 : i32
    %dma_wait3A_93 = arith.constant 76 : i32
    %dma_wait3A_94 = arith.constant 0 : i32
    %dma_wait3A_95 = arith.constant 0 : i32
    %dma_wait3A_96 = tpu.memref_slice %arg10[%dma_wait3A_92, %dma_wait3A_94, %dma_wait3A_95] : memref<5x128x32xf32, #tpu.memory_space<vmem>> -> memref<1x128x32xf32, #tpu.memory_space<vmem>>
    %dma_wait3A_97 = tpu.memref_squeeze %dma_wait3A_96 : memref<1x128x32xf32, #tpu.memory_space<vmem>> -> memref<128x32xf32, #tpu.memory_space<vmem>>
    %dma_wait3A_98 = arith.constant 0 : i32
    %dma_wait3A_99 = tpu.memref_slice %arg9[%dma_wait3A_93, %dma_wait3A_98] : memref<80x128xi32, #tpu.memory_space<vmem>> -> memref<1x128xi32, #tpu.memory_space<vmem>>
    %dma_wait3A_100 = tpu.memref_squeeze %dma_wait3A_99 : memref<1x128xi32, #tpu.memory_space<vmem>> -> memref<128xi32, #tpu.memory_space<vmem>>
    %dma_wait3A_101 = arith.constant 0 : i32
    %dma_wait3A_102 = arith.constant 0 : i32
    %dma_wait3A_103 = tpu.memref_slice %arg12[%dma_wait3A_101, %dma_wait3A_102] : memref<10240x32xf32, #tpu.memory_space<vmem_shared>> -> memref<10240x32xf32, #tpu.memory_space<vmem_shared>>
    tpu.wait_indirect_dma semaphore(%arg19 : memref<!tpu.dma_semaphore, #tpu.memory_space<semaphore_mem>>) src(%dma_wait3A_97 : memref<128x32xf32, #tpu.memory_space<vmem>>) dst(%dma_wait3A_103 : memref<10240x32xf32, #tpu.memory_space<vmem_shared>>)
    %dma_wait3A_104 = arith.constant 0 : i32
    %dma_wait3A_105 = arith.constant 0 : i32
    %dma_wait3A_106 = tpu.memref_slice %arg9[%dma_wait3A_104, %dma_wait3A_105] : memref<80x128xi32, #tpu.memory_space<vmem>> -> memref<1x128xi32, #tpu.memory_space<vmem>>
    %dma_wait3A_107 = tpu.memref_squeeze %dma_wait3A_106 : memref<1x128xi32, #tpu.memory_space<vmem>> -> memref<128xi32, #tpu.memory_space<vmem>>
    %dma_wait3A_108 = arith.constant 0 : i32
    %dma_wait3A_109 = arith.constant 0 : i32
    %dma_wait3A_110 = tpu.memref_slice %arg24[%dma_wait3A_108, %dma_wait3A_109] : memref<10240x32xf32, #tpu.memory_space<vmem_shared>> -> memref<10240x32xf32, #tpu.memory_space<vmem_shared>>
    tpu.wait_indirect_dma semaphore(%arg25 : memref<!tpu.dma_semaphore, #tpu.memory_space<semaphore_mem>>) src(%arg23 : memref<128x32xf32, #tpu.memory_space<vmem>>) dst(%dma_wait3A_110 : memref<10240x32xf32, #tpu.memory_space<vmem_shared>>)
    %dma_wait3A_111 = arith.constant 2 : i32
    %dma_wait3A_112 = arith.constant 77 : i32
    %dma_wait3A_113 = arith.constant 0 : i32
    %dma_wait3A_114 = arith.constant 0 : i32
    %dma_wait3A_115 = tpu.memref_slice %arg10[%dma_wait3A_111, %dma_wait3A_113, %dma_wait3A_114] : memref<5x128x32xf32, #tpu.memory_space<vmem>> -> memref<1x128x32xf32, #tpu.memory_space<vmem>>
    %dma_wait3A_116 = tpu.memref_squeeze %dma_wait3A_115 : memref<1x128x32xf32, #tpu.memory_space<vmem>> -> memref<128x32xf32, #tpu.memory_space<vmem>>
    %dma_wait3A_117 = arith.constant 0 : i32
    %dma_wait3A_118 = tpu.memref_slice %arg9[%dma_wait3A_112, %dma_wait3A_117] : memref<80x128xi32, #tpu.memory_space<vmem>> -> memref<1x128xi32, #tpu.memory_space<vmem>>
    %dma_wait3A_119 = tpu.memref_squeeze %dma_wait3A_118 : memref<1x128xi32, #tpu.memory_space<vmem>> -> memref<128xi32, #tpu.memory_space<vmem>>
    %dma_wait3A_120 = arith.constant 0 : i32
    %dma_wait3A_121 = arith.constant 0 : i32
    %dma_wait3A_122 = tpu.memref_slice %arg12[%dma_wait3A_120, %dma_wait3A_121] : memref<10240x32xf32, #tpu.memory_space<vmem_shared>> -> memref<10240x32xf32, #tpu.memory_space<vmem_shared>>
    tpu.wait_indirect_dma semaphore(%arg20 : memref<!tpu.dma_semaphore, #tpu.memory_space<semaphore_mem>>) src(%dma_wait3A_116 : memref<128x32xf32, #tpu.memory_space<vmem>>) dst(%dma_wait3A_122 : memref<10240x32xf32, #tpu.memory_space<vmem_shared>>)
    %dma_wait3A_123 = arith.constant 0 : i32
    %dma_wait3A_124 = arith.constant 0 : i32
    %dma_wait3A_125 = tpu.memref_slice %arg9[%dma_wait3A_123, %dma_wait3A_124] : memref<80x128xi32, #tpu.memory_space<vmem>> -> memref<1x128xi32, #tpu.memory_space<vmem>>
    %dma_wait3A_126 = tpu.memref_squeeze %dma_wait3A_125 : memref<1x128xi32, #tpu.memory_space<vmem>> -> memref<128xi32, #tpu.memory_space<vmem>>
    %dma_wait3A_127 = arith.constant 0 : i32
    %dma_wait3A_128 = arith.constant 0 : i32
    %dma_wait3A_129 = tpu.memref_slice %arg24[%dma_wait3A_127, %dma_wait3A_128] : memref<10240x32xf32, #tpu.memory_space<vmem_shared>> -> memref<10240x32xf32, #tpu.memory_space<vmem_shared>>
    tpu.wait_indirect_dma semaphore(%arg25 : memref<!tpu.dma_semaphore, #tpu.memory_space<semaphore_mem>>) src(%arg23 : memref<128x32xf32, #tpu.memory_space<vmem>>) dst(%dma_wait3A_129 : memref<10240x32xf32, #tpu.memory_space<vmem_shared>>)
    %dma_wait3A_130 = arith.constant 3 : i32
    %dma_wait3A_131 = arith.constant 78 : i32
    %dma_wait3A_132 = arith.constant 0 : i32
    %dma_wait3A_133 = arith.constant 0 : i32
    %dma_wait3A_134 = tpu.memref_slice %arg10[%dma_wait3A_130, %dma_wait3A_132, %dma_wait3A_133] : memref<5x128x32xf32, #tpu.memory_space<vmem>> -> memref<1x128x32xf32, #tpu.memory_space<vmem>>
    %dma_wait3A_135 = tpu.memref_squeeze %dma_wait3A_134 : memref<1x128x32xf32, #tpu.memory_space<vmem>> -> memref<128x32xf32, #tpu.memory_space<vmem>>
    %dma_wait3A_136 = arith.constant 0 : i32
    %dma_wait3A_137 = tpu.memref_slice %arg9[%dma_wait3A_131, %dma_wait3A_136] : memref<80x128xi32, #tpu.memory_space<vmem>> -> memref<1x128xi32, #tpu.memory_space<vmem>>
    %dma_wait3A_138 = tpu.memref_squeeze %dma_wait3A_137 : memref<1x128xi32, #tpu.memory_space<vmem>> -> memref<128xi32, #tpu.memory_space<vmem>>
    %dma_wait3A_139 = arith.constant 0 : i32
    %dma_wait3A_140 = arith.constant 0 : i32
    %dma_wait3A_141 = tpu.memref_slice %arg12[%dma_wait3A_139, %dma_wait3A_140] : memref<10240x32xf32, #tpu.memory_space<vmem_shared>> -> memref<10240x32xf32, #tpu.memory_space<vmem_shared>>
    tpu.wait_indirect_dma semaphore(%arg21 : memref<!tpu.dma_semaphore, #tpu.memory_space<semaphore_mem>>) src(%dma_wait3A_135 : memref<128x32xf32, #tpu.memory_space<vmem>>) dst(%dma_wait3A_141 : memref<10240x32xf32, #tpu.memory_space<vmem_shared>>)
    %dma_wait3A_142 = arith.constant 0 : i32
    %dma_wait3A_143 = arith.constant 0 : i32
    %dma_wait3A_144 = tpu.memref_slice %arg9[%dma_wait3A_142, %dma_wait3A_143] : memref<80x128xi32, #tpu.memory_space<vmem>> -> memref<1x128xi32, #tpu.memory_space<vmem>>
    %dma_wait3A_145 = tpu.memref_squeeze %dma_wait3A_144 : memref<1x128xi32, #tpu.memory_space<vmem>> -> memref<128xi32, #tpu.memory_space<vmem>>
    %dma_wait3A_146 = arith.constant 0 : i32
    %dma_wait3A_147 = arith.constant 0 : i32
    %dma_wait3A_148 = tpu.memref_slice %arg24[%dma_wait3A_146, %dma_wait3A_147] : memref<10240x32xf32, #tpu.memory_space<vmem_shared>> -> memref<10240x32xf32, #tpu.memory_space<vmem_shared>>
    tpu.wait_indirect_dma semaphore(%arg25 : memref<!tpu.dma_semaphore, #tpu.memory_space<semaphore_mem>>) src(%arg23 : memref<128x32xf32, #tpu.memory_space<vmem>>) dst(%dma_wait3A_148 : memref<10240x32xf32, #tpu.memory_space<vmem_shared>>)
    %dma_wait3A_149 = arith.constant 4 : i32
    %dma_wait3A_150 = arith.constant 79 : i32
    %dma_wait3A_151 = arith.constant 0 : i32
    %dma_wait3A_152 = arith.constant 0 : i32
    %dma_wait3A_153 = tpu.memref_slice %arg10[%dma_wait3A_149, %dma_wait3A_151, %dma_wait3A_152] : memref<5x128x32xf32, #tpu.memory_space<vmem>> -> memref<1x128x32xf32, #tpu.memory_space<vmem>>
    %dma_wait3A_154 = tpu.memref_squeeze %dma_wait3A_153 : memref<1x128x32xf32, #tpu.memory_space<vmem>> -> memref<128x32xf32, #tpu.memory_space<vmem>>
    %dma_wait3A_155 = arith.constant 0 : i32
    %dma_wait3A_156 = tpu.memref_slice %arg9[%dma_wait3A_150, %dma_wait3A_155] : memref<80x128xi32, #tpu.memory_space<vmem>> -> memref<1x128xi32, #tpu.memory_space<vmem>>
    %dma_wait3A_157 = tpu.memref_squeeze %dma_wait3A_156 : memref<1x128xi32, #tpu.memory_space<vmem>> -> memref<128xi32, #tpu.memory_space<vmem>>
    %dma_wait3A_158 = arith.constant 0 : i32
    %dma_wait3A_159 = arith.constant 0 : i32
    %dma_wait3A_160 = tpu.memref_slice %arg12[%dma_wait3A_158, %dma_wait3A_159] : memref<10240x32xf32, #tpu.memory_space<vmem_shared>> -> memref<10240x32xf32, #tpu.memory_space<vmem_shared>>
    tpu.wait_indirect_dma semaphore(%arg22 : memref<!tpu.dma_semaphore, #tpu.memory_space<semaphore_mem>>) src(%dma_wait3A_154 : memref<128x32xf32, #tpu.memory_space<vmem>>) dst(%dma_wait3A_160 : memref<10240x32xf32, #tpu.memory_space<vmem_shared>>)
    %dma_wait3A_161 = arith.constant 0 : i32
    %dma_wait3A_162 = arith.constant 0 : i32
    %dma_wait3A_163 = tpu.memref_slice %arg9[%dma_wait3A_161, %dma_wait3A_162] : memref<80x128xi32, #tpu.memory_space<vmem>> -> memref<1x128xi32, #tpu.memory_space<vmem>>
    %dma_wait3A_164 = tpu.memref_squeeze %dma_wait3A_163 : memref<1x128xi32, #tpu.memory_space<vmem>> -> memref<128xi32, #tpu.memory_space<vmem>>
    %dma_wait3A_165 = arith.constant 0 : i32
    %dma_wait3A_166 = arith.constant 0 : i32
    %dma_wait3A_167 = tpu.memref_slice %arg24[%dma_wait3A_165, %dma_wait3A_166] : memref<10240x32xf32, #tpu.memory_space<vmem_shared>> -> memref<10240x32xf32, #tpu.memory_space<vmem_shared>>
    tpu.wait_indirect_dma semaphore(%arg25 : memref<!tpu.dma_semaphore, #tpu.memory_space<semaphore_mem>>) src(%arg23 : memref<128x32xf32, #tpu.memory_space<vmem>>) dst(%dma_wait3A_167 : memref<10240x32xf32, #tpu.memory_space<vmem_shared>>)
    %barrier3A_168 = arith.constant 0 : index
    tpu.barrier barrier_id(%barrier3A_168)
    %mul3A_169 = arith.constant 640 : i32
    %mul3A_170 = arith.muli %arg1, %mul3A_169 : i32
    %mul3A_171 = arith.constant 640 : i32
    %mul3A_172 = arith.muli %arg1, %mul3A_171 : i32
    "tpu.region"() ({
      %run_scoped3A_177 = tpu.sem_alloc : memref<!tpu.dma_semaphore, #tpu.memory_space<semaphore_mem>>
      %dma_start3A_178 = arith.constant 0 : i32
      %dma_start3A_179 = tpu.memref_slice %arg6[%arg0, %mul3A_172, %dma_start3A_178] : memref<2x10240x32xf32, #tpu.memory_space<hbm>> -> memref<1x640x32xf32, #tpu.memory_space<hbm>>
      %dma_start3A_180 = tpu.memref_squeeze %dma_start3A_179 : memref<1x640x32xf32, #tpu.memory_space<hbm>> -> memref<640x32xf32, #tpu.memory_space<hbm>>
      %dma_start3A_181 = arith.constant 0 : i32
      %dma_start3A_182 = tpu.memref_slice %arg12[%mul3A_170, %dma_start3A_181] : memref<10240x32xf32, #tpu.memory_space<vmem_shared>> -> memref<640x32xf32, #tpu.memory_space<vmem_shared>>
      tpu.enqueue_dma source(%dma_start3A_182 : memref<640x32xf32, #tpu.memory_space<vmem_shared>>) target(%dma_start3A_180 : memref<640x32xf32, #tpu.memory_space<hbm>>) target_semaphore(%run_scoped3A_177 : memref<!tpu.dma_semaphore, #tpu.memory_space<semaphore_mem>>)
      %dma_wait3A_183 = arith.constant 0 : i32
      %dma_wait3A_184 = tpu.memref_slice %arg6[%arg0, %mul3A_172, %dma_wait3A_183] : memref<2x10240x32xf32, #tpu.memory_space<hbm>> -> memref<1x640x32xf32, #tpu.memory_space<hbm>>
      %dma_wait3A_185 = tpu.memref_squeeze %dma_wait3A_184 : memref<1x640x32xf32, #tpu.memory_space<hbm>> -> memref<640x32xf32, #tpu.memory_space<hbm>>
      %dma_wait3A_186 = arith.constant 0 : i32
      %dma_wait3A_187 = tpu.memref_slice %arg12[%mul3A_170, %dma_wait3A_186] : memref<10240x32xf32, #tpu.memory_space<vmem_shared>> -> memref<640x32xf32, #tpu.memory_space<vmem_shared>>
      tpu.wait_dma2 semaphore(%run_scoped3A_177 : memref<!tpu.dma_semaphore, #tpu.memory_space<semaphore_mem>>) src(%dma_wait3A_187 : memref<640x32xf32, #tpu.memory_space<vmem_shared>>) dst(%dma_wait3A_185 : memref<640x32xf32, #tpu.memory_space<hbm>>)
      tpu.yield
    }) : () -> ()
    %mul3A_173 = arith.constant 640 : i32
    %mul3A_174 = arith.muli %arg1, %mul3A_173 : i32
    %mul3A_175 = arith.constant 640 : i32
    %mul3A_176 = arith.muli %arg1, %mul3A_175 : i32
    "tpu.region"() ({
      %run_scoped3A_177 = tpu.sem_alloc : memref<!tpu.dma_semaphore, #tpu.memory_space<semaphore_mem>>
      %dma_start3A_178 = arith.constant 0 : i32
      %dma_start3A_179 = tpu.memref_slice %arg7[%arg0, %mul3A_176, %dma_start3A_178] : memref<2x10240x32xf32, #tpu.memory_space<hbm>> -> memref<1x640x32xf32, #tpu.memory_space<hbm>>
      %dma_start3A_180 = tpu.memref_squeeze %dma_start3A_179 : memref<1x640x32xf32, #tpu.memory_space<hbm>> -> memref<640x32xf32, #tpu.memory_space<hbm>>
      %dma_start3A_181 = arith.constant 0 : i32
      %dma_start3A_182 = tpu.memref_slice %arg24[%mul3A_174, %dma_start3A_181] : memref<10240x32xf32, #tpu.memory_space<vmem_shared>> -> memref<640x32xf32, #tpu.memory_space<vmem_shared>>
      tpu.enqueue_dma source(%dma_start3A_182 : memref<640x32xf32, #tpu.memory_space<vmem_shared>>) target(%dma_start3A_180 : memref<640x32xf32, #tpu.memory_space<hbm>>) target_semaphore(%run_scoped3A_177 : memref<!tpu.dma_semaphore, #tpu.memory_space<semaphore_mem>>)
      %dma_wait3A_183 = arith.constant 0 : i32
      %dma_wait3A_184 = tpu.memref_slice %arg7[%arg0, %mul3A_176, %dma_wait3A_183] : memref<2x10240x32xf32, #tpu.memory_space<hbm>> -> memref<1x640x32xf32, #tpu.memory_space<hbm>>
      %dma_wait3A_185 = tpu.memref_squeeze %dma_wait3A_184 : memref<1x640x32xf32, #tpu.memory_space<hbm>> -> memref<640x32xf32, #tpu.memory_space<hbm>>
      %dma_wait3A_186 = arith.constant 0 : i32
      %dma_wait3A_187 = tpu.memref_slice %arg24[%mul3A_174, %dma_wait3A_186] : memref<10240x32xf32, #tpu.memory_space<vmem_shared>> -> memref<640x32xf32, #tpu.memory_space<vmem_shared>>
      tpu.wait_dma2 semaphore(%run_scoped3A_177 : memref<!tpu.dma_semaphore, #tpu.memory_space<semaphore_mem>>) src(%dma_wait3A_187 : memref<640x32xf32, #tpu.memory_space<vmem_shared>>) dst(%dma_wait3A_185 : memref<640x32xf32, #tpu.memory_space<hbm>>)
      tpu.yield
    }) : () -> ()
    return
  }
}

#map = affine_map<(d0, d1) -> (0, 0)>
#map1 = affine_map<(d0, d1) -> (0, 0, 0, 0)>
#map2 = affine_map<(d0, d1) -> (0, 0, 0)>
module attributes {stable_mosaic.version = 14 : i64} {
  func.func @_sc_agg_body(%arg0: i32, %arg1: i32, %arg2: memref<10000x32xf32, #tpu.memory_space<hbm>>, %arg3: memref<2x32x80x128xi32, #tpu.memory_space<hbm>>, %arg4: memref<640x32xf32, #tpu.memory_space<hbm>>, %arg5: memref<2x10240x32xf32, #tpu.memory_space<hbm>>, %arg6: memref<80x128xi32, #tpu.memory_space<vmem>>, %arg7: memref<80x128xi32, #tpu.memory_space<vmem>>, %arg8: memref<5x128x32xf32, #tpu.memory_space<vmem>>, %arg9: memref<10000x32xf32, #tpu.memory_space<vmem_shared>>, %arg10: memref<10240x32xf32, #tpu.memory_space<vmem_shared>>, %arg11: memref<!tpu.dma_semaphore, #tpu.memory_space<semaphore_mem>>, %arg12: memref<!tpu.dma_semaphore, #tpu.memory_space<semaphore_mem>>, %arg13: memref<!tpu.dma_semaphore, #tpu.memory_space<semaphore_mem>>, %arg14: memref<!tpu.dma_semaphore, #tpu.memory_space<semaphore_mem>>, %arg15: memref<!tpu.dma_semaphore, #tpu.memory_space<semaphore_mem>>, %arg16: memref<!tpu.dma_semaphore, #tpu.memory_space<semaphore_mem>>, %arg17: memref<!tpu.dma_semaphore, #tpu.memory_space<semaphore_mem>>, %arg18: memref<!tpu.dma_semaphore, #tpu.memory_space<semaphore_mem>>, %arg19: memref<!tpu.dma_semaphore, #tpu.memory_space<semaphore_mem>>, %arg20: memref<!tpu.dma_semaphore, #tpu.memory_space<semaphore_mem>>) attributes {dimension_semantics = [#tpu.dimension_semantics<core_parallel>, #tpu.dimension_semantics<subcore_parallel>], iteration_bounds = array<i64: 2, 16>, scalar_prefetch = 0 : i64, scratch_operands = 15 : i64, tpu.core_type = #tpu.core_type<sc_vector_subcore>, window_params = [{transform_indices = #map}, {transform_indices = #map1}, {transform_indices = #map}, {transform_indices = #map2}]} {
    %mul3A = arith.constant 2 : i32
    %mul3A_0 = arith.muli %arg1, %mul3A : i32
    %add3A = arith.addi %mul3A_0, %arg0 : i32
    %mul3A_1 = arith.constant 640 : i32
    %mul3A_2 = arith.muli %arg1, %mul3A_1 : i32
    "tpu.region"() ({
      %run_scoped3A_136 = tpu.sem_alloc : memref<!tpu.dma_semaphore, #tpu.memory_space<semaphore_mem>>
      %dma_start3A_137 = arith.constant 0 : i32
      %dma_start3A_138 = tpu.memref_slice %arg10[%mul3A_2, %dma_start3A_137] : memref<10240x32xf32, #tpu.memory_space<vmem_shared>> -> memref<640x32xf32, #tpu.memory_space<vmem_shared>>
      tpu.enqueue_dma source(%arg4 : memref<640x32xf32, #tpu.memory_space<hbm>>) target(%dma_start3A_138 : memref<640x32xf32, #tpu.memory_space<vmem_shared>>) target_semaphore(%run_scoped3A_136 : memref<!tpu.dma_semaphore, #tpu.memory_space<semaphore_mem>>)
      %dma_wait3A_139 = arith.constant 0 : i32
      %dma_wait3A_140 = tpu.memref_slice %arg10[%mul3A_2, %dma_wait3A_139] : memref<10240x32xf32, #tpu.memory_space<vmem_shared>> -> memref<640x32xf32, #tpu.memory_space<vmem_shared>>
      tpu.wait_dma2 semaphore(%run_scoped3A_136 : memref<!tpu.dma_semaphore, #tpu.memory_space<semaphore_mem>>) src(%arg4 : memref<640x32xf32, #tpu.memory_space<hbm>>) dst(%dma_wait3A_140 : memref<640x32xf32, #tpu.memory_space<vmem_shared>>)
      tpu.yield
    }) : () -> ()
    %mul3A_3 = arith.constant 625 : i32
    %mul3A_4 = arith.muli %arg1, %mul3A_3 : i32
    %mul3A_5 = arith.constant 625 : i32
    %mul3A_6 = arith.muli %arg1, %mul3A_5 : i32
    "tpu.region"() ({
      %run_scoped3A_136 = tpu.sem_alloc : memref<!tpu.dma_semaphore, #tpu.memory_space<semaphore_mem>>
      %dma_start3A_137 = arith.constant 0 : i32
      %dma_start3A_138 = tpu.memref_slice %arg9[%mul3A_6, %dma_start3A_137] : memref<10000x32xf32, #tpu.memory_space<vmem_shared>> -> memref<625x32xf32, #tpu.memory_space<vmem_shared>>
      %dma_start3A_139 = arith.constant 0 : i32
      %dma_start3A_140 = tpu.memref_slice %arg2[%mul3A_4, %dma_start3A_139] : memref<10000x32xf32, #tpu.memory_space<hbm>> -> memref<625x32xf32, #tpu.memory_space<hbm>>
      tpu.enqueue_dma source(%dma_start3A_140 : memref<625x32xf32, #tpu.memory_space<hbm>>) target(%dma_start3A_138 : memref<625x32xf32, #tpu.memory_space<vmem_shared>>) target_semaphore(%run_scoped3A_136 : memref<!tpu.dma_semaphore, #tpu.memory_space<semaphore_mem>>)
      %dma_wait3A_141 = arith.constant 0 : i32
      %dma_wait3A_142 = tpu.memref_slice %arg9[%mul3A_6, %dma_wait3A_141] : memref<10000x32xf32, #tpu.memory_space<vmem_shared>> -> memref<625x32xf32, #tpu.memory_space<vmem_shared>>
      %dma_wait3A_143 = arith.constant 0 : i32
      %dma_wait3A_144 = tpu.memref_slice %arg2[%mul3A_4, %dma_wait3A_143] : memref<10000x32xf32, #tpu.memory_space<hbm>> -> memref<625x32xf32, #tpu.memory_space<hbm>>
      tpu.wait_dma2 semaphore(%run_scoped3A_136 : memref<!tpu.dma_semaphore, #tpu.memory_space<semaphore_mem>>) src(%dma_wait3A_144 : memref<625x32xf32, #tpu.memory_space<hbm>>) dst(%dma_wait3A_142 : memref<625x32xf32, #tpu.memory_space<vmem_shared>>)
      tpu.yield
    }) : () -> ()
    %run_scoped3A = arith.constant 0 : i32
    "tpu.region"() ({
      %run_scoped3A_136 = tpu.sem_alloc : memref<!tpu.dma_semaphore, #tpu.memory_space<semaphore_mem>>
      %dma_start3A_137 = arith.constant 0 : i32
      %dma_start3A_138 = arith.constant 0 : i32
      %dma_start3A_139 = tpu.memref_slice %arg3[%run_scoped3A, %add3A, %dma_start3A_137, %dma_start3A_138] : memref<2x32x80x128xi32, #tpu.memory_space<hbm>> -> memref<1x1x80x128xi32, #tpu.memory_space<hbm>>
      %dma_start3A_140 = tpu.memref_squeeze %dma_start3A_139 : memref<1x1x80x128xi32, #tpu.memory_space<hbm>> -> memref<80x128xi32, #tpu.memory_space<hbm>>
      %dma_start3A_141 = arith.constant 0 : i32
      %dma_start3A_142 = arith.constant 0 : i32
      %dma_start3A_143 = tpu.memref_slice %arg3[%run_scoped3A, %add3A, %dma_start3A_141, %dma_start3A_142] : memref<2x32x80x128xi32, #tpu.memory_space<hbm>> -> memref<1x1x80x128xi32, #tpu.memory_space<hbm>>
      %dma_start3A_144 = tpu.memref_squeeze %dma_start3A_143 : memref<1x1x80x128xi32, #tpu.memory_space<hbm>> -> memref<80x128xi32, #tpu.memory_space<hbm>>
      tpu.enqueue_dma source(%dma_start3A_144 : memref<80x128xi32, #tpu.memory_space<hbm>>) target(%arg6 : memref<80x128xi32, #tpu.memory_space<vmem>>) target_semaphore(%run_scoped3A_136 : memref<!tpu.dma_semaphore, #tpu.memory_space<semaphore_mem>>)
      %dma_wait3A_145 = arith.constant 0 : i32
      %dma_wait3A_146 = arith.constant 0 : i32
      %dma_wait3A_147 = tpu.memref_slice %arg3[%run_scoped3A, %add3A, %dma_wait3A_145, %dma_wait3A_146] : memref<2x32x80x128xi32, #tpu.memory_space<hbm>> -> memref<1x1x80x128xi32, #tpu.memory_space<hbm>>
      %dma_wait3A_148 = tpu.memref_squeeze %dma_wait3A_147 : memref<1x1x80x128xi32, #tpu.memory_space<hbm>> -> memref<80x128xi32, #tpu.memory_space<hbm>>
      %dma_wait3A_149 = arith.constant 0 : i32
      %dma_wait3A_150 = arith.constant 0 : i32
      %dma_wait3A_151 = tpu.memref_slice %arg3[%run_scoped3A, %add3A, %dma_wait3A_149, %dma_wait3A_150] : memref<2x32x80x128xi32, #tpu.memory_space<hbm>> -> memref<1x1x80x128xi32, #tpu.memory_space<hbm>>
      %dma_wait3A_152 = tpu.memref_squeeze %dma_wait3A_151 : memref<1x1x80x128xi32, #tpu.memory_space<hbm>> -> memref<80x128xi32, #tpu.memory_space<hbm>>
      tpu.wait_dma2 semaphore(%run_scoped3A_136 : memref<!tpu.dma_semaphore, #tpu.memory_space<semaphore_mem>>) src(%dma_wait3A_152 : memref<80x128xi32, #tpu.memory_space<hbm>>) dst(%arg6 : memref<80x128xi32, #tpu.memory_space<vmem>>)
      tpu.yield
    }) : () -> ()
    %run_scoped3A_7 = arith.constant 1 : i32
    "tpu.region"() ({
      %run_scoped3A_136 = tpu.sem_alloc : memref<!tpu.dma_semaphore, #tpu.memory_space<semaphore_mem>>
      %dma_start3A_137 = arith.constant 0 : i32
      %dma_start3A_138 = arith.constant 0 : i32
      %dma_start3A_139 = tpu.memref_slice %arg3[%run_scoped3A_7, %add3A, %dma_start3A_137, %dma_start3A_138] : memref<2x32x80x128xi32, #tpu.memory_space<hbm>> -> memref<1x1x80x128xi32, #tpu.memory_space<hbm>>
      %dma_start3A_140 = tpu.memref_squeeze %dma_start3A_139 : memref<1x1x80x128xi32, #tpu.memory_space<hbm>> -> memref<80x128xi32, #tpu.memory_space<hbm>>
      %dma_start3A_141 = arith.constant 0 : i32
      %dma_start3A_142 = arith.constant 0 : i32
      %dma_start3A_143 = tpu.memref_slice %arg3[%run_scoped3A_7, %add3A, %dma_start3A_141, %dma_start3A_142] : memref<2x32x80x128xi32, #tpu.memory_space<hbm>> -> memref<1x1x80x128xi32, #tpu.memory_space<hbm>>
      %dma_start3A_144 = tpu.memref_squeeze %dma_start3A_143 : memref<1x1x80x128xi32, #tpu.memory_space<hbm>> -> memref<80x128xi32, #tpu.memory_space<hbm>>
      tpu.enqueue_dma source(%dma_start3A_144 : memref<80x128xi32, #tpu.memory_space<hbm>>) target(%arg7 : memref<80x128xi32, #tpu.memory_space<vmem>>) target_semaphore(%run_scoped3A_136 : memref<!tpu.dma_semaphore, #tpu.memory_space<semaphore_mem>>)
      %dma_wait3A_145 = arith.constant 0 : i32
      %dma_wait3A_146 = arith.constant 0 : i32
      %dma_wait3A_147 = tpu.memref_slice %arg3[%run_scoped3A_7, %add3A, %dma_wait3A_145, %dma_wait3A_146] : memref<2x32x80x128xi32, #tpu.memory_space<hbm>> -> memref<1x1x80x128xi32, #tpu.memory_space<hbm>>
      %dma_wait3A_148 = tpu.memref_squeeze %dma_wait3A_147 : memref<1x1x80x128xi32, #tpu.memory_space<hbm>> -> memref<80x128xi32, #tpu.memory_space<hbm>>
      %dma_wait3A_149 = arith.constant 0 : i32
      %dma_wait3A_150 = arith.constant 0 : i32
      %dma_wait3A_151 = tpu.memref_slice %arg3[%run_scoped3A_7, %add3A, %dma_wait3A_149, %dma_wait3A_150] : memref<2x32x80x128xi32, #tpu.memory_space<hbm>> -> memref<1x1x80x128xi32, #tpu.memory_space<hbm>>
      %dma_wait3A_152 = tpu.memref_squeeze %dma_wait3A_151 : memref<1x1x80x128xi32, #tpu.memory_space<hbm>> -> memref<80x128xi32, #tpu.memory_space<hbm>>
      tpu.wait_dma2 semaphore(%run_scoped3A_136 : memref<!tpu.dma_semaphore, #tpu.memory_space<semaphore_mem>>) src(%dma_wait3A_152 : memref<80x128xi32, #tpu.memory_space<hbm>>) dst(%arg7 : memref<80x128xi32, #tpu.memory_space<vmem>>)
      tpu.yield
    }) : () -> ()
    %barrier3A = arith.constant 0 : index
    tpu.barrier barrier_id(%barrier3A)
    %dma_start3A = arith.constant 0 : i32
    %dma_start3A_8 = arith.constant 0 : i32
    %dma_start3A_9 = arith.constant 0 : i32
    %dma_start3A_10 = arith.constant 0 : i32
    %dma_start3A_11 = tpu.memref_slice %arg8[%dma_start3A_8, %dma_start3A_9, %dma_start3A_10] : memref<5x128x32xf32, #tpu.memory_space<vmem>> -> memref<1x128x32xf32, #tpu.memory_space<vmem>>
    %dma_start3A_12 = tpu.memref_squeeze %dma_start3A_11 : memref<1x128x32xf32, #tpu.memory_space<vmem>> -> memref<128x32xf32, #tpu.memory_space<vmem>>
    %dma_start3A_13 = arith.constant 0 : i32
    %dma_start3A_14 = tpu.memref_slice %arg6[%dma_start3A, %dma_start3A_13] : memref<80x128xi32, #tpu.memory_space<vmem>> -> memref<1x128xi32, #tpu.memory_space<vmem>>
    %dma_start3A_15 = tpu.memref_squeeze %dma_start3A_14 : memref<1x128xi32, #tpu.memory_space<vmem>> -> memref<128xi32, #tpu.memory_space<vmem>>
    %dma_start3A_16 = arith.constant 0 : i32
    %dma_start3A_17 = arith.constant 0 : i32
    %dma_start3A_18 = tpu.memref_slice %arg9[%dma_start3A_16, %dma_start3A_17] : memref<10000x32xf32, #tpu.memory_space<vmem_shared>> -> memref<10000x32xf32, #tpu.memory_space<vmem_shared>>
    tpu.enqueue_indirect_dma source(%dma_start3A_18 : memref<10000x32xf32, #tpu.memory_space<vmem_shared>>) target(%dma_start3A_12 : memref<128x32xf32, #tpu.memory_space<vmem>>) offsets(%dma_start3A_15 : memref<128xi32, #tpu.memory_space<vmem>>) semaphore(%arg11 : memref<!tpu.dma_semaphore, #tpu.memory_space<semaphore_mem>>)
    %dma_start3A_19 = arith.constant 1 : i32
    %dma_start3A_20 = arith.constant 1 : i32
    %dma_start3A_21 = arith.constant 0 : i32
    %dma_start3A_22 = arith.constant 0 : i32
    %dma_start3A_23 = tpu.memref_slice %arg8[%dma_start3A_20, %dma_start3A_21, %dma_start3A_22] : memref<5x128x32xf32, #tpu.memory_space<vmem>> -> memref<1x128x32xf32, #tpu.memory_space<vmem>>
    %dma_start3A_24 = tpu.memref_squeeze %dma_start3A_23 : memref<1x128x32xf32, #tpu.memory_space<vmem>> -> memref<128x32xf32, #tpu.memory_space<vmem>>
    %dma_start3A_25 = arith.constant 0 : i32
    %dma_start3A_26 = tpu.memref_slice %arg6[%dma_start3A_19, %dma_start3A_25] : memref<80x128xi32, #tpu.memory_space<vmem>> -> memref<1x128xi32, #tpu.memory_space<vmem>>
    %dma_start3A_27 = tpu.memref_squeeze %dma_start3A_26 : memref<1x128xi32, #tpu.memory_space<vmem>> -> memref<128xi32, #tpu.memory_space<vmem>>
    %dma_start3A_28 = arith.constant 0 : i32
    %dma_start3A_29 = arith.constant 0 : i32
    %dma_start3A_30 = tpu.memref_slice %arg9[%dma_start3A_28, %dma_start3A_29] : memref<10000x32xf32, #tpu.memory_space<vmem_shared>> -> memref<10000x32xf32, #tpu.memory_space<vmem_shared>>
    tpu.enqueue_indirect_dma source(%dma_start3A_30 : memref<10000x32xf32, #tpu.memory_space<vmem_shared>>) target(%dma_start3A_24 : memref<128x32xf32, #tpu.memory_space<vmem>>) offsets(%dma_start3A_27 : memref<128xi32, #tpu.memory_space<vmem>>) semaphore(%arg12 : memref<!tpu.dma_semaphore, #tpu.memory_space<semaphore_mem>>)
    %dma_start3A_31 = arith.constant 2 : i32
    %dma_start3A_32 = arith.constant 2 : i32
    %dma_start3A_33 = arith.constant 0 : i32
    %dma_start3A_34 = arith.constant 0 : i32
    %dma_start3A_35 = tpu.memref_slice %arg8[%dma_start3A_32, %dma_start3A_33, %dma_start3A_34] : memref<5x128x32xf32, #tpu.memory_space<vmem>> -> memref<1x128x32xf32, #tpu.memory_space<vmem>>
    %dma_start3A_36 = tpu.memref_squeeze %dma_start3A_35 : memref<1x128x32xf32, #tpu.memory_space<vmem>> -> memref<128x32xf32, #tpu.memory_space<vmem>>
    %dma_start3A_37 = arith.constant 0 : i32
    %dma_start3A_38 = tpu.memref_slice %arg6[%dma_start3A_31, %dma_start3A_37] : memref<80x128xi32, #tpu.memory_space<vmem>> -> memref<1x128xi32, #tpu.memory_space<vmem>>
    %dma_start3A_39 = tpu.memref_squeeze %dma_start3A_38 : memref<1x128xi32, #tpu.memory_space<vmem>> -> memref<128xi32, #tpu.memory_space<vmem>>
    %dma_start3A_40 = arith.constant 0 : i32
    %dma_start3A_41 = arith.constant 0 : i32
    %dma_start3A_42 = tpu.memref_slice %arg9[%dma_start3A_40, %dma_start3A_41] : memref<10000x32xf32, #tpu.memory_space<vmem_shared>> -> memref<10000x32xf32, #tpu.memory_space<vmem_shared>>
    tpu.enqueue_indirect_dma source(%dma_start3A_42 : memref<10000x32xf32, #tpu.memory_space<vmem_shared>>) target(%dma_start3A_36 : memref<128x32xf32, #tpu.memory_space<vmem>>) offsets(%dma_start3A_39 : memref<128xi32, #tpu.memory_space<vmem>>) semaphore(%arg13 : memref<!tpu.dma_semaphore, #tpu.memory_space<semaphore_mem>>)
    %dma_start3A_43 = arith.constant 3 : i32
    %dma_start3A_44 = arith.constant 3 : i32
    %dma_start3A_45 = arith.constant 0 : i32
    %dma_start3A_46 = arith.constant 0 : i32
    %dma_start3A_47 = tpu.memref_slice %arg8[%dma_start3A_44, %dma_start3A_45, %dma_start3A_46] : memref<5x128x32xf32, #tpu.memory_space<vmem>> -> memref<1x128x32xf32, #tpu.memory_space<vmem>>
    %dma_start3A_48 = tpu.memref_squeeze %dma_start3A_47 : memref<1x128x32xf32, #tpu.memory_space<vmem>> -> memref<128x32xf32, #tpu.memory_space<vmem>>
    %dma_start3A_49 = arith.constant 0 : i32
    %dma_start3A_50 = tpu.memref_slice %arg6[%dma_start3A_43, %dma_start3A_49] : memref<80x128xi32, #tpu.memory_space<vmem>> -> memref<1x128xi32, #tpu.memory_space<vmem>>
    %dma_start3A_51 = tpu.memref_squeeze %dma_start3A_50 : memref<1x128xi32, #tpu.memory_space<vmem>> -> memref<128xi32, #tpu.memory_space<vmem>>
    %dma_start3A_52 = arith.constant 0 : i32
    %dma_start3A_53 = arith.constant 0 : i32
    %dma_start3A_54 = tpu.memref_slice %arg9[%dma_start3A_52, %dma_start3A_53] : memref<10000x32xf32, #tpu.memory_space<vmem_shared>> -> memref<10000x32xf32, #tpu.memory_space<vmem_shared>>
    tpu.enqueue_indirect_dma source(%dma_start3A_54 : memref<10000x32xf32, #tpu.memory_space<vmem_shared>>) target(%dma_start3A_48 : memref<128x32xf32, #tpu.memory_space<vmem>>) offsets(%dma_start3A_51 : memref<128xi32, #tpu.memory_space<vmem>>) semaphore(%arg14 : memref<!tpu.dma_semaphore, #tpu.memory_space<semaphore_mem>>)
    %dma_start3A_55 = arith.constant 4 : i32
    %dma_start3A_56 = arith.constant 4 : i32
    %dma_start3A_57 = arith.constant 0 : i32
    %dma_start3A_58 = arith.constant 0 : i32
    %dma_start3A_59 = tpu.memref_slice %arg8[%dma_start3A_56, %dma_start3A_57, %dma_start3A_58] : memref<5x128x32xf32, #tpu.memory_space<vmem>> -> memref<1x128x32xf32, #tpu.memory_space<vmem>>
    %dma_start3A_60 = tpu.memref_squeeze %dma_start3A_59 : memref<1x128x32xf32, #tpu.memory_space<vmem>> -> memref<128x32xf32, #tpu.memory_space<vmem>>
    %dma_start3A_61 = arith.constant 0 : i32
    %dma_start3A_62 = tpu.memref_slice %arg6[%dma_start3A_55, %dma_start3A_61] : memref<80x128xi32, #tpu.memory_space<vmem>> -> memref<1x128xi32, #tpu.memory_space<vmem>>
    %dma_start3A_63 = tpu.memref_squeeze %dma_start3A_62 : memref<1x128xi32, #tpu.memory_space<vmem>> -> memref<128xi32, #tpu.memory_space<vmem>>
    %dma_start3A_64 = arith.constant 0 : i32
    %dma_start3A_65 = arith.constant 0 : i32
    %dma_start3A_66 = tpu.memref_slice %arg9[%dma_start3A_64, %dma_start3A_65] : memref<10000x32xf32, #tpu.memory_space<vmem_shared>> -> memref<10000x32xf32, #tpu.memory_space<vmem_shared>>
    tpu.enqueue_indirect_dma source(%dma_start3A_66 : memref<10000x32xf32, #tpu.memory_space<vmem_shared>>) target(%dma_start3A_60 : memref<128x32xf32, #tpu.memory_space<vmem>>) offsets(%dma_start3A_63 : memref<128xi32, #tpu.memory_space<vmem>>) semaphore(%arg15 : memref<!tpu.dma_semaphore, #tpu.memory_space<semaphore_mem>>)
    %scan3A = arith.constant 0 : i32
    %scan3A_67 = arith.constant 0 : i32
    %scan3A_68 = arith.constant 16 : i32
    %scan3A_69 = arith.addi %scan3A_67, %scan3A_68 : i32
    %scan3A_70 = arith.constant 1 : i32
    scf.for %scan3A_136 = %scan3A_67 to %scan3A_69 step %scan3A_70  : i32 {
      %mul3A_137 = arith.constant 5 : i32
      %mul3A_138 = arith.muli %scan3A_136, %mul3A_137 : i32
      %add3A_139 = arith.constant 0 : i32
      %add3A_140 = arith.addi %mul3A_138, %add3A_139 : i32
      %dma_wait3A_141 = arith.constant 0 : i32
      %dma_wait3A_142 = arith.constant 0 : i32
      %dma_wait3A_143 = arith.constant 0 : i32
      %dma_wait3A_144 = tpu.memref_slice %arg8[%dma_wait3A_141, %dma_wait3A_142, %dma_wait3A_143] : memref<5x128x32xf32, #tpu.memory_space<vmem>> -> memref<1x128x32xf32, #tpu.memory_space<vmem>>
      %dma_wait3A_145 = tpu.memref_squeeze %dma_wait3A_144 : memref<1x128x32xf32, #tpu.memory_space<vmem>> -> memref<128x32xf32, #tpu.memory_space<vmem>>
      %dma_wait3A_146 = arith.constant 0 : i32
      %dma_wait3A_147 = arith.constant 0 : i32
      %dma_wait3A_148 = tpu.memref_slice %arg2[%dma_wait3A_146, %dma_wait3A_147] : memref<10000x32xf32, #tpu.memory_space<hbm>> -> memref<128x32xf32, #tpu.memory_space<hbm>>
      %dma_wait3A_149 = arith.constant 0 : i32
      %dma_wait3A_150 = arith.constant 0 : i32
      %dma_wait3A_151 = tpu.memref_slice %arg8[%dma_wait3A_141, %dma_wait3A_149, %dma_wait3A_150] : memref<5x128x32xf32, #tpu.memory_space<vmem>> -> memref<1x128x32xf32, #tpu.memory_space<vmem>>
      %dma_wait3A_152 = tpu.memref_squeeze %dma_wait3A_151 : memref<1x128x32xf32, #tpu.memory_space<vmem>> -> memref<128x32xf32, #tpu.memory_space<vmem>>
      %dma_wait3A_153 = arith.constant 0 : i32
      %dma_wait3A_154 = arith.constant 0 : i32
      %dma_wait3A_155 = tpu.memref_slice %arg2[%dma_wait3A_153, %dma_wait3A_154] : memref<10000x32xf32, #tpu.memory_space<hbm>> -> memref<128x32xf32, #tpu.memory_space<hbm>>
      tpu.wait_dma2 semaphore(%arg11 : memref<!tpu.dma_semaphore, #tpu.memory_space<semaphore_mem>>) src(%dma_wait3A_155 : memref<128x32xf32, #tpu.memory_space<hbm>>) dst(%dma_wait3A_152 : memref<128x32xf32, #tpu.memory_space<vmem>>)
      %dma_start3A_156 = arith.constant 0 : i32
      %dma_start3A_157 = arith.constant 0 : i32
      %dma_start3A_158 = arith.constant 0 : i32
      %dma_start3A_159 = tpu.memref_slice %arg8[%dma_start3A_156, %dma_start3A_157, %dma_start3A_158] : memref<5x128x32xf32, #tpu.memory_space<vmem>> -> memref<1x128x32xf32, #tpu.memory_space<vmem>>
      %dma_start3A_160 = tpu.memref_squeeze %dma_start3A_159 : memref<1x128x32xf32, #tpu.memory_space<vmem>> -> memref<128x32xf32, #tpu.memory_space<vmem>>
      %dma_start3A_161 = arith.constant 0 : i32
      %dma_start3A_162 = tpu.memref_slice %arg7[%add3A_140, %dma_start3A_161] : memref<80x128xi32, #tpu.memory_space<vmem>> -> memref<1x128xi32, #tpu.memory_space<vmem>>
      %dma_start3A_163 = tpu.memref_squeeze %dma_start3A_162 : memref<1x128xi32, #tpu.memory_space<vmem>> -> memref<128xi32, #tpu.memory_space<vmem>>
      %dma_start3A_164 = arith.constant 0 : i32
      %dma_start3A_165 = arith.constant 0 : i32
      %dma_start3A_166 = tpu.memref_slice %arg10[%dma_start3A_164, %dma_start3A_165] : memref<10240x32xf32, #tpu.memory_space<vmem_shared>> -> memref<10240x32xf32, #tpu.memory_space<vmem_shared>>
      tpu.enqueue_indirect_dma source(%dma_start3A_160 : memref<128x32xf32, #tpu.memory_space<vmem>>) target(%dma_start3A_166 : memref<10240x32xf32, #tpu.memory_space<vmem_shared>>) offsets(%dma_start3A_163 : memref<128xi32, #tpu.memory_space<vmem>>) semaphore(%arg16 : memref<!tpu.dma_semaphore, #tpu.memory_space<semaphore_mem>>) {add = true}
      %ge3A = arith.constant 1 : i32
      %ge3A_167 = arith.cmpi sge, %scan3A_136, %ge3A : i32
      %convert_element_type3A = arith.extui %ge3A_167 : i1 to i32
      %cond3A = arith.constant 0 : i32
      %cond3A_168 = arith.cmpi ne, %convert_element_type3A, %cond3A : i32
      scf.if %cond3A_168 {
        %sub3A = arith.constant 1 : i32
        %sub3A_308 = arith.subi %add3A_140, %sub3A : i32
        %dma_wait3A_309 = arith.constant 4 : i32
        %dma_wait3A_310 = arith.constant 0 : i32
        %dma_wait3A_311 = arith.constant 0 : i32
        %dma_wait3A_312 = tpu.memref_slice %arg8[%dma_wait3A_309, %dma_wait3A_310, %dma_wait3A_311] : memref<5x128x32xf32, #tpu.memory_space<vmem>> -> memref<1x128x32xf32, #tpu.memory_space<vmem>>
        %dma_wait3A_313 = tpu.memref_squeeze %dma_wait3A_312 : memref<1x128x32xf32, #tpu.memory_space<vmem>> -> memref<128x32xf32, #tpu.memory_space<vmem>>
        %dma_wait3A_314 = arith.constant 0 : i32
        %dma_wait3A_315 = tpu.memref_slice %arg7[%sub3A_308, %dma_wait3A_314] : memref<80x128xi32, #tpu.memory_space<vmem>> -> memref<1x128xi32, #tpu.memory_space<vmem>>
        %dma_wait3A_316 = tpu.memref_squeeze %dma_wait3A_315 : memref<1x128xi32, #tpu.memory_space<vmem>> -> memref<128xi32, #tpu.memory_space<vmem>>
        %dma_wait3A_317 = arith.constant 0 : i32
        %dma_wait3A_318 = arith.constant 0 : i32
        %dma_wait3A_319 = tpu.memref_slice %arg10[%dma_wait3A_317, %dma_wait3A_318] : memref<10240x32xf32, #tpu.memory_space<vmem_shared>> -> memref<10240x32xf32, #tpu.memory_space<vmem_shared>>
        tpu.wait_indirect_dma semaphore(%arg20 : memref<!tpu.dma_semaphore, #tpu.memory_space<semaphore_mem>>) src(%dma_wait3A_313 : memref<128x32xf32, #tpu.memory_space<vmem>>) dst(%dma_wait3A_319 : memref<10240x32xf32, #tpu.memory_space<vmem_shared>>)
        %add3A_320 = arith.constant 5 : i32
        %add3A_321 = arith.addi %sub3A_308, %add3A_320 : i32
        %dma_start3A_322 = arith.constant 4 : i32
        %dma_start3A_323 = arith.constant 0 : i32
        %dma_start3A_324 = arith.constant 0 : i32
        %dma_start3A_325 = tpu.memref_slice %arg8[%dma_start3A_322, %dma_start3A_323, %dma_start3A_324] : memref<5x128x32xf32, #tpu.memory_space<vmem>> -> memref<1x128x32xf32, #tpu.memory_space<vmem>>
        %dma_start3A_326 = tpu.memref_squeeze %dma_start3A_325 : memref<1x128x32xf32, #tpu.memory_space<vmem>> -> memref<128x32xf32, #tpu.memory_space<vmem>>
        %dma_start3A_327 = arith.constant 0 : i32
        %dma_start3A_328 = tpu.memref_slice %arg6[%add3A_321, %dma_start3A_327] : memref<80x128xi32, #tpu.memory_space<vmem>> -> memref<1x128xi32, #tpu.memory_space<vmem>>
        %dma_start3A_329 = tpu.memref_squeeze %dma_start3A_328 : memref<1x128xi32, #tpu.memory_space<vmem>> -> memref<128xi32, #tpu.memory_space<vmem>>
        %dma_start3A_330 = arith.constant 0 : i32
        %dma_start3A_331 = arith.constant 0 : i32
        %dma_start3A_332 = tpu.memref_slice %arg9[%dma_start3A_330, %dma_start3A_331] : memref<10000x32xf32, #tpu.memory_space<vmem_shared>> -> memref<10000x32xf32, #tpu.memory_space<vmem_shared>>
        tpu.enqueue_indirect_dma source(%dma_start3A_332 : memref<10000x32xf32, #tpu.memory_space<vmem_shared>>) target(%dma_start3A_326 : memref<128x32xf32, #tpu.memory_space<vmem>>) offsets(%dma_start3A_329 : memref<128xi32, #tpu.memory_space<vmem>>) semaphore(%arg15 : memref<!tpu.dma_semaphore, #tpu.memory_space<semaphore_mem>>)
      } else {
      }
      %mul3A_169 = arith.constant 5 : i32
      %mul3A_170 = arith.muli %scan3A_136, %mul3A_169 : i32
      %add3A_171 = arith.constant 1 : i32
      %add3A_172 = arith.addi %mul3A_170, %add3A_171 : i32
      %dma_wait3A_173 = arith.constant 1 : i32
      %dma_wait3A_174 = arith.constant 0 : i32
      %dma_wait3A_175 = arith.constant 0 : i32
      %dma_wait3A_176 = tpu.memref_slice %arg8[%dma_wait3A_173, %dma_wait3A_174, %dma_wait3A_175] : memref<5x128x32xf32, #tpu.memory_space<vmem>> -> memref<1x128x32xf32, #tpu.memory_space<vmem>>
      %dma_wait3A_177 = tpu.memref_squeeze %dma_wait3A_176 : memref<1x128x32xf32, #tpu.memory_space<vmem>> -> memref<128x32xf32, #tpu.memory_space<vmem>>
      %dma_wait3A_178 = arith.constant 0 : i32
      %dma_wait3A_179 = arith.constant 0 : i32
      %dma_wait3A_180 = tpu.memref_slice %arg2[%dma_wait3A_178, %dma_wait3A_179] : memref<10000x32xf32, #tpu.memory_space<hbm>> -> memref<128x32xf32, #tpu.memory_space<hbm>>
      %dma_wait3A_181 = arith.constant 0 : i32
      %dma_wait3A_182 = arith.constant 0 : i32
      %dma_wait3A_183 = tpu.memref_slice %arg8[%dma_wait3A_173, %dma_wait3A_181, %dma_wait3A_182] : memref<5x128x32xf32, #tpu.memory_space<vmem>> -> memref<1x128x32xf32, #tpu.memory_space<vmem>>
      %dma_wait3A_184 = tpu.memref_squeeze %dma_wait3A_183 : memref<1x128x32xf32, #tpu.memory_space<vmem>> -> memref<128x32xf32, #tpu.memory_space<vmem>>
      %dma_wait3A_185 = arith.constant 0 : i32
      %dma_wait3A_186 = arith.constant 0 : i32
      %dma_wait3A_187 = tpu.memref_slice %arg2[%dma_wait3A_185, %dma_wait3A_186] : memref<10000x32xf32, #tpu.memory_space<hbm>> -> memref<128x32xf32, #tpu.memory_space<hbm>>
      tpu.wait_dma2 semaphore(%arg12 : memref<!tpu.dma_semaphore, #tpu.memory_space<semaphore_mem>>) src(%dma_wait3A_187 : memref<128x32xf32, #tpu.memory_space<hbm>>) dst(%dma_wait3A_184 : memref<128x32xf32, #tpu.memory_space<vmem>>)
      %dma_start3A_188 = arith.constant 1 : i32
      %dma_start3A_189 = arith.constant 0 : i32
      %dma_start3A_190 = arith.constant 0 : i32
      %dma_start3A_191 = tpu.memref_slice %arg8[%dma_start3A_188, %dma_start3A_189, %dma_start3A_190] : memref<5x128x32xf32, #tpu.memory_space<vmem>> -> memref<1x128x32xf32, #tpu.memory_space<vmem>>
      %dma_start3A_192 = tpu.memref_squeeze %dma_start3A_191 : memref<1x128x32xf32, #tpu.memory_space<vmem>> -> memref<128x32xf32, #tpu.memory_space<vmem>>
      %dma_start3A_193 = arith.constant 0 : i32
      %dma_start3A_194 = tpu.memref_slice %arg7[%add3A_172, %dma_start3A_193] : memref<80x128xi32, #tpu.memory_space<vmem>> -> memref<1x128xi32, #tpu.memory_space<vmem>>
      %dma_start3A_195 = tpu.memref_squeeze %dma_start3A_194 : memref<1x128xi32, #tpu.memory_space<vmem>> -> memref<128xi32, #tpu.memory_space<vmem>>
      %dma_start3A_196 = arith.constant 0 : i32
      %dma_start3A_197 = arith.constant 0 : i32
      %dma_start3A_198 = tpu.memref_slice %arg10[%dma_start3A_196, %dma_start3A_197] : memref<10240x32xf32, #tpu.memory_space<vmem_shared>> -> memref<10240x32xf32, #tpu.memory_space<vmem_shared>>
      tpu.enqueue_indirect_dma source(%dma_start3A_192 : memref<128x32xf32, #tpu.memory_space<vmem>>) target(%dma_start3A_198 : memref<10240x32xf32, #tpu.memory_space<vmem_shared>>) offsets(%dma_start3A_195 : memref<128xi32, #tpu.memory_space<vmem>>) semaphore(%arg17 : memref<!tpu.dma_semaphore, #tpu.memory_space<semaphore_mem>>) {add = true}
      %le3A = arith.constant 14 : i32
      %le3A_199 = arith.cmpi sle, %scan3A_136, %le3A : i32
      %convert_element_type3A_200 = arith.extui %le3A_199 : i1 to i32
      %cond3A_201 = arith.constant 0 : i32
      %cond3A_202 = arith.cmpi ne, %convert_element_type3A_200, %cond3A_201 : i32
      scf.if %cond3A_202 {
        %sub3A = arith.constant 1 : i32
        %sub3A_308 = arith.subi %add3A_172, %sub3A : i32
        %dma_wait3A_309 = arith.constant 0 : i32
        %dma_wait3A_310 = arith.constant 0 : i32
        %dma_wait3A_311 = arith.constant 0 : i32
        %dma_wait3A_312 = tpu.memref_slice %arg8[%dma_wait3A_309, %dma_wait3A_310, %dma_wait3A_311] : memref<5x128x32xf32, #tpu.memory_space<vmem>> -> memref<1x128x32xf32, #tpu.memory_space<vmem>>
        %dma_wait3A_313 = tpu.memref_squeeze %dma_wait3A_312 : memref<1x128x32xf32, #tpu.memory_space<vmem>> -> memref<128x32xf32, #tpu.memory_space<vmem>>
        %dma_wait3A_314 = arith.constant 0 : i32
        %dma_wait3A_315 = tpu.memref_slice %arg7[%sub3A_308, %dma_wait3A_314] : memref<80x128xi32, #tpu.memory_space<vmem>> -> memref<1x128xi32, #tpu.memory_space<vmem>>
        %dma_wait3A_316 = tpu.memref_squeeze %dma_wait3A_315 : memref<1x128xi32, #tpu.memory_space<vmem>> -> memref<128xi32, #tpu.memory_space<vmem>>
        %dma_wait3A_317 = arith.constant 0 : i32
        %dma_wait3A_318 = arith.constant 0 : i32
        %dma_wait3A_319 = tpu.memref_slice %arg10[%dma_wait3A_317, %dma_wait3A_318] : memref<10240x32xf32, #tpu.memory_space<vmem_shared>> -> memref<10240x32xf32, #tpu.memory_space<vmem_shared>>
        tpu.wait_indirect_dma semaphore(%arg16 : memref<!tpu.dma_semaphore, #tpu.memory_space<semaphore_mem>>) src(%dma_wait3A_313 : memref<128x32xf32, #tpu.memory_space<vmem>>) dst(%dma_wait3A_319 : memref<10240x32xf32, #tpu.memory_space<vmem_shared>>)
        %add3A_320 = arith.constant 5 : i32
        %add3A_321 = arith.addi %sub3A_308, %add3A_320 : i32
        %dma_start3A_322 = arith.constant 0 : i32
        %dma_start3A_323 = arith.constant 0 : i32
        %dma_start3A_324 = arith.constant 0 : i32
        %dma_start3A_325 = tpu.memref_slice %arg8[%dma_start3A_322, %dma_start3A_323, %dma_start3A_324] : memref<5x128x32xf32, #tpu.memory_space<vmem>> -> memref<1x128x32xf32, #tpu.memory_space<vmem>>
        %dma_start3A_326 = tpu.memref_squeeze %dma_start3A_325 : memref<1x128x32xf32, #tpu.memory_space<vmem>> -> memref<128x32xf32, #tpu.memory_space<vmem>>
        %dma_start3A_327 = arith.constant 0 : i32
        %dma_start3A_328 = tpu.memref_slice %arg6[%add3A_321, %dma_start3A_327] : memref<80x128xi32, #tpu.memory_space<vmem>> -> memref<1x128xi32, #tpu.memory_space<vmem>>
        %dma_start3A_329 = tpu.memref_squeeze %dma_start3A_328 : memref<1x128xi32, #tpu.memory_space<vmem>> -> memref<128xi32, #tpu.memory_space<vmem>>
        %dma_start3A_330 = arith.constant 0 : i32
        %dma_start3A_331 = arith.constant 0 : i32
        %dma_start3A_332 = tpu.memref_slice %arg9[%dma_start3A_330, %dma_start3A_331] : memref<10000x32xf32, #tpu.memory_space<vmem_shared>> -> memref<10000x32xf32, #tpu.memory_space<vmem_shared>>
        tpu.enqueue_indirect_dma source(%dma_start3A_332 : memref<10000x32xf32, #tpu.memory_space<vmem_shared>>) target(%dma_start3A_326 : memref<128x32xf32, #tpu.memory_space<vmem>>) offsets(%dma_start3A_329 : memref<128xi32, #tpu.memory_space<vmem>>) semaphore(%arg11 : memref<!tpu.dma_semaphore, #tpu.memory_space<semaphore_mem>>)
      } else {
      }
      %mul3A_203 = arith.constant 5 : i32
      %mul3A_204 = arith.muli %scan3A_136, %mul3A_203 : i32
      %add3A_205 = arith.constant 2 : i32
      %add3A_206 = arith.addi %mul3A_204, %add3A_205 : i32
      %dma_wait3A_207 = arith.constant 2 : i32
      %dma_wait3A_208 = arith.constant 0 : i32
      %dma_wait3A_209 = arith.constant 0 : i32
      %dma_wait3A_210 = tpu.memref_slice %arg8[%dma_wait3A_207, %dma_wait3A_208, %dma_wait3A_209] : memref<5x128x32xf32, #tpu.memory_space<vmem>> -> memref<1x128x32xf32, #tpu.memory_space<vmem>>
      %dma_wait3A_211 = tpu.memref_squeeze %dma_wait3A_210 : memref<1x128x32xf32, #tpu.memory_space<vmem>> -> memref<128x32xf32, #tpu.memory_space<vmem>>
      %dma_wait3A_212 = arith.constant 0 : i32
      %dma_wait3A_213 = arith.constant 0 : i32
      %dma_wait3A_214 = tpu.memref_slice %arg2[%dma_wait3A_212, %dma_wait3A_213] : memref<10000x32xf32, #tpu.memory_space<hbm>> -> memref<128x32xf32, #tpu.memory_space<hbm>>
      %dma_wait3A_215 = arith.constant 0 : i32
      %dma_wait3A_216 = arith.constant 0 : i32
      %dma_wait3A_217 = tpu.memref_slice %arg8[%dma_wait3A_207, %dma_wait3A_215, %dma_wait3A_216] : memref<5x128x32xf32, #tpu.memory_space<vmem>> -> memref<1x128x32xf32, #tpu.memory_space<vmem>>
      %dma_wait3A_218 = tpu.memref_squeeze %dma_wait3A_217 : memref<1x128x32xf32, #tpu.memory_space<vmem>> -> memref<128x32xf32, #tpu.memory_space<vmem>>
      %dma_wait3A_219 = arith.constant 0 : i32
      %dma_wait3A_220 = arith.constant 0 : i32
      %dma_wait3A_221 = tpu.memref_slice %arg2[%dma_wait3A_219, %dma_wait3A_220] : memref<10000x32xf32, #tpu.memory_space<hbm>> -> memref<128x32xf32, #tpu.memory_space<hbm>>
      tpu.wait_dma2 semaphore(%arg13 : memref<!tpu.dma_semaphore, #tpu.memory_space<semaphore_mem>>) src(%dma_wait3A_221 : memref<128x32xf32, #tpu.memory_space<hbm>>) dst(%dma_wait3A_218 : memref<128x32xf32, #tpu.memory_space<vmem>>)
      %dma_start3A_222 = arith.constant 2 : i32
      %dma_start3A_223 = arith.constant 0 : i32
      %dma_start3A_224 = arith.constant 0 : i32
      %dma_start3A_225 = tpu.memref_slice %arg8[%dma_start3A_222, %dma_start3A_223, %dma_start3A_224] : memref<5x128x32xf32, #tpu.memory_space<vmem>> -> memref<1x128x32xf32, #tpu.memory_space<vmem>>
      %dma_start3A_226 = tpu.memref_squeeze %dma_start3A_225 : memref<1x128x32xf32, #tpu.memory_space<vmem>> -> memref<128x32xf32, #tpu.memory_space<vmem>>
      %dma_start3A_227 = arith.constant 0 : i32
      %dma_start3A_228 = tpu.memref_slice %arg7[%add3A_206, %dma_start3A_227] : memref<80x128xi32, #tpu.memory_space<vmem>> -> memref<1x128xi32, #tpu.memory_space<vmem>>
      %dma_start3A_229 = tpu.memref_squeeze %dma_start3A_228 : memref<1x128xi32, #tpu.memory_space<vmem>> -> memref<128xi32, #tpu.memory_space<vmem>>
      %dma_start3A_230 = arith.constant 0 : i32
      %dma_start3A_231 = arith.constant 0 : i32
      %dma_start3A_232 = tpu.memref_slice %arg10[%dma_start3A_230, %dma_start3A_231] : memref<10240x32xf32, #tpu.memory_space<vmem_shared>> -> memref<10240x32xf32, #tpu.memory_space<vmem_shared>>
      tpu.enqueue_indirect_dma source(%dma_start3A_226 : memref<128x32xf32, #tpu.memory_space<vmem>>) target(%dma_start3A_232 : memref<10240x32xf32, #tpu.memory_space<vmem_shared>>) offsets(%dma_start3A_229 : memref<128xi32, #tpu.memory_space<vmem>>) semaphore(%arg18 : memref<!tpu.dma_semaphore, #tpu.memory_space<semaphore_mem>>) {add = true}
      %le3A_233 = arith.constant 14 : i32
      %le3A_234 = arith.cmpi sle, %scan3A_136, %le3A_233 : i32
      %convert_element_type3A_235 = arith.extui %le3A_234 : i1 to i32
      %cond3A_236 = arith.constant 0 : i32
      %cond3A_237 = arith.cmpi ne, %convert_element_type3A_235, %cond3A_236 : i32
      scf.if %cond3A_237 {
        %sub3A = arith.constant 1 : i32
        %sub3A_308 = arith.subi %add3A_206, %sub3A : i32
        %dma_wait3A_309 = arith.constant 1 : i32
        %dma_wait3A_310 = arith.constant 0 : i32
        %dma_wait3A_311 = arith.constant 0 : i32
        %dma_wait3A_312 = tpu.memref_slice %arg8[%dma_wait3A_309, %dma_wait3A_310, %dma_wait3A_311] : memref<5x128x32xf32, #tpu.memory_space<vmem>> -> memref<1x128x32xf32, #tpu.memory_space<vmem>>
        %dma_wait3A_313 = tpu.memref_squeeze %dma_wait3A_312 : memref<1x128x32xf32, #tpu.memory_space<vmem>> -> memref<128x32xf32, #tpu.memory_space<vmem>>
        %dma_wait3A_314 = arith.constant 0 : i32
        %dma_wait3A_315 = tpu.memref_slice %arg7[%sub3A_308, %dma_wait3A_314] : memref<80x128xi32, #tpu.memory_space<vmem>> -> memref<1x128xi32, #tpu.memory_space<vmem>>
        %dma_wait3A_316 = tpu.memref_squeeze %dma_wait3A_315 : memref<1x128xi32, #tpu.memory_space<vmem>> -> memref<128xi32, #tpu.memory_space<vmem>>
        %dma_wait3A_317 = arith.constant 0 : i32
        %dma_wait3A_318 = arith.constant 0 : i32
        %dma_wait3A_319 = tpu.memref_slice %arg10[%dma_wait3A_317, %dma_wait3A_318] : memref<10240x32xf32, #tpu.memory_space<vmem_shared>> -> memref<10240x32xf32, #tpu.memory_space<vmem_shared>>
        tpu.wait_indirect_dma semaphore(%arg17 : memref<!tpu.dma_semaphore, #tpu.memory_space<semaphore_mem>>) src(%dma_wait3A_313 : memref<128x32xf32, #tpu.memory_space<vmem>>) dst(%dma_wait3A_319 : memref<10240x32xf32, #tpu.memory_space<vmem_shared>>)
        %add3A_320 = arith.constant 5 : i32
        %add3A_321 = arith.addi %sub3A_308, %add3A_320 : i32
        %dma_start3A_322 = arith.constant 1 : i32
        %dma_start3A_323 = arith.constant 0 : i32
        %dma_start3A_324 = arith.constant 0 : i32
        %dma_start3A_325 = tpu.memref_slice %arg8[%dma_start3A_322, %dma_start3A_323, %dma_start3A_324] : memref<5x128x32xf32, #tpu.memory_space<vmem>> -> memref<1x128x32xf32, #tpu.memory_space<vmem>>
        %dma_start3A_326 = tpu.memref_squeeze %dma_start3A_325 : memref<1x128x32xf32, #tpu.memory_space<vmem>> -> memref<128x32xf32, #tpu.memory_space<vmem>>
        %dma_start3A_327 = arith.constant 0 : i32
        %dma_start3A_328 = tpu.memref_slice %arg6[%add3A_321, %dma_start3A_327] : memref<80x128xi32, #tpu.memory_space<vmem>> -> memref<1x128xi32, #tpu.memory_space<vmem>>
        %dma_start3A_329 = tpu.memref_squeeze %dma_start3A_328 : memref<1x128xi32, #tpu.memory_space<vmem>> -> memref<128xi32, #tpu.memory_space<vmem>>
        %dma_start3A_330 = arith.constant 0 : i32
        %dma_start3A_331 = arith.constant 0 : i32
        %dma_start3A_332 = tpu.memref_slice %arg9[%dma_start3A_330, %dma_start3A_331] : memref<10000x32xf32, #tpu.memory_space<vmem_shared>> -> memref<10000x32xf32, #tpu.memory_space<vmem_shared>>
        tpu.enqueue_indirect_dma source(%dma_start3A_332 : memref<10000x32xf32, #tpu.memory_space<vmem_shared>>) target(%dma_start3A_326 : memref<128x32xf32, #tpu.memory_space<vmem>>) offsets(%dma_start3A_329 : memref<128xi32, #tpu.memory_space<vmem>>) semaphore(%arg12 : memref<!tpu.dma_semaphore, #tpu.memory_space<semaphore_mem>>)
      } else {
      }
      %mul3A_238 = arith.constant 5 : i32
      %mul3A_239 = arith.muli %scan3A_136, %mul3A_238 : i32
      %add3A_240 = arith.constant 3 : i32
      %add3A_241 = arith.addi %mul3A_239, %add3A_240 : i32
      %dma_wait3A_242 = arith.constant 3 : i32
      %dma_wait3A_243 = arith.constant 0 : i32
      %dma_wait3A_244 = arith.constant 0 : i32
      %dma_wait3A_245 = tpu.memref_slice %arg8[%dma_wait3A_242, %dma_wait3A_243, %dma_wait3A_244] : memref<5x128x32xf32, #tpu.memory_space<vmem>> -> memref<1x128x32xf32, #tpu.memory_space<vmem>>
      %dma_wait3A_246 = tpu.memref_squeeze %dma_wait3A_245 : memref<1x128x32xf32, #tpu.memory_space<vmem>> -> memref<128x32xf32, #tpu.memory_space<vmem>>
      %dma_wait3A_247 = arith.constant 0 : i32
      %dma_wait3A_248 = arith.constant 0 : i32
      %dma_wait3A_249 = tpu.memref_slice %arg2[%dma_wait3A_247, %dma_wait3A_248] : memref<10000x32xf32, #tpu.memory_space<hbm>> -> memref<128x32xf32, #tpu.memory_space<hbm>>
      %dma_wait3A_250 = arith.constant 0 : i32
      %dma_wait3A_251 = arith.constant 0 : i32
      %dma_wait3A_252 = tpu.memref_slice %arg8[%dma_wait3A_242, %dma_wait3A_250, %dma_wait3A_251] : memref<5x128x32xf32, #tpu.memory_space<vmem>> -> memref<1x128x32xf32, #tpu.memory_space<vmem>>
      %dma_wait3A_253 = tpu.memref_squeeze %dma_wait3A_252 : memref<1x128x32xf32, #tpu.memory_space<vmem>> -> memref<128x32xf32, #tpu.memory_space<vmem>>
      %dma_wait3A_254 = arith.constant 0 : i32
      %dma_wait3A_255 = arith.constant 0 : i32
      %dma_wait3A_256 = tpu.memref_slice %arg2[%dma_wait3A_254, %dma_wait3A_255] : memref<10000x32xf32, #tpu.memory_space<hbm>> -> memref<128x32xf32, #tpu.memory_space<hbm>>
      tpu.wait_dma2 semaphore(%arg14 : memref<!tpu.dma_semaphore, #tpu.memory_space<semaphore_mem>>) src(%dma_wait3A_256 : memref<128x32xf32, #tpu.memory_space<hbm>>) dst(%dma_wait3A_253 : memref<128x32xf32, #tpu.memory_space<vmem>>)
      %dma_start3A_257 = arith.constant 3 : i32
      %dma_start3A_258 = arith.constant 0 : i32
      %dma_start3A_259 = arith.constant 0 : i32
      %dma_start3A_260 = tpu.memref_slice %arg8[%dma_start3A_257, %dma_start3A_258, %dma_start3A_259] : memref<5x128x32xf32, #tpu.memory_space<vmem>> -> memref<1x128x32xf32, #tpu.memory_space<vmem>>
      %dma_start3A_261 = tpu.memref_squeeze %dma_start3A_260 : memref<1x128x32xf32, #tpu.memory_space<vmem>> -> memref<128x32xf32, #tpu.memory_space<vmem>>
      %dma_start3A_262 = arith.constant 0 : i32
      %dma_start3A_263 = tpu.memref_slice %arg7[%add3A_241, %dma_start3A_262] : memref<80x128xi32, #tpu.memory_space<vmem>> -> memref<1x128xi32, #tpu.memory_space<vmem>>
      %dma_start3A_264 = tpu.memref_squeeze %dma_start3A_263 : memref<1x128xi32, #tpu.memory_space<vmem>> -> memref<128xi32, #tpu.memory_space<vmem>>
      %dma_start3A_265 = arith.constant 0 : i32
      %dma_start3A_266 = arith.constant 0 : i32
      %dma_start3A_267 = tpu.memref_slice %arg10[%dma_start3A_265, %dma_start3A_266] : memref<10240x32xf32, #tpu.memory_space<vmem_shared>> -> memref<10240x32xf32, #tpu.memory_space<vmem_shared>>
      tpu.enqueue_indirect_dma source(%dma_start3A_261 : memref<128x32xf32, #tpu.memory_space<vmem>>) target(%dma_start3A_267 : memref<10240x32xf32, #tpu.memory_space<vmem_shared>>) offsets(%dma_start3A_264 : memref<128xi32, #tpu.memory_space<vmem>>) semaphore(%arg19 : memref<!tpu.dma_semaphore, #tpu.memory_space<semaphore_mem>>) {add = true}
      %le3A_268 = arith.constant 14 : i32
      %le3A_269 = arith.cmpi sle, %scan3A_136, %le3A_268 : i32
      %convert_element_type3A_270 = arith.extui %le3A_269 : i1 to i32
      %cond3A_271 = arith.constant 0 : i32
      %cond3A_272 = arith.cmpi ne, %convert_element_type3A_270, %cond3A_271 : i32
      scf.if %cond3A_272 {
        %sub3A = arith.constant 1 : i32
        %sub3A_308 = arith.subi %add3A_241, %sub3A : i32
        %dma_wait3A_309 = arith.constant 2 : i32
        %dma_wait3A_310 = arith.constant 0 : i32
        %dma_wait3A_311 = arith.constant 0 : i32
        %dma_wait3A_312 = tpu.memref_slice %arg8[%dma_wait3A_309, %dma_wait3A_310, %dma_wait3A_311] : memref<5x128x32xf32, #tpu.memory_space<vmem>> -> memref<1x128x32xf32, #tpu.memory_space<vmem>>
        %dma_wait3A_313 = tpu.memref_squeeze %dma_wait3A_312 : memref<1x128x32xf32, #tpu.memory_space<vmem>> -> memref<128x32xf32, #tpu.memory_space<vmem>>
        %dma_wait3A_314 = arith.constant 0 : i32
        %dma_wait3A_315 = tpu.memref_slice %arg7[%sub3A_308, %dma_wait3A_314] : memref<80x128xi32, #tpu.memory_space<vmem>> -> memref<1x128xi32, #tpu.memory_space<vmem>>
        %dma_wait3A_316 = tpu.memref_squeeze %dma_wait3A_315 : memref<1x128xi32, #tpu.memory_space<vmem>> -> memref<128xi32, #tpu.memory_space<vmem>>
        %dma_wait3A_317 = arith.constant 0 : i32
        %dma_wait3A_318 = arith.constant 0 : i32
        %dma_wait3A_319 = tpu.memref_slice %arg10[%dma_wait3A_317, %dma_wait3A_318] : memref<10240x32xf32, #tpu.memory_space<vmem_shared>> -> memref<10240x32xf32, #tpu.memory_space<vmem_shared>>
        tpu.wait_indirect_dma semaphore(%arg18 : memref<!tpu.dma_semaphore, #tpu.memory_space<semaphore_mem>>) src(%dma_wait3A_313 : memref<128x32xf32, #tpu.memory_space<vmem>>) dst(%dma_wait3A_319 : memref<10240x32xf32, #tpu.memory_space<vmem_shared>>)
        %add3A_320 = arith.constant 5 : i32
        %add3A_321 = arith.addi %sub3A_308, %add3A_320 : i32
        %dma_start3A_322 = arith.constant 2 : i32
        %dma_start3A_323 = arith.constant 0 : i32
        %dma_start3A_324 = arith.constant 0 : i32
        %dma_start3A_325 = tpu.memref_slice %arg8[%dma_start3A_322, %dma_start3A_323, %dma_start3A_324] : memref<5x128x32xf32, #tpu.memory_space<vmem>> -> memref<1x128x32xf32, #tpu.memory_space<vmem>>
        %dma_start3A_326 = tpu.memref_squeeze %dma_start3A_325 : memref<1x128x32xf32, #tpu.memory_space<vmem>> -> memref<128x32xf32, #tpu.memory_space<vmem>>
        %dma_start3A_327 = arith.constant 0 : i32
        %dma_start3A_328 = tpu.memref_slice %arg6[%add3A_321, %dma_start3A_327] : memref<80x128xi32, #tpu.memory_space<vmem>> -> memref<1x128xi32, #tpu.memory_space<vmem>>
        %dma_start3A_329 = tpu.memref_squeeze %dma_start3A_328 : memref<1x128xi32, #tpu.memory_space<vmem>> -> memref<128xi32, #tpu.memory_space<vmem>>
        %dma_start3A_330 = arith.constant 0 : i32
        %dma_start3A_331 = arith.constant 0 : i32
        %dma_start3A_332 = tpu.memref_slice %arg9[%dma_start3A_330, %dma_start3A_331] : memref<10000x32xf32, #tpu.memory_space<vmem_shared>> -> memref<10000x32xf32, #tpu.memory_space<vmem_shared>>
        tpu.enqueue_indirect_dma source(%dma_start3A_332 : memref<10000x32xf32, #tpu.memory_space<vmem_shared>>) target(%dma_start3A_326 : memref<128x32xf32, #tpu.memory_space<vmem>>) offsets(%dma_start3A_329 : memref<128xi32, #tpu.memory_space<vmem>>) semaphore(%arg13 : memref<!tpu.dma_semaphore, #tpu.memory_space<semaphore_mem>>)
      } else {
      }
      %mul3A_273 = arith.constant 5 : i32
      %mul3A_274 = arith.muli %scan3A_136, %mul3A_273 : i32
      %add3A_275 = arith.constant 4 : i32
      %add3A_276 = arith.addi %mul3A_274, %add3A_275 : i32
      %dma_wait3A_277 = arith.constant 4 : i32
      %dma_wait3A_278 = arith.constant 0 : i32
      %dma_wait3A_279 = arith.constant 0 : i32
      %dma_wait3A_280 = tpu.memref_slice %arg8[%dma_wait3A_277, %dma_wait3A_278, %dma_wait3A_279] : memref<5x128x32xf32, #tpu.memory_space<vmem>> -> memref<1x128x32xf32, #tpu.memory_space<vmem>>
      %dma_wait3A_281 = tpu.memref_squeeze %dma_wait3A_280 : memref<1x128x32xf32, #tpu.memory_space<vmem>> -> memref<128x32xf32, #tpu.memory_space<vmem>>
      %dma_wait3A_282 = arith.constant 0 : i32
      %dma_wait3A_283 = arith.constant 0 : i32
      %dma_wait3A_284 = tpu.memref_slice %arg2[%dma_wait3A_282, %dma_wait3A_283] : memref<10000x32xf32, #tpu.memory_space<hbm>> -> memref<128x32xf32, #tpu.memory_space<hbm>>
      %dma_wait3A_285 = arith.constant 0 : i32
      %dma_wait3A_286 = arith.constant 0 : i32
      %dma_wait3A_287 = tpu.memref_slice %arg8[%dma_wait3A_277, %dma_wait3A_285, %dma_wait3A_286] : memref<5x128x32xf32, #tpu.memory_space<vmem>> -> memref<1x128x32xf32, #tpu.memory_space<vmem>>
      %dma_wait3A_288 = tpu.memref_squeeze %dma_wait3A_287 : memref<1x128x32xf32, #tpu.memory_space<vmem>> -> memref<128x32xf32, #tpu.memory_space<vmem>>
      %dma_wait3A_289 = arith.constant 0 : i32
      %dma_wait3A_290 = arith.constant 0 : i32
      %dma_wait3A_291 = tpu.memref_slice %arg2[%dma_wait3A_289, %dma_wait3A_290] : memref<10000x32xf32, #tpu.memory_space<hbm>> -> memref<128x32xf32, #tpu.memory_space<hbm>>
      tpu.wait_dma2 semaphore(%arg15 : memref<!tpu.dma_semaphore, #tpu.memory_space<semaphore_mem>>) src(%dma_wait3A_291 : memref<128x32xf32, #tpu.memory_space<hbm>>) dst(%dma_wait3A_288 : memref<128x32xf32, #tpu.memory_space<vmem>>)
      %dma_start3A_292 = arith.constant 4 : i32
      %dma_start3A_293 = arith.constant 0 : i32
      %dma_start3A_294 = arith.constant 0 : i32
      %dma_start3A_295 = tpu.memref_slice %arg8[%dma_start3A_292, %dma_start3A_293, %dma_start3A_294] : memref<5x128x32xf32, #tpu.memory_space<vmem>> -> memref<1x128x32xf32, #tpu.memory_space<vmem>>
      %dma_start3A_296 = tpu.memref_squeeze %dma_start3A_295 : memref<1x128x32xf32, #tpu.memory_space<vmem>> -> memref<128x32xf32, #tpu.memory_space<vmem>>
      %dma_start3A_297 = arith.constant 0 : i32
      %dma_start3A_298 = tpu.memref_slice %arg7[%add3A_276, %dma_start3A_297] : memref<80x128xi32, #tpu.memory_space<vmem>> -> memref<1x128xi32, #tpu.memory_space<vmem>>
      %dma_start3A_299 = tpu.memref_squeeze %dma_start3A_298 : memref<1x128xi32, #tpu.memory_space<vmem>> -> memref<128xi32, #tpu.memory_space<vmem>>
      %dma_start3A_300 = arith.constant 0 : i32
      %dma_start3A_301 = arith.constant 0 : i32
      %dma_start3A_302 = tpu.memref_slice %arg10[%dma_start3A_300, %dma_start3A_301] : memref<10240x32xf32, #tpu.memory_space<vmem_shared>> -> memref<10240x32xf32, #tpu.memory_space<vmem_shared>>
      tpu.enqueue_indirect_dma source(%dma_start3A_296 : memref<128x32xf32, #tpu.memory_space<vmem>>) target(%dma_start3A_302 : memref<10240x32xf32, #tpu.memory_space<vmem_shared>>) offsets(%dma_start3A_299 : memref<128xi32, #tpu.memory_space<vmem>>) semaphore(%arg20 : memref<!tpu.dma_semaphore, #tpu.memory_space<semaphore_mem>>) {add = true}
      %le3A_303 = arith.constant 14 : i32
      %le3A_304 = arith.cmpi sle, %scan3A_136, %le3A_303 : i32
      %convert_element_type3A_305 = arith.extui %le3A_304 : i1 to i32
      %cond3A_306 = arith.constant 0 : i32
      %cond3A_307 = arith.cmpi ne, %convert_element_type3A_305, %cond3A_306 : i32
      scf.if %cond3A_307 {
        %sub3A = arith.constant 1 : i32
        %sub3A_308 = arith.subi %add3A_276, %sub3A : i32
        %dma_wait3A_309 = arith.constant 3 : i32
        %dma_wait3A_310 = arith.constant 0 : i32
        %dma_wait3A_311 = arith.constant 0 : i32
        %dma_wait3A_312 = tpu.memref_slice %arg8[%dma_wait3A_309, %dma_wait3A_310, %dma_wait3A_311] : memref<5x128x32xf32, #tpu.memory_space<vmem>> -> memref<1x128x32xf32, #tpu.memory_space<vmem>>
        %dma_wait3A_313 = tpu.memref_squeeze %dma_wait3A_312 : memref<1x128x32xf32, #tpu.memory_space<vmem>> -> memref<128x32xf32, #tpu.memory_space<vmem>>
        %dma_wait3A_314 = arith.constant 0 : i32
        %dma_wait3A_315 = tpu.memref_slice %arg7[%sub3A_308, %dma_wait3A_314] : memref<80x128xi32, #tpu.memory_space<vmem>> -> memref<1x128xi32, #tpu.memory_space<vmem>>
        %dma_wait3A_316 = tpu.memref_squeeze %dma_wait3A_315 : memref<1x128xi32, #tpu.memory_space<vmem>> -> memref<128xi32, #tpu.memory_space<vmem>>
        %dma_wait3A_317 = arith.constant 0 : i32
        %dma_wait3A_318 = arith.constant 0 : i32
        %dma_wait3A_319 = tpu.memref_slice %arg10[%dma_wait3A_317, %dma_wait3A_318] : memref<10240x32xf32, #tpu.memory_space<vmem_shared>> -> memref<10240x32xf32, #tpu.memory_space<vmem_shared>>
        tpu.wait_indirect_dma semaphore(%arg19 : memref<!tpu.dma_semaphore, #tpu.memory_space<semaphore_mem>>) src(%dma_wait3A_313 : memref<128x32xf32, #tpu.memory_space<vmem>>) dst(%dma_wait3A_319 : memref<10240x32xf32, #tpu.memory_space<vmem_shared>>)
        %add3A_320 = arith.constant 5 : i32
        %add3A_321 = arith.addi %sub3A_308, %add3A_320 : i32
        %dma_start3A_322 = arith.constant 3 : i32
        %dma_start3A_323 = arith.constant 0 : i32
        %dma_start3A_324 = arith.constant 0 : i32
        %dma_start3A_325 = tpu.memref_slice %arg8[%dma_start3A_322, %dma_start3A_323, %dma_start3A_324] : memref<5x128x32xf32, #tpu.memory_space<vmem>> -> memref<1x128x32xf32, #tpu.memory_space<vmem>>
        %dma_start3A_326 = tpu.memref_squeeze %dma_start3A_325 : memref<1x128x32xf32, #tpu.memory_space<vmem>> -> memref<128x32xf32, #tpu.memory_space<vmem>>
        %dma_start3A_327 = arith.constant 0 : i32
        %dma_start3A_328 = tpu.memref_slice %arg6[%add3A_321, %dma_start3A_327] : memref<80x128xi32, #tpu.memory_space<vmem>> -> memref<1x128xi32, #tpu.memory_space<vmem>>
        %dma_start3A_329 = tpu.memref_squeeze %dma_start3A_328 : memref<1x128xi32, #tpu.memory_space<vmem>> -> memref<128xi32, #tpu.memory_space<vmem>>
        %dma_start3A_330 = arith.constant 0 : i32
        %dma_start3A_331 = arith.constant 0 : i32
        %dma_start3A_332 = tpu.memref_slice %arg9[%dma_start3A_330, %dma_start3A_331] : memref<10000x32xf32, #tpu.memory_space<vmem_shared>> -> memref<10000x32xf32, #tpu.memory_space<vmem_shared>>
        tpu.enqueue_indirect_dma source(%dma_start3A_332 : memref<10000x32xf32, #tpu.memory_space<vmem_shared>>) target(%dma_start3A_326 : memref<128x32xf32, #tpu.memory_space<vmem>>) offsets(%dma_start3A_329 : memref<128xi32, #tpu.memory_space<vmem>>) semaphore(%arg14 : memref<!tpu.dma_semaphore, #tpu.memory_space<semaphore_mem>>)
      } else {
      }
    }
    %scan3A_71 = arith.constant 16 : i32
    %dma_wait3A = arith.constant 0 : i32
    %dma_wait3A_72 = arith.constant 75 : i32
    %dma_wait3A_73 = arith.constant 0 : i32
    %dma_wait3A_74 = arith.constant 0 : i32
    %dma_wait3A_75 = tpu.memref_slice %arg8[%dma_wait3A, %dma_wait3A_73, %dma_wait3A_74] : memref<5x128x32xf32, #tpu.memory_space<vmem>> -> memref<1x128x32xf32, #tpu.memory_space<vmem>>
    %dma_wait3A_76 = tpu.memref_squeeze %dma_wait3A_75 : memref<1x128x32xf32, #tpu.memory_space<vmem>> -> memref<128x32xf32, #tpu.memory_space<vmem>>
    %dma_wait3A_77 = arith.constant 0 : i32
    %dma_wait3A_78 = tpu.memref_slice %arg7[%dma_wait3A_72, %dma_wait3A_77] : memref<80x128xi32, #tpu.memory_space<vmem>> -> memref<1x128xi32, #tpu.memory_space<vmem>>
    %dma_wait3A_79 = tpu.memref_squeeze %dma_wait3A_78 : memref<1x128xi32, #tpu.memory_space<vmem>> -> memref<128xi32, #tpu.memory_space<vmem>>
    %dma_wait3A_80 = arith.constant 0 : i32
    %dma_wait3A_81 = arith.constant 0 : i32
    %dma_wait3A_82 = tpu.memref_slice %arg10[%dma_wait3A_80, %dma_wait3A_81] : memref<10240x32xf32, #tpu.memory_space<vmem_shared>> -> memref<10240x32xf32, #tpu.memory_space<vmem_shared>>
    tpu.wait_indirect_dma semaphore(%arg16 : memref<!tpu.dma_semaphore, #tpu.memory_space<semaphore_mem>>) src(%dma_wait3A_76 : memref<128x32xf32, #tpu.memory_space<vmem>>) dst(%dma_wait3A_82 : memref<10240x32xf32, #tpu.memory_space<vmem_shared>>)
    %dma_wait3A_83 = arith.constant 1 : i32
    %dma_wait3A_84 = arith.constant 76 : i32
    %dma_wait3A_85 = arith.constant 0 : i32
    %dma_wait3A_86 = arith.constant 0 : i32
    %dma_wait3A_87 = tpu.memref_slice %arg8[%dma_wait3A_83, %dma_wait3A_85, %dma_wait3A_86] : memref<5x128x32xf32, #tpu.memory_space<vmem>> -> memref<1x128x32xf32, #tpu.memory_space<vmem>>
    %dma_wait3A_88 = tpu.memref_squeeze %dma_wait3A_87 : memref<1x128x32xf32, #tpu.memory_space<vmem>> -> memref<128x32xf32, #tpu.memory_space<vmem>>
    %dma_wait3A_89 = arith.constant 0 : i32
    %dma_wait3A_90 = tpu.memref_slice %arg7[%dma_wait3A_84, %dma_wait3A_89] : memref<80x128xi32, #tpu.memory_space<vmem>> -> memref<1x128xi32, #tpu.memory_space<vmem>>
    %dma_wait3A_91 = tpu.memref_squeeze %dma_wait3A_90 : memref<1x128xi32, #tpu.memory_space<vmem>> -> memref<128xi32, #tpu.memory_space<vmem>>
    %dma_wait3A_92 = arith.constant 0 : i32
    %dma_wait3A_93 = arith.constant 0 : i32
    %dma_wait3A_94 = tpu.memref_slice %arg10[%dma_wait3A_92, %dma_wait3A_93] : memref<10240x32xf32, #tpu.memory_space<vmem_shared>> -> memref<10240x32xf32, #tpu.memory_space<vmem_shared>>
    tpu.wait_indirect_dma semaphore(%arg17 : memref<!tpu.dma_semaphore, #tpu.memory_space<semaphore_mem>>) src(%dma_wait3A_88 : memref<128x32xf32, #tpu.memory_space<vmem>>) dst(%dma_wait3A_94 : memref<10240x32xf32, #tpu.memory_space<vmem_shared>>)
    %dma_wait3A_95 = arith.constant 2 : i32
    %dma_wait3A_96 = arith.constant 77 : i32
    %dma_wait3A_97 = arith.constant 0 : i32
    %dma_wait3A_98 = arith.constant 0 : i32
    %dma_wait3A_99 = tpu.memref_slice %arg8[%dma_wait3A_95, %dma_wait3A_97, %dma_wait3A_98] : memref<5x128x32xf32, #tpu.memory_space<vmem>> -> memref<1x128x32xf32, #tpu.memory_space<vmem>>
    %dma_wait3A_100 = tpu.memref_squeeze %dma_wait3A_99 : memref<1x128x32xf32, #tpu.memory_space<vmem>> -> memref<128x32xf32, #tpu.memory_space<vmem>>
    %dma_wait3A_101 = arith.constant 0 : i32
    %dma_wait3A_102 = tpu.memref_slice %arg7[%dma_wait3A_96, %dma_wait3A_101] : memref<80x128xi32, #tpu.memory_space<vmem>> -> memref<1x128xi32, #tpu.memory_space<vmem>>
    %dma_wait3A_103 = tpu.memref_squeeze %dma_wait3A_102 : memref<1x128xi32, #tpu.memory_space<vmem>> -> memref<128xi32, #tpu.memory_space<vmem>>
    %dma_wait3A_104 = arith.constant 0 : i32
    %dma_wait3A_105 = arith.constant 0 : i32
    %dma_wait3A_106 = tpu.memref_slice %arg10[%dma_wait3A_104, %dma_wait3A_105] : memref<10240x32xf32, #tpu.memory_space<vmem_shared>> -> memref<10240x32xf32, #tpu.memory_space<vmem_shared>>
    tpu.wait_indirect_dma semaphore(%arg18 : memref<!tpu.dma_semaphore, #tpu.memory_space<semaphore_mem>>) src(%dma_wait3A_100 : memref<128x32xf32, #tpu.memory_space<vmem>>) dst(%dma_wait3A_106 : memref<10240x32xf32, #tpu.memory_space<vmem_shared>>)
    %dma_wait3A_107 = arith.constant 3 : i32
    %dma_wait3A_108 = arith.constant 78 : i32
    %dma_wait3A_109 = arith.constant 0 : i32
    %dma_wait3A_110 = arith.constant 0 : i32
    %dma_wait3A_111 = tpu.memref_slice %arg8[%dma_wait3A_107, %dma_wait3A_109, %dma_wait3A_110] : memref<5x128x32xf32, #tpu.memory_space<vmem>> -> memref<1x128x32xf32, #tpu.memory_space<vmem>>
    %dma_wait3A_112 = tpu.memref_squeeze %dma_wait3A_111 : memref<1x128x32xf32, #tpu.memory_space<vmem>> -> memref<128x32xf32, #tpu.memory_space<vmem>>
    %dma_wait3A_113 = arith.constant 0 : i32
    %dma_wait3A_114 = tpu.memref_slice %arg7[%dma_wait3A_108, %dma_wait3A_113] : memref<80x128xi32, #tpu.memory_space<vmem>> -> memref<1x128xi32, #tpu.memory_space<vmem>>
    %dma_wait3A_115 = tpu.memref_squeeze %dma_wait3A_114 : memref<1x128xi32, #tpu.memory_space<vmem>> -> memref<128xi32, #tpu.memory_space<vmem>>
    %dma_wait3A_116 = arith.constant 0 : i32
    %dma_wait3A_117 = arith.constant 0 : i32
    %dma_wait3A_118 = tpu.memref_slice %arg10[%dma_wait3A_116, %dma_wait3A_117] : memref<10240x32xf32, #tpu.memory_space<vmem_shared>> -> memref<10240x32xf32, #tpu.memory_space<vmem_shared>>
    tpu.wait_indirect_dma semaphore(%arg19 : memref<!tpu.dma_semaphore, #tpu.memory_space<semaphore_mem>>) src(%dma_wait3A_112 : memref<128x32xf32, #tpu.memory_space<vmem>>) dst(%dma_wait3A_118 : memref<10240x32xf32, #tpu.memory_space<vmem_shared>>)
    %dma_wait3A_119 = arith.constant 4 : i32
    %dma_wait3A_120 = arith.constant 79 : i32
    %dma_wait3A_121 = arith.constant 0 : i32
    %dma_wait3A_122 = arith.constant 0 : i32
    %dma_wait3A_123 = tpu.memref_slice %arg8[%dma_wait3A_119, %dma_wait3A_121, %dma_wait3A_122] : memref<5x128x32xf32, #tpu.memory_space<vmem>> -> memref<1x128x32xf32, #tpu.memory_space<vmem>>
    %dma_wait3A_124 = tpu.memref_squeeze %dma_wait3A_123 : memref<1x128x32xf32, #tpu.memory_space<vmem>> -> memref<128x32xf32, #tpu.memory_space<vmem>>
    %dma_wait3A_125 = arith.constant 0 : i32
    %dma_wait3A_126 = tpu.memref_slice %arg7[%dma_wait3A_120, %dma_wait3A_125] : memref<80x128xi32, #tpu.memory_space<vmem>> -> memref<1x128xi32, #tpu.memory_space<vmem>>
    %dma_wait3A_127 = tpu.memref_squeeze %dma_wait3A_126 : memref<1x128xi32, #tpu.memory_space<vmem>> -> memref<128xi32, #tpu.memory_space<vmem>>
    %dma_wait3A_128 = arith.constant 0 : i32
    %dma_wait3A_129 = arith.constant 0 : i32
    %dma_wait3A_130 = tpu.memref_slice %arg10[%dma_wait3A_128, %dma_wait3A_129] : memref<10240x32xf32, #tpu.memory_space<vmem_shared>> -> memref<10240x32xf32, #tpu.memory_space<vmem_shared>>
    tpu.wait_indirect_dma semaphore(%arg20 : memref<!tpu.dma_semaphore, #tpu.memory_space<semaphore_mem>>) src(%dma_wait3A_124 : memref<128x32xf32, #tpu.memory_space<vmem>>) dst(%dma_wait3A_130 : memref<10240x32xf32, #tpu.memory_space<vmem_shared>>)
    %barrier3A_131 = arith.constant 0 : index
    tpu.barrier barrier_id(%barrier3A_131)
    %mul3A_132 = arith.constant 640 : i32
    %mul3A_133 = arith.muli %arg1, %mul3A_132 : i32
    %mul3A_134 = arith.constant 640 : i32
    %mul3A_135 = arith.muli %arg1, %mul3A_134 : i32
    "tpu.region"() ({
      %run_scoped3A_136 = tpu.sem_alloc : memref<!tpu.dma_semaphore, #tpu.memory_space<semaphore_mem>>
      %dma_start3A_137 = arith.constant 0 : i32
      %dma_start3A_138 = tpu.memref_slice %arg5[%arg0, %mul3A_135, %dma_start3A_137] : memref<2x10240x32xf32, #tpu.memory_space<hbm>> -> memref<1x640x32xf32, #tpu.memory_space<hbm>>
      %dma_start3A_139 = tpu.memref_squeeze %dma_start3A_138 : memref<1x640x32xf32, #tpu.memory_space<hbm>> -> memref<640x32xf32, #tpu.memory_space<hbm>>
      %dma_start3A_140 = arith.constant 0 : i32
      %dma_start3A_141 = tpu.memref_slice %arg10[%mul3A_133, %dma_start3A_140] : memref<10240x32xf32, #tpu.memory_space<vmem_shared>> -> memref<640x32xf32, #tpu.memory_space<vmem_shared>>
      tpu.enqueue_dma source(%dma_start3A_141 : memref<640x32xf32, #tpu.memory_space<vmem_shared>>) target(%dma_start3A_139 : memref<640x32xf32, #tpu.memory_space<hbm>>) target_semaphore(%run_scoped3A_136 : memref<!tpu.dma_semaphore, #tpu.memory_space<semaphore_mem>>)
      %dma_wait3A_142 = arith.constant 0 : i32
      %dma_wait3A_143 = tpu.memref_slice %arg5[%arg0, %mul3A_135, %dma_wait3A_142] : memref<2x10240x32xf32, #tpu.memory_space<hbm>> -> memref<1x640x32xf32, #tpu.memory_space<hbm>>
      %dma_wait3A_144 = tpu.memref_squeeze %dma_wait3A_143 : memref<1x640x32xf32, #tpu.memory_space<hbm>> -> memref<640x32xf32, #tpu.memory_space<hbm>>
      %dma_wait3A_145 = arith.constant 0 : i32
      %dma_wait3A_146 = tpu.memref_slice %arg10[%mul3A_133, %dma_wait3A_145] : memref<10240x32xf32, #tpu.memory_space<vmem_shared>> -> memref<640x32xf32, #tpu.memory_space<vmem_shared>>
      tpu.wait_dma2 semaphore(%run_scoped3A_136 : memref<!tpu.dma_semaphore, #tpu.memory_space<semaphore_mem>>) src(%dma_wait3A_146 : memref<640x32xf32, #tpu.memory_space<vmem_shared>>) dst(%dma_wait3A_144 : memref<640x32xf32, #tpu.memory_space<hbm>>)
      tpu.yield
    }) : () -> ()
    return
  }
}

#map = affine_map<(d0, d1) -> (0, 0)>
#map1 = affine_map<(d0, d1) -> (0, 0, 0, 0)>
#map2 = affine_map<(d0, d1) -> (0, 0, 0)>
module attributes {stable_mosaic.version = 14 : i64} {
  func.func @_sc_agg_body(%arg0: i32, %arg1: i32, %arg2: memref<10000x32xf32, #tpu.memory_space<hbm>>, %arg3: memref<2x32x80x128xi32, #tpu.memory_space<hbm>>, %arg4: memref<640x32xf32, #tpu.memory_space<hbm>>, %arg5: memref<2x10240x32xf32, #tpu.memory_space<hbm>>, %arg6: memref<80x128xi32, #tpu.memory_space<vmem>>, %arg7: memref<80x128xi32, #tpu.memory_space<vmem>>, %arg8: memref<5x128x32xf32, #tpu.memory_space<vmem>>, %arg9: memref<10000x32xf32, #tpu.memory_space<vmem_shared>>, %arg10: memref<10240x32xf32, #tpu.memory_space<vmem_shared>>, %arg11: memref<!tpu.dma_semaphore, #tpu.memory_space<semaphore_mem>>, %arg12: memref<!tpu.dma_semaphore, #tpu.memory_space<semaphore_mem>>, %arg13: memref<!tpu.dma_semaphore, #tpu.memory_space<semaphore_mem>>, %arg14: memref<!tpu.dma_semaphore, #tpu.memory_space<semaphore_mem>>, %arg15: memref<!tpu.dma_semaphore, #tpu.memory_space<semaphore_mem>>, %arg16: memref<!tpu.dma_semaphore, #tpu.memory_space<semaphore_mem>>, %arg17: memref<!tpu.dma_semaphore, #tpu.memory_space<semaphore_mem>>, %arg18: memref<!tpu.dma_semaphore, #tpu.memory_space<semaphore_mem>>, %arg19: memref<!tpu.dma_semaphore, #tpu.memory_space<semaphore_mem>>, %arg20: memref<!tpu.dma_semaphore, #tpu.memory_space<semaphore_mem>>) attributes {dimension_semantics = [#tpu.dimension_semantics<core_parallel>, #tpu.dimension_semantics<subcore_parallel>], iteration_bounds = array<i64: 2, 16>, scalar_prefetch = 0 : i64, scratch_operands = 15 : i64, tpu.core_type = #tpu.core_type<sc_vector_subcore>, window_params = [{transform_indices = #map}, {transform_indices = #map1}, {transform_indices = #map}, {transform_indices = #map2}]} {
    %mul3A = arith.constant 2 : i32
    %mul3A_0 = arith.muli %arg1, %mul3A : i32
    %add3A = arith.addi %mul3A_0, %arg0 : i32
    %mul3A_1 = arith.constant 640 : i32
    %mul3A_2 = arith.muli %arg1, %mul3A_1 : i32
    "tpu.region"() ({
      %run_scoped3A_136 = tpu.sem_alloc : memref<!tpu.dma_semaphore, #tpu.memory_space<semaphore_mem>>
      %dma_start3A_137 = arith.constant 0 : i32
      %dma_start3A_138 = tpu.memref_slice %arg10[%mul3A_2, %dma_start3A_137] : memref<10240x32xf32, #tpu.memory_space<vmem_shared>> -> memref<640x32xf32, #tpu.memory_space<vmem_shared>>
      tpu.enqueue_dma source(%arg4 : memref<640x32xf32, #tpu.memory_space<hbm>>) target(%dma_start3A_138 : memref<640x32xf32, #tpu.memory_space<vmem_shared>>) target_semaphore(%run_scoped3A_136 : memref<!tpu.dma_semaphore, #tpu.memory_space<semaphore_mem>>)
      %dma_wait3A_139 = arith.constant 0 : i32
      %dma_wait3A_140 = tpu.memref_slice %arg10[%mul3A_2, %dma_wait3A_139] : memref<10240x32xf32, #tpu.memory_space<vmem_shared>> -> memref<640x32xf32, #tpu.memory_space<vmem_shared>>
      tpu.wait_dma2 semaphore(%run_scoped3A_136 : memref<!tpu.dma_semaphore, #tpu.memory_space<semaphore_mem>>) src(%arg4 : memref<640x32xf32, #tpu.memory_space<hbm>>) dst(%dma_wait3A_140 : memref<640x32xf32, #tpu.memory_space<vmem_shared>>)
      tpu.yield
    }) : () -> ()
    %mul3A_3 = arith.constant 625 : i32
    %mul3A_4 = arith.muli %arg1, %mul3A_3 : i32
    %mul3A_5 = arith.constant 625 : i32
    %mul3A_6 = arith.muli %arg1, %mul3A_5 : i32
    "tpu.region"() ({
      %run_scoped3A_136 = tpu.sem_alloc : memref<!tpu.dma_semaphore, #tpu.memory_space<semaphore_mem>>
      %dma_start3A_137 = arith.constant 0 : i32
      %dma_start3A_138 = tpu.memref_slice %arg9[%mul3A_6, %dma_start3A_137] : memref<10000x32xf32, #tpu.memory_space<vmem_shared>> -> memref<625x32xf32, #tpu.memory_space<vmem_shared>>
      %dma_start3A_139 = arith.constant 0 : i32
      %dma_start3A_140 = tpu.memref_slice %arg2[%mul3A_4, %dma_start3A_139] : memref<10000x32xf32, #tpu.memory_space<hbm>> -> memref<625x32xf32, #tpu.memory_space<hbm>>
      tpu.enqueue_dma source(%dma_start3A_140 : memref<625x32xf32, #tpu.memory_space<hbm>>) target(%dma_start3A_138 : memref<625x32xf32, #tpu.memory_space<vmem_shared>>) target_semaphore(%run_scoped3A_136 : memref<!tpu.dma_semaphore, #tpu.memory_space<semaphore_mem>>)
      %dma_wait3A_141 = arith.constant 0 : i32
      %dma_wait3A_142 = tpu.memref_slice %arg9[%mul3A_6, %dma_wait3A_141] : memref<10000x32xf32, #tpu.memory_space<vmem_shared>> -> memref<625x32xf32, #tpu.memory_space<vmem_shared>>
      %dma_wait3A_143 = arith.constant 0 : i32
      %dma_wait3A_144 = tpu.memref_slice %arg2[%mul3A_4, %dma_wait3A_143] : memref<10000x32xf32, #tpu.memory_space<hbm>> -> memref<625x32xf32, #tpu.memory_space<hbm>>
      tpu.wait_dma2 semaphore(%run_scoped3A_136 : memref<!tpu.dma_semaphore, #tpu.memory_space<semaphore_mem>>) src(%dma_wait3A_144 : memref<625x32xf32, #tpu.memory_space<hbm>>) dst(%dma_wait3A_142 : memref<625x32xf32, #tpu.memory_space<vmem_shared>>)
      tpu.yield
    }) : () -> ()
    %run_scoped3A = arith.constant 0 : i32
    "tpu.region"() ({
      %run_scoped3A_136 = tpu.sem_alloc : memref<!tpu.dma_semaphore, #tpu.memory_space<semaphore_mem>>
      %dma_start3A_137 = arith.constant 0 : i32
      %dma_start3A_138 = arith.constant 0 : i32
      %dma_start3A_139 = tpu.memref_slice %arg3[%run_scoped3A, %add3A, %dma_start3A_137, %dma_start3A_138] : memref<2x32x80x128xi32, #tpu.memory_space<hbm>> -> memref<1x1x80x128xi32, #tpu.memory_space<hbm>>
      %dma_start3A_140 = tpu.memref_squeeze %dma_start3A_139 : memref<1x1x80x128xi32, #tpu.memory_space<hbm>> -> memref<80x128xi32, #tpu.memory_space<hbm>>
      %dma_start3A_141 = arith.constant 0 : i32
      %dma_start3A_142 = arith.constant 0 : i32
      %dma_start3A_143 = tpu.memref_slice %arg3[%run_scoped3A, %add3A, %dma_start3A_141, %dma_start3A_142] : memref<2x32x80x128xi32, #tpu.memory_space<hbm>> -> memref<1x1x80x128xi32, #tpu.memory_space<hbm>>
      %dma_start3A_144 = tpu.memref_squeeze %dma_start3A_143 : memref<1x1x80x128xi32, #tpu.memory_space<hbm>> -> memref<80x128xi32, #tpu.memory_space<hbm>>
      tpu.enqueue_dma source(%dma_start3A_144 : memref<80x128xi32, #tpu.memory_space<hbm>>) target(%arg6 : memref<80x128xi32, #tpu.memory_space<vmem>>) target_semaphore(%run_scoped3A_136 : memref<!tpu.dma_semaphore, #tpu.memory_space<semaphore_mem>>)
      %dma_wait3A_145 = arith.constant 0 : i32
      %dma_wait3A_146 = arith.constant 0 : i32
      %dma_wait3A_147 = tpu.memref_slice %arg3[%run_scoped3A, %add3A, %dma_wait3A_145, %dma_wait3A_146] : memref<2x32x80x128xi32, #tpu.memory_space<hbm>> -> memref<1x1x80x128xi32, #tpu.memory_space<hbm>>
      %dma_wait3A_148 = tpu.memref_squeeze %dma_wait3A_147 : memref<1x1x80x128xi32, #tpu.memory_space<hbm>> -> memref<80x128xi32, #tpu.memory_space<hbm>>
      %dma_wait3A_149 = arith.constant 0 : i32
      %dma_wait3A_150 = arith.constant 0 : i32
      %dma_wait3A_151 = tpu.memref_slice %arg3[%run_scoped3A, %add3A, %dma_wait3A_149, %dma_wait3A_150] : memref<2x32x80x128xi32, #tpu.memory_space<hbm>> -> memref<1x1x80x128xi32, #tpu.memory_space<hbm>>
      %dma_wait3A_152 = tpu.memref_squeeze %dma_wait3A_151 : memref<1x1x80x128xi32, #tpu.memory_space<hbm>> -> memref<80x128xi32, #tpu.memory_space<hbm>>
      tpu.wait_dma2 semaphore(%run_scoped3A_136 : memref<!tpu.dma_semaphore, #tpu.memory_space<semaphore_mem>>) src(%dma_wait3A_152 : memref<80x128xi32, #tpu.memory_space<hbm>>) dst(%arg6 : memref<80x128xi32, #tpu.memory_space<vmem>>)
      tpu.yield
    }) : () -> ()
    %run_scoped3A_7 = arith.constant 1 : i32
    "tpu.region"() ({
      %run_scoped3A_136 = tpu.sem_alloc : memref<!tpu.dma_semaphore, #tpu.memory_space<semaphore_mem>>
      %dma_start3A_137 = arith.constant 0 : i32
      %dma_start3A_138 = arith.constant 0 : i32
      %dma_start3A_139 = tpu.memref_slice %arg3[%run_scoped3A_7, %add3A, %dma_start3A_137, %dma_start3A_138] : memref<2x32x80x128xi32, #tpu.memory_space<hbm>> -> memref<1x1x80x128xi32, #tpu.memory_space<hbm>>
      %dma_start3A_140 = tpu.memref_squeeze %dma_start3A_139 : memref<1x1x80x128xi32, #tpu.memory_space<hbm>> -> memref<80x128xi32, #tpu.memory_space<hbm>>
      %dma_start3A_141 = arith.constant 0 : i32
      %dma_start3A_142 = arith.constant 0 : i32
      %dma_start3A_143 = tpu.memref_slice %arg3[%run_scoped3A_7, %add3A, %dma_start3A_141, %dma_start3A_142] : memref<2x32x80x128xi32, #tpu.memory_space<hbm>> -> memref<1x1x80x128xi32, #tpu.memory_space<hbm>>
      %dma_start3A_144 = tpu.memref_squeeze %dma_start3A_143 : memref<1x1x80x128xi32, #tpu.memory_space<hbm>> -> memref<80x128xi32, #tpu.memory_space<hbm>>
      tpu.enqueue_dma source(%dma_start3A_144 : memref<80x128xi32, #tpu.memory_space<hbm>>) target(%arg7 : memref<80x128xi32, #tpu.memory_space<vmem>>) target_semaphore(%run_scoped3A_136 : memref<!tpu.dma_semaphore, #tpu.memory_space<semaphore_mem>>)
      %dma_wait3A_145 = arith.constant 0 : i32
      %dma_wait3A_146 = arith.constant 0 : i32
      %dma_wait3A_147 = tpu.memref_slice %arg3[%run_scoped3A_7, %add3A, %dma_wait3A_145, %dma_wait3A_146] : memref<2x32x80x128xi32, #tpu.memory_space<hbm>> -> memref<1x1x80x128xi32, #tpu.memory_space<hbm>>
      %dma_wait3A_148 = tpu.memref_squeeze %dma_wait3A_147 : memref<1x1x80x128xi32, #tpu.memory_space<hbm>> -> memref<80x128xi32, #tpu.memory_space<hbm>>
      %dma_wait3A_149 = arith.constant 0 : i32
      %dma_wait3A_150 = arith.constant 0 : i32
      %dma_wait3A_151 = tpu.memref_slice %arg3[%run_scoped3A_7, %add3A, %dma_wait3A_149, %dma_wait3A_150] : memref<2x32x80x128xi32, #tpu.memory_space<hbm>> -> memref<1x1x80x128xi32, #tpu.memory_space<hbm>>
      %dma_wait3A_152 = tpu.memref_squeeze %dma_wait3A_151 : memref<1x1x80x128xi32, #tpu.memory_space<hbm>> -> memref<80x128xi32, #tpu.memory_space<hbm>>
      tpu.wait_dma2 semaphore(%run_scoped3A_136 : memref<!tpu.dma_semaphore, #tpu.memory_space<semaphore_mem>>) src(%dma_wait3A_152 : memref<80x128xi32, #tpu.memory_space<hbm>>) dst(%arg7 : memref<80x128xi32, #tpu.memory_space<vmem>>)
      tpu.yield
    }) : () -> ()
    %barrier3A = arith.constant 0 : index
    tpu.barrier barrier_id(%barrier3A)
    %dma_start3A = arith.constant 0 : i32
    %dma_start3A_8 = arith.constant 0 : i32
    %dma_start3A_9 = arith.constant 0 : i32
    %dma_start3A_10 = arith.constant 0 : i32
    %dma_start3A_11 = tpu.memref_slice %arg8[%dma_start3A_8, %dma_start3A_9, %dma_start3A_10] : memref<5x128x32xf32, #tpu.memory_space<vmem>> -> memref<1x128x32xf32, #tpu.memory_space<vmem>>
    %dma_start3A_12 = tpu.memref_squeeze %dma_start3A_11 : memref<1x128x32xf32, #tpu.memory_space<vmem>> -> memref<128x32xf32, #tpu.memory_space<vmem>>
    %dma_start3A_13 = arith.constant 0 : i32
    %dma_start3A_14 = tpu.memref_slice %arg6[%dma_start3A, %dma_start3A_13] : memref<80x128xi32, #tpu.memory_space<vmem>> -> memref<1x128xi32, #tpu.memory_space<vmem>>
    %dma_start3A_15 = tpu.memref_squeeze %dma_start3A_14 : memref<1x128xi32, #tpu.memory_space<vmem>> -> memref<128xi32, #tpu.memory_space<vmem>>
    %dma_start3A_16 = arith.constant 0 : i32
    %dma_start3A_17 = arith.constant 0 : i32
    %dma_start3A_18 = tpu.memref_slice %arg9[%dma_start3A_16, %dma_start3A_17] : memref<10000x32xf32, #tpu.memory_space<vmem_shared>> -> memref<10000x32xf32, #tpu.memory_space<vmem_shared>>
    tpu.enqueue_indirect_dma source(%dma_start3A_18 : memref<10000x32xf32, #tpu.memory_space<vmem_shared>>) target(%dma_start3A_12 : memref<128x32xf32, #tpu.memory_space<vmem>>) offsets(%dma_start3A_15 : memref<128xi32, #tpu.memory_space<vmem>>) semaphore(%arg11 : memref<!tpu.dma_semaphore, #tpu.memory_space<semaphore_mem>>)
    %dma_start3A_19 = arith.constant 1 : i32
    %dma_start3A_20 = arith.constant 1 : i32
    %dma_start3A_21 = arith.constant 0 : i32
    %dma_start3A_22 = arith.constant 0 : i32
    %dma_start3A_23 = tpu.memref_slice %arg8[%dma_start3A_20, %dma_start3A_21, %dma_start3A_22] : memref<5x128x32xf32, #tpu.memory_space<vmem>> -> memref<1x128x32xf32, #tpu.memory_space<vmem>>
    %dma_start3A_24 = tpu.memref_squeeze %dma_start3A_23 : memref<1x128x32xf32, #tpu.memory_space<vmem>> -> memref<128x32xf32, #tpu.memory_space<vmem>>
    %dma_start3A_25 = arith.constant 0 : i32
    %dma_start3A_26 = tpu.memref_slice %arg6[%dma_start3A_19, %dma_start3A_25] : memref<80x128xi32, #tpu.memory_space<vmem>> -> memref<1x128xi32, #tpu.memory_space<vmem>>
    %dma_start3A_27 = tpu.memref_squeeze %dma_start3A_26 : memref<1x128xi32, #tpu.memory_space<vmem>> -> memref<128xi32, #tpu.memory_space<vmem>>
    %dma_start3A_28 = arith.constant 0 : i32
    %dma_start3A_29 = arith.constant 0 : i32
    %dma_start3A_30 = tpu.memref_slice %arg9[%dma_start3A_28, %dma_start3A_29] : memref<10000x32xf32, #tpu.memory_space<vmem_shared>> -> memref<10000x32xf32, #tpu.memory_space<vmem_shared>>
    tpu.enqueue_indirect_dma source(%dma_start3A_30 : memref<10000x32xf32, #tpu.memory_space<vmem_shared>>) target(%dma_start3A_24 : memref<128x32xf32, #tpu.memory_space<vmem>>) offsets(%dma_start3A_27 : memref<128xi32, #tpu.memory_space<vmem>>) semaphore(%arg12 : memref<!tpu.dma_semaphore, #tpu.memory_space<semaphore_mem>>)
    %dma_start3A_31 = arith.constant 2 : i32
    %dma_start3A_32 = arith.constant 2 : i32
    %dma_start3A_33 = arith.constant 0 : i32
    %dma_start3A_34 = arith.constant 0 : i32
    %dma_start3A_35 = tpu.memref_slice %arg8[%dma_start3A_32, %dma_start3A_33, %dma_start3A_34] : memref<5x128x32xf32, #tpu.memory_space<vmem>> -> memref<1x128x32xf32, #tpu.memory_space<vmem>>
    %dma_start3A_36 = tpu.memref_squeeze %dma_start3A_35 : memref<1x128x32xf32, #tpu.memory_space<vmem>> -> memref<128x32xf32, #tpu.memory_space<vmem>>
    %dma_start3A_37 = arith.constant 0 : i32
    %dma_start3A_38 = tpu.memref_slice %arg6[%dma_start3A_31, %dma_start3A_37] : memref<80x128xi32, #tpu.memory_space<vmem>> -> memref<1x128xi32, #tpu.memory_space<vmem>>
    %dma_start3A_39 = tpu.memref_squeeze %dma_start3A_38 : memref<1x128xi32, #tpu.memory_space<vmem>> -> memref<128xi32, #tpu.memory_space<vmem>>
    %dma_start3A_40 = arith.constant 0 : i32
    %dma_start3A_41 = arith.constant 0 : i32
    %dma_start3A_42 = tpu.memref_slice %arg9[%dma_start3A_40, %dma_start3A_41] : memref<10000x32xf32, #tpu.memory_space<vmem_shared>> -> memref<10000x32xf32, #tpu.memory_space<vmem_shared>>
    tpu.enqueue_indirect_dma source(%dma_start3A_42 : memref<10000x32xf32, #tpu.memory_space<vmem_shared>>) target(%dma_start3A_36 : memref<128x32xf32, #tpu.memory_space<vmem>>) offsets(%dma_start3A_39 : memref<128xi32, #tpu.memory_space<vmem>>) semaphore(%arg13 : memref<!tpu.dma_semaphore, #tpu.memory_space<semaphore_mem>>)
    %dma_start3A_43 = arith.constant 3 : i32
    %dma_start3A_44 = arith.constant 3 : i32
    %dma_start3A_45 = arith.constant 0 : i32
    %dma_start3A_46 = arith.constant 0 : i32
    %dma_start3A_47 = tpu.memref_slice %arg8[%dma_start3A_44, %dma_start3A_45, %dma_start3A_46] : memref<5x128x32xf32, #tpu.memory_space<vmem>> -> memref<1x128x32xf32, #tpu.memory_space<vmem>>
    %dma_start3A_48 = tpu.memref_squeeze %dma_start3A_47 : memref<1x128x32xf32, #tpu.memory_space<vmem>> -> memref<128x32xf32, #tpu.memory_space<vmem>>
    %dma_start3A_49 = arith.constant 0 : i32
    %dma_start3A_50 = tpu.memref_slice %arg6[%dma_start3A_43, %dma_start3A_49] : memref<80x128xi32, #tpu.memory_space<vmem>> -> memref<1x128xi32, #tpu.memory_space<vmem>>
    %dma_start3A_51 = tpu.memref_squeeze %dma_start3A_50 : memref<1x128xi32, #tpu.memory_space<vmem>> -> memref<128xi32, #tpu.memory_space<vmem>>
    %dma_start3A_52 = arith.constant 0 : i32
    %dma_start3A_53 = arith.constant 0 : i32
    %dma_start3A_54 = tpu.memref_slice %arg9[%dma_start3A_52, %dma_start3A_53] : memref<10000x32xf32, #tpu.memory_space<vmem_shared>> -> memref<10000x32xf32, #tpu.memory_space<vmem_shared>>
    tpu.enqueue_indirect_dma source(%dma_start3A_54 : memref<10000x32xf32, #tpu.memory_space<vmem_shared>>) target(%dma_start3A_48 : memref<128x32xf32, #tpu.memory_space<vmem>>) offsets(%dma_start3A_51 : memref<128xi32, #tpu.memory_space<vmem>>) semaphore(%arg14 : memref<!tpu.dma_semaphore, #tpu.memory_space<semaphore_mem>>)
    %dma_start3A_55 = arith.constant 4 : i32
    %dma_start3A_56 = arith.constant 4 : i32
    %dma_start3A_57 = arith.constant 0 : i32
    %dma_start3A_58 = arith.constant 0 : i32
    %dma_start3A_59 = tpu.memref_slice %arg8[%dma_start3A_56, %dma_start3A_57, %dma_start3A_58] : memref<5x128x32xf32, #tpu.memory_space<vmem>> -> memref<1x128x32xf32, #tpu.memory_space<vmem>>
    %dma_start3A_60 = tpu.memref_squeeze %dma_start3A_59 : memref<1x128x32xf32, #tpu.memory_space<vmem>> -> memref<128x32xf32, #tpu.memory_space<vmem>>
    %dma_start3A_61 = arith.constant 0 : i32
    %dma_start3A_62 = tpu.memref_slice %arg6[%dma_start3A_55, %dma_start3A_61] : memref<80x128xi32, #tpu.memory_space<vmem>> -> memref<1x128xi32, #tpu.memory_space<vmem>>
    %dma_start3A_63 = tpu.memref_squeeze %dma_start3A_62 : memref<1x128xi32, #tpu.memory_space<vmem>> -> memref<128xi32, #tpu.memory_space<vmem>>
    %dma_start3A_64 = arith.constant 0 : i32
    %dma_start3A_65 = arith.constant 0 : i32
    %dma_start3A_66 = tpu.memref_slice %arg9[%dma_start3A_64, %dma_start3A_65] : memref<10000x32xf32, #tpu.memory_space<vmem_shared>> -> memref<10000x32xf32, #tpu.memory_space<vmem_shared>>
    tpu.enqueue_indirect_dma source(%dma_start3A_66 : memref<10000x32xf32, #tpu.memory_space<vmem_shared>>) target(%dma_start3A_60 : memref<128x32xf32, #tpu.memory_space<vmem>>) offsets(%dma_start3A_63 : memref<128xi32, #tpu.memory_space<vmem>>) semaphore(%arg15 : memref<!tpu.dma_semaphore, #tpu.memory_space<semaphore_mem>>)
    %scan3A = arith.constant 0 : i32
    %scan3A_67 = arith.constant 0 : i32
    %scan3A_68 = arith.constant 16 : i32
    %scan3A_69 = arith.addi %scan3A_67, %scan3A_68 : i32
    %scan3A_70 = arith.constant 1 : i32
    scf.for %scan3A_136 = %scan3A_67 to %scan3A_69 step %scan3A_70  : i32 {
      %mul3A_137 = arith.constant 5 : i32
      %mul3A_138 = arith.muli %scan3A_136, %mul3A_137 : i32
      %add3A_139 = arith.constant 0 : i32
      %add3A_140 = arith.addi %mul3A_138, %add3A_139 : i32
      %dma_wait3A_141 = arith.constant 0 : i32
      %dma_wait3A_142 = arith.constant 0 : i32
      %dma_wait3A_143 = arith.constant 0 : i32
      %dma_wait3A_144 = tpu.memref_slice %arg8[%dma_wait3A_141, %dma_wait3A_142, %dma_wait3A_143] : memref<5x128x32xf32, #tpu.memory_space<vmem>> -> memref<1x128x32xf32, #tpu.memory_space<vmem>>
      %dma_wait3A_145 = tpu.memref_squeeze %dma_wait3A_144 : memref<1x128x32xf32, #tpu.memory_space<vmem>> -> memref<128x32xf32, #tpu.memory_space<vmem>>
      %dma_wait3A_146 = arith.constant 0 : i32
      %dma_wait3A_147 = arith.constant 0 : i32
      %dma_wait3A_148 = tpu.memref_slice %arg2[%dma_wait3A_146, %dma_wait3A_147] : memref<10000x32xf32, #tpu.memory_space<hbm>> -> memref<128x32xf32, #tpu.memory_space<hbm>>
      %dma_wait3A_149 = arith.constant 0 : i32
      %dma_wait3A_150 = arith.constant 0 : i32
      %dma_wait3A_151 = tpu.memref_slice %arg8[%dma_wait3A_141, %dma_wait3A_149, %dma_wait3A_150] : memref<5x128x32xf32, #tpu.memory_space<vmem>> -> memref<1x128x32xf32, #tpu.memory_space<vmem>>
      %dma_wait3A_152 = tpu.memref_squeeze %dma_wait3A_151 : memref<1x128x32xf32, #tpu.memory_space<vmem>> -> memref<128x32xf32, #tpu.memory_space<vmem>>
      %dma_wait3A_153 = arith.constant 0 : i32
      %dma_wait3A_154 = arith.constant 0 : i32
      %dma_wait3A_155 = tpu.memref_slice %arg2[%dma_wait3A_153, %dma_wait3A_154] : memref<10000x32xf32, #tpu.memory_space<hbm>> -> memref<128x32xf32, #tpu.memory_space<hbm>>
      tpu.wait_dma2 semaphore(%arg11 : memref<!tpu.dma_semaphore, #tpu.memory_space<semaphore_mem>>) src(%dma_wait3A_155 : memref<128x32xf32, #tpu.memory_space<hbm>>) dst(%dma_wait3A_152 : memref<128x32xf32, #tpu.memory_space<vmem>>)
      %dma_start3A_156 = arith.constant 0 : i32
      %dma_start3A_157 = arith.constant 0 : i32
      %dma_start3A_158 = arith.constant 0 : i32
      %dma_start3A_159 = tpu.memref_slice %arg8[%dma_start3A_156, %dma_start3A_157, %dma_start3A_158] : memref<5x128x32xf32, #tpu.memory_space<vmem>> -> memref<1x128x32xf32, #tpu.memory_space<vmem>>
      %dma_start3A_160 = tpu.memref_squeeze %dma_start3A_159 : memref<1x128x32xf32, #tpu.memory_space<vmem>> -> memref<128x32xf32, #tpu.memory_space<vmem>>
      %dma_start3A_161 = arith.constant 0 : i32
      %dma_start3A_162 = tpu.memref_slice %arg7[%add3A_140, %dma_start3A_161] : memref<80x128xi32, #tpu.memory_space<vmem>> -> memref<1x128xi32, #tpu.memory_space<vmem>>
      %dma_start3A_163 = tpu.memref_squeeze %dma_start3A_162 : memref<1x128xi32, #tpu.memory_space<vmem>> -> memref<128xi32, #tpu.memory_space<vmem>>
      %dma_start3A_164 = arith.constant 0 : i32
      %dma_start3A_165 = arith.constant 0 : i32
      %dma_start3A_166 = tpu.memref_slice %arg10[%dma_start3A_164, %dma_start3A_165] : memref<10240x32xf32, #tpu.memory_space<vmem_shared>> -> memref<10240x32xf32, #tpu.memory_space<vmem_shared>>
      tpu.enqueue_indirect_dma source(%dma_start3A_160 : memref<128x32xf32, #tpu.memory_space<vmem>>) target(%dma_start3A_166 : memref<10240x32xf32, #tpu.memory_space<vmem_shared>>) offsets(%dma_start3A_163 : memref<128xi32, #tpu.memory_space<vmem>>) semaphore(%arg16 : memref<!tpu.dma_semaphore, #tpu.memory_space<semaphore_mem>>) {add = true}
      %ge3A = arith.constant 1 : i32
      %ge3A_167 = arith.cmpi sge, %scan3A_136, %ge3A : i32
      %convert_element_type3A = arith.extui %ge3A_167 : i1 to i32
      %cond3A = arith.constant 0 : i32
      %cond3A_168 = arith.cmpi ne, %convert_element_type3A, %cond3A : i32
      scf.if %cond3A_168 {
        %sub3A = arith.constant 1 : i32
        %sub3A_308 = arith.subi %add3A_140, %sub3A : i32
        %dma_wait3A_309 = arith.constant 4 : i32
        %dma_wait3A_310 = arith.constant 0 : i32
        %dma_wait3A_311 = arith.constant 0 : i32
        %dma_wait3A_312 = tpu.memref_slice %arg8[%dma_wait3A_309, %dma_wait3A_310, %dma_wait3A_311] : memref<5x128x32xf32, #tpu.memory_space<vmem>> -> memref<1x128x32xf32, #tpu.memory_space<vmem>>
        %dma_wait3A_313 = tpu.memref_squeeze %dma_wait3A_312 : memref<1x128x32xf32, #tpu.memory_space<vmem>> -> memref<128x32xf32, #tpu.memory_space<vmem>>
        %dma_wait3A_314 = arith.constant 0 : i32
        %dma_wait3A_315 = tpu.memref_slice %arg7[%sub3A_308, %dma_wait3A_314] : memref<80x128xi32, #tpu.memory_space<vmem>> -> memref<1x128xi32, #tpu.memory_space<vmem>>
        %dma_wait3A_316 = tpu.memref_squeeze %dma_wait3A_315 : memref<1x128xi32, #tpu.memory_space<vmem>> -> memref<128xi32, #tpu.memory_space<vmem>>
        %dma_wait3A_317 = arith.constant 0 : i32
        %dma_wait3A_318 = arith.constant 0 : i32
        %dma_wait3A_319 = tpu.memref_slice %arg10[%dma_wait3A_317, %dma_wait3A_318] : memref<10240x32xf32, #tpu.memory_space<vmem_shared>> -> memref<10240x32xf32, #tpu.memory_space<vmem_shared>>
        tpu.wait_indirect_dma semaphore(%arg20 : memref<!tpu.dma_semaphore, #tpu.memory_space<semaphore_mem>>) src(%dma_wait3A_313 : memref<128x32xf32, #tpu.memory_space<vmem>>) dst(%dma_wait3A_319 : memref<10240x32xf32, #tpu.memory_space<vmem_shared>>)
        %add3A_320 = arith.constant 5 : i32
        %add3A_321 = arith.addi %sub3A_308, %add3A_320 : i32
        %dma_start3A_322 = arith.constant 4 : i32
        %dma_start3A_323 = arith.constant 0 : i32
        %dma_start3A_324 = arith.constant 0 : i32
        %dma_start3A_325 = tpu.memref_slice %arg8[%dma_start3A_322, %dma_start3A_323, %dma_start3A_324] : memref<5x128x32xf32, #tpu.memory_space<vmem>> -> memref<1x128x32xf32, #tpu.memory_space<vmem>>
        %dma_start3A_326 = tpu.memref_squeeze %dma_start3A_325 : memref<1x128x32xf32, #tpu.memory_space<vmem>> -> memref<128x32xf32, #tpu.memory_space<vmem>>
        %dma_start3A_327 = arith.constant 0 : i32
        %dma_start3A_328 = tpu.memref_slice %arg6[%add3A_321, %dma_start3A_327] : memref<80x128xi32, #tpu.memory_space<vmem>> -> memref<1x128xi32, #tpu.memory_space<vmem>>
        %dma_start3A_329 = tpu.memref_squeeze %dma_start3A_328 : memref<1x128xi32, #tpu.memory_space<vmem>> -> memref<128xi32, #tpu.memory_space<vmem>>
        %dma_start3A_330 = arith.constant 0 : i32
        %dma_start3A_331 = arith.constant 0 : i32
        %dma_start3A_332 = tpu.memref_slice %arg9[%dma_start3A_330, %dma_start3A_331] : memref<10000x32xf32, #tpu.memory_space<vmem_shared>> -> memref<10000x32xf32, #tpu.memory_space<vmem_shared>>
        tpu.enqueue_indirect_dma source(%dma_start3A_332 : memref<10000x32xf32, #tpu.memory_space<vmem_shared>>) target(%dma_start3A_326 : memref<128x32xf32, #tpu.memory_space<vmem>>) offsets(%dma_start3A_329 : memref<128xi32, #tpu.memory_space<vmem>>) semaphore(%arg15 : memref<!tpu.dma_semaphore, #tpu.memory_space<semaphore_mem>>)
      } else {
      }
      %mul3A_169 = arith.constant 5 : i32
      %mul3A_170 = arith.muli %scan3A_136, %mul3A_169 : i32
      %add3A_171 = arith.constant 1 : i32
      %add3A_172 = arith.addi %mul3A_170, %add3A_171 : i32
      %dma_wait3A_173 = arith.constant 1 : i32
      %dma_wait3A_174 = arith.constant 0 : i32
      %dma_wait3A_175 = arith.constant 0 : i32
      %dma_wait3A_176 = tpu.memref_slice %arg8[%dma_wait3A_173, %dma_wait3A_174, %dma_wait3A_175] : memref<5x128x32xf32, #tpu.memory_space<vmem>> -> memref<1x128x32xf32, #tpu.memory_space<vmem>>
      %dma_wait3A_177 = tpu.memref_squeeze %dma_wait3A_176 : memref<1x128x32xf32, #tpu.memory_space<vmem>> -> memref<128x32xf32, #tpu.memory_space<vmem>>
      %dma_wait3A_178 = arith.constant 0 : i32
      %dma_wait3A_179 = arith.constant 0 : i32
      %dma_wait3A_180 = tpu.memref_slice %arg2[%dma_wait3A_178, %dma_wait3A_179] : memref<10000x32xf32, #tpu.memory_space<hbm>> -> memref<128x32xf32, #tpu.memory_space<hbm>>
      %dma_wait3A_181 = arith.constant 0 : i32
      %dma_wait3A_182 = arith.constant 0 : i32
      %dma_wait3A_183 = tpu.memref_slice %arg8[%dma_wait3A_173, %dma_wait3A_181, %dma_wait3A_182] : memref<5x128x32xf32, #tpu.memory_space<vmem>> -> memref<1x128x32xf32, #tpu.memory_space<vmem>>
      %dma_wait3A_184 = tpu.memref_squeeze %dma_wait3A_183 : memref<1x128x32xf32, #tpu.memory_space<vmem>> -> memref<128x32xf32, #tpu.memory_space<vmem>>
      %dma_wait3A_185 = arith.constant 0 : i32
      %dma_wait3A_186 = arith.constant 0 : i32
      %dma_wait3A_187 = tpu.memref_slice %arg2[%dma_wait3A_185, %dma_wait3A_186] : memref<10000x32xf32, #tpu.memory_space<hbm>> -> memref<128x32xf32, #tpu.memory_space<hbm>>
      tpu.wait_dma2 semaphore(%arg12 : memref<!tpu.dma_semaphore, #tpu.memory_space<semaphore_mem>>) src(%dma_wait3A_187 : memref<128x32xf32, #tpu.memory_space<hbm>>) dst(%dma_wait3A_184 : memref<128x32xf32, #tpu.memory_space<vmem>>)
      %dma_start3A_188 = arith.constant 1 : i32
      %dma_start3A_189 = arith.constant 0 : i32
      %dma_start3A_190 = arith.constant 0 : i32
      %dma_start3A_191 = tpu.memref_slice %arg8[%dma_start3A_188, %dma_start3A_189, %dma_start3A_190] : memref<5x128x32xf32, #tpu.memory_space<vmem>> -> memref<1x128x32xf32, #tpu.memory_space<vmem>>
      %dma_start3A_192 = tpu.memref_squeeze %dma_start3A_191 : memref<1x128x32xf32, #tpu.memory_space<vmem>> -> memref<128x32xf32, #tpu.memory_space<vmem>>
      %dma_start3A_193 = arith.constant 0 : i32
      %dma_start3A_194 = tpu.memref_slice %arg7[%add3A_172, %dma_start3A_193] : memref<80x128xi32, #tpu.memory_space<vmem>> -> memref<1x128xi32, #tpu.memory_space<vmem>>
      %dma_start3A_195 = tpu.memref_squeeze %dma_start3A_194 : memref<1x128xi32, #tpu.memory_space<vmem>> -> memref<128xi32, #tpu.memory_space<vmem>>
      %dma_start3A_196 = arith.constant 0 : i32
      %dma_start3A_197 = arith.constant 0 : i32
      %dma_start3A_198 = tpu.memref_slice %arg10[%dma_start3A_196, %dma_start3A_197] : memref<10240x32xf32, #tpu.memory_space<vmem_shared>> -> memref<10240x32xf32, #tpu.memory_space<vmem_shared>>
      tpu.enqueue_indirect_dma source(%dma_start3A_192 : memref<128x32xf32, #tpu.memory_space<vmem>>) target(%dma_start3A_198 : memref<10240x32xf32, #tpu.memory_space<vmem_shared>>) offsets(%dma_start3A_195 : memref<128xi32, #tpu.memory_space<vmem>>) semaphore(%arg17 : memref<!tpu.dma_semaphore, #tpu.memory_space<semaphore_mem>>) {add = true}
      %le3A = arith.constant 14 : i32
      %le3A_199 = arith.cmpi sle, %scan3A_136, %le3A : i32
      %convert_element_type3A_200 = arith.extui %le3A_199 : i1 to i32
      %cond3A_201 = arith.constant 0 : i32
      %cond3A_202 = arith.cmpi ne, %convert_element_type3A_200, %cond3A_201 : i32
      scf.if %cond3A_202 {
        %sub3A = arith.constant 1 : i32
        %sub3A_308 = arith.subi %add3A_172, %sub3A : i32
        %dma_wait3A_309 = arith.constant 0 : i32
        %dma_wait3A_310 = arith.constant 0 : i32
        %dma_wait3A_311 = arith.constant 0 : i32
        %dma_wait3A_312 = tpu.memref_slice %arg8[%dma_wait3A_309, %dma_wait3A_310, %dma_wait3A_311] : memref<5x128x32xf32, #tpu.memory_space<vmem>> -> memref<1x128x32xf32, #tpu.memory_space<vmem>>
        %dma_wait3A_313 = tpu.memref_squeeze %dma_wait3A_312 : memref<1x128x32xf32, #tpu.memory_space<vmem>> -> memref<128x32xf32, #tpu.memory_space<vmem>>
        %dma_wait3A_314 = arith.constant 0 : i32
        %dma_wait3A_315 = tpu.memref_slice %arg7[%sub3A_308, %dma_wait3A_314] : memref<80x128xi32, #tpu.memory_space<vmem>> -> memref<1x128xi32, #tpu.memory_space<vmem>>
        %dma_wait3A_316 = tpu.memref_squeeze %dma_wait3A_315 : memref<1x128xi32, #tpu.memory_space<vmem>> -> memref<128xi32, #tpu.memory_space<vmem>>
        %dma_wait3A_317 = arith.constant 0 : i32
        %dma_wait3A_318 = arith.constant 0 : i32
        %dma_wait3A_319 = tpu.memref_slice %arg10[%dma_wait3A_317, %dma_wait3A_318] : memref<10240x32xf32, #tpu.memory_space<vmem_shared>> -> memref<10240x32xf32, #tpu.memory_space<vmem_shared>>
        tpu.wait_indirect_dma semaphore(%arg16 : memref<!tpu.dma_semaphore, #tpu.memory_space<semaphore_mem>>) src(%dma_wait3A_313 : memref<128x32xf32, #tpu.memory_space<vmem>>) dst(%dma_wait3A_319 : memref<10240x32xf32, #tpu.memory_space<vmem_shared>>)
        %add3A_320 = arith.constant 5 : i32
        %add3A_321 = arith.addi %sub3A_308, %add3A_320 : i32
        %dma_start3A_322 = arith.constant 0 : i32
        %dma_start3A_323 = arith.constant 0 : i32
        %dma_start3A_324 = arith.constant 0 : i32
        %dma_start3A_325 = tpu.memref_slice %arg8[%dma_start3A_322, %dma_start3A_323, %dma_start3A_324] : memref<5x128x32xf32, #tpu.memory_space<vmem>> -> memref<1x128x32xf32, #tpu.memory_space<vmem>>
        %dma_start3A_326 = tpu.memref_squeeze %dma_start3A_325 : memref<1x128x32xf32, #tpu.memory_space<vmem>> -> memref<128x32xf32, #tpu.memory_space<vmem>>
        %dma_start3A_327 = arith.constant 0 : i32
        %dma_start3A_328 = tpu.memref_slice %arg6[%add3A_321, %dma_start3A_327] : memref<80x128xi32, #tpu.memory_space<vmem>> -> memref<1x128xi32, #tpu.memory_space<vmem>>
        %dma_start3A_329 = tpu.memref_squeeze %dma_start3A_328 : memref<1x128xi32, #tpu.memory_space<vmem>> -> memref<128xi32, #tpu.memory_space<vmem>>
        %dma_start3A_330 = arith.constant 0 : i32
        %dma_start3A_331 = arith.constant 0 : i32
        %dma_start3A_332 = tpu.memref_slice %arg9[%dma_start3A_330, %dma_start3A_331] : memref<10000x32xf32, #tpu.memory_space<vmem_shared>> -> memref<10000x32xf32, #tpu.memory_space<vmem_shared>>
        tpu.enqueue_indirect_dma source(%dma_start3A_332 : memref<10000x32xf32, #tpu.memory_space<vmem_shared>>) target(%dma_start3A_326 : memref<128x32xf32, #tpu.memory_space<vmem>>) offsets(%dma_start3A_329 : memref<128xi32, #tpu.memory_space<vmem>>) semaphore(%arg11 : memref<!tpu.dma_semaphore, #tpu.memory_space<semaphore_mem>>)
      } else {
      }
      %mul3A_203 = arith.constant 5 : i32
      %mul3A_204 = arith.muli %scan3A_136, %mul3A_203 : i32
      %add3A_205 = arith.constant 2 : i32
      %add3A_206 = arith.addi %mul3A_204, %add3A_205 : i32
      %dma_wait3A_207 = arith.constant 2 : i32
      %dma_wait3A_208 = arith.constant 0 : i32
      %dma_wait3A_209 = arith.constant 0 : i32
      %dma_wait3A_210 = tpu.memref_slice %arg8[%dma_wait3A_207, %dma_wait3A_208, %dma_wait3A_209] : memref<5x128x32xf32, #tpu.memory_space<vmem>> -> memref<1x128x32xf32, #tpu.memory_space<vmem>>
      %dma_wait3A_211 = tpu.memref_squeeze %dma_wait3A_210 : memref<1x128x32xf32, #tpu.memory_space<vmem>> -> memref<128x32xf32, #tpu.memory_space<vmem>>
      %dma_wait3A_212 = arith.constant 0 : i32
      %dma_wait3A_213 = arith.constant 0 : i32
      %dma_wait3A_214 = tpu.memref_slice %arg2[%dma_wait3A_212, %dma_wait3A_213] : memref<10000x32xf32, #tpu.memory_space<hbm>> -> memref<128x32xf32, #tpu.memory_space<hbm>>
      %dma_wait3A_215 = arith.constant 0 : i32
      %dma_wait3A_216 = arith.constant 0 : i32
      %dma_wait3A_217 = tpu.memref_slice %arg8[%dma_wait3A_207, %dma_wait3A_215, %dma_wait3A_216] : memref<5x128x32xf32, #tpu.memory_space<vmem>> -> memref<1x128x32xf32, #tpu.memory_space<vmem>>
      %dma_wait3A_218 = tpu.memref_squeeze %dma_wait3A_217 : memref<1x128x32xf32, #tpu.memory_space<vmem>> -> memref<128x32xf32, #tpu.memory_space<vmem>>
      %dma_wait3A_219 = arith.constant 0 : i32
      %dma_wait3A_220 = arith.constant 0 : i32
      %dma_wait3A_221 = tpu.memref_slice %arg2[%dma_wait3A_219, %dma_wait3A_220] : memref<10000x32xf32, #tpu.memory_space<hbm>> -> memref<128x32xf32, #tpu.memory_space<hbm>>
      tpu.wait_dma2 semaphore(%arg13 : memref<!tpu.dma_semaphore, #tpu.memory_space<semaphore_mem>>) src(%dma_wait3A_221 : memref<128x32xf32, #tpu.memory_space<hbm>>) dst(%dma_wait3A_218 : memref<128x32xf32, #tpu.memory_space<vmem>>)
      %dma_start3A_222 = arith.constant 2 : i32
      %dma_start3A_223 = arith.constant 0 : i32
      %dma_start3A_224 = arith.constant 0 : i32
      %dma_start3A_225 = tpu.memref_slice %arg8[%dma_start3A_222, %dma_start3A_223, %dma_start3A_224] : memref<5x128x32xf32, #tpu.memory_space<vmem>> -> memref<1x128x32xf32, #tpu.memory_space<vmem>>
      %dma_start3A_226 = tpu.memref_squeeze %dma_start3A_225 : memref<1x128x32xf32, #tpu.memory_space<vmem>> -> memref<128x32xf32, #tpu.memory_space<vmem>>
      %dma_start3A_227 = arith.constant 0 : i32
      %dma_start3A_228 = tpu.memref_slice %arg7[%add3A_206, %dma_start3A_227] : memref<80x128xi32, #tpu.memory_space<vmem>> -> memref<1x128xi32, #tpu.memory_space<vmem>>
      %dma_start3A_229 = tpu.memref_squeeze %dma_start3A_228 : memref<1x128xi32, #tpu.memory_space<vmem>> -> memref<128xi32, #tpu.memory_space<vmem>>
      %dma_start3A_230 = arith.constant 0 : i32
      %dma_start3A_231 = arith.constant 0 : i32
      %dma_start3A_232 = tpu.memref_slice %arg10[%dma_start3A_230, %dma_start3A_231] : memref<10240x32xf32, #tpu.memory_space<vmem_shared>> -> memref<10240x32xf32, #tpu.memory_space<vmem_shared>>
      tpu.enqueue_indirect_dma source(%dma_start3A_226 : memref<128x32xf32, #tpu.memory_space<vmem>>) target(%dma_start3A_232 : memref<10240x32xf32, #tpu.memory_space<vmem_shared>>) offsets(%dma_start3A_229 : memref<128xi32, #tpu.memory_space<vmem>>) semaphore(%arg18 : memref<!tpu.dma_semaphore, #tpu.memory_space<semaphore_mem>>) {add = true}
      %le3A_233 = arith.constant 14 : i32
      %le3A_234 = arith.cmpi sle, %scan3A_136, %le3A_233 : i32
      %convert_element_type3A_235 = arith.extui %le3A_234 : i1 to i32
      %cond3A_236 = arith.constant 0 : i32
      %cond3A_237 = arith.cmpi ne, %convert_element_type3A_235, %cond3A_236 : i32
      scf.if %cond3A_237 {
        %sub3A = arith.constant 1 : i32
        %sub3A_308 = arith.subi %add3A_206, %sub3A : i32
        %dma_wait3A_309 = arith.constant 1 : i32
        %dma_wait3A_310 = arith.constant 0 : i32
        %dma_wait3A_311 = arith.constant 0 : i32
        %dma_wait3A_312 = tpu.memref_slice %arg8[%dma_wait3A_309, %dma_wait3A_310, %dma_wait3A_311] : memref<5x128x32xf32, #tpu.memory_space<vmem>> -> memref<1x128x32xf32, #tpu.memory_space<vmem>>
        %dma_wait3A_313 = tpu.memref_squeeze %dma_wait3A_312 : memref<1x128x32xf32, #tpu.memory_space<vmem>> -> memref<128x32xf32, #tpu.memory_space<vmem>>
        %dma_wait3A_314 = arith.constant 0 : i32
        %dma_wait3A_315 = tpu.memref_slice %arg7[%sub3A_308, %dma_wait3A_314] : memref<80x128xi32, #tpu.memory_space<vmem>> -> memref<1x128xi32, #tpu.memory_space<vmem>>
        %dma_wait3A_316 = tpu.memref_squeeze %dma_wait3A_315 : memref<1x128xi32, #tpu.memory_space<vmem>> -> memref<128xi32, #tpu.memory_space<vmem>>
        %dma_wait3A_317 = arith.constant 0 : i32
        %dma_wait3A_318 = arith.constant 0 : i32
        %dma_wait3A_319 = tpu.memref_slice %arg10[%dma_wait3A_317, %dma_wait3A_318] : memref<10240x32xf32, #tpu.memory_space<vmem_shared>> -> memref<10240x32xf32, #tpu.memory_space<vmem_shared>>
        tpu.wait_indirect_dma semaphore(%arg17 : memref<!tpu.dma_semaphore, #tpu.memory_space<semaphore_mem>>) src(%dma_wait3A_313 : memref<128x32xf32, #tpu.memory_space<vmem>>) dst(%dma_wait3A_319 : memref<10240x32xf32, #tpu.memory_space<vmem_shared>>)
        %add3A_320 = arith.constant 5 : i32
        %add3A_321 = arith.addi %sub3A_308, %add3A_320 : i32
        %dma_start3A_322 = arith.constant 1 : i32
        %dma_start3A_323 = arith.constant 0 : i32
        %dma_start3A_324 = arith.constant 0 : i32
        %dma_start3A_325 = tpu.memref_slice %arg8[%dma_start3A_322, %dma_start3A_323, %dma_start3A_324] : memref<5x128x32xf32, #tpu.memory_space<vmem>> -> memref<1x128x32xf32, #tpu.memory_space<vmem>>
        %dma_start3A_326 = tpu.memref_squeeze %dma_start3A_325 : memref<1x128x32xf32, #tpu.memory_space<vmem>> -> memref<128x32xf32, #tpu.memory_space<vmem>>
        %dma_start3A_327 = arith.constant 0 : i32
        %dma_start3A_328 = tpu.memref_slice %arg6[%add3A_321, %dma_start3A_327] : memref<80x128xi32, #tpu.memory_space<vmem>> -> memref<1x128xi32, #tpu.memory_space<vmem>>
        %dma_start3A_329 = tpu.memref_squeeze %dma_start3A_328 : memref<1x128xi32, #tpu.memory_space<vmem>> -> memref<128xi32, #tpu.memory_space<vmem>>
        %dma_start3A_330 = arith.constant 0 : i32
        %dma_start3A_331 = arith.constant 0 : i32
        %dma_start3A_332 = tpu.memref_slice %arg9[%dma_start3A_330, %dma_start3A_331] : memref<10000x32xf32, #tpu.memory_space<vmem_shared>> -> memref<10000x32xf32, #tpu.memory_space<vmem_shared>>
        tpu.enqueue_indirect_dma source(%dma_start3A_332 : memref<10000x32xf32, #tpu.memory_space<vmem_shared>>) target(%dma_start3A_326 : memref<128x32xf32, #tpu.memory_space<vmem>>) offsets(%dma_start3A_329 : memref<128xi32, #tpu.memory_space<vmem>>) semaphore(%arg12 : memref<!tpu.dma_semaphore, #tpu.memory_space<semaphore_mem>>)
      } else {
      }
      %mul3A_238 = arith.constant 5 : i32
      %mul3A_239 = arith.muli %scan3A_136, %mul3A_238 : i32
      %add3A_240 = arith.constant 3 : i32
      %add3A_241 = arith.addi %mul3A_239, %add3A_240 : i32
      %dma_wait3A_242 = arith.constant 3 : i32
      %dma_wait3A_243 = arith.constant 0 : i32
      %dma_wait3A_244 = arith.constant 0 : i32
      %dma_wait3A_245 = tpu.memref_slice %arg8[%dma_wait3A_242, %dma_wait3A_243, %dma_wait3A_244] : memref<5x128x32xf32, #tpu.memory_space<vmem>> -> memref<1x128x32xf32, #tpu.memory_space<vmem>>
      %dma_wait3A_246 = tpu.memref_squeeze %dma_wait3A_245 : memref<1x128x32xf32, #tpu.memory_space<vmem>> -> memref<128x32xf32, #tpu.memory_space<vmem>>
      %dma_wait3A_247 = arith.constant 0 : i32
      %dma_wait3A_248 = arith.constant 0 : i32
      %dma_wait3A_249 = tpu.memref_slice %arg2[%dma_wait3A_247, %dma_wait3A_248] : memref<10000x32xf32, #tpu.memory_space<hbm>> -> memref<128x32xf32, #tpu.memory_space<hbm>>
      %dma_wait3A_250 = arith.constant 0 : i32
      %dma_wait3A_251 = arith.constant 0 : i32
      %dma_wait3A_252 = tpu.memref_slice %arg8[%dma_wait3A_242, %dma_wait3A_250, %dma_wait3A_251] : memref<5x128x32xf32, #tpu.memory_space<vmem>> -> memref<1x128x32xf32, #tpu.memory_space<vmem>>
      %dma_wait3A_253 = tpu.memref_squeeze %dma_wait3A_252 : memref<1x128x32xf32, #tpu.memory_space<vmem>> -> memref<128x32xf32, #tpu.memory_space<vmem>>
      %dma_wait3A_254 = arith.constant 0 : i32
      %dma_wait3A_255 = arith.constant 0 : i32
      %dma_wait3A_256 = tpu.memref_slice %arg2[%dma_wait3A_254, %dma_wait3A_255] : memref<10000x32xf32, #tpu.memory_space<hbm>> -> memref<128x32xf32, #tpu.memory_space<hbm>>
      tpu.wait_dma2 semaphore(%arg14 : memref<!tpu.dma_semaphore, #tpu.memory_space<semaphore_mem>>) src(%dma_wait3A_256 : memref<128x32xf32, #tpu.memory_space<hbm>>) dst(%dma_wait3A_253 : memref<128x32xf32, #tpu.memory_space<vmem>>)
      %dma_start3A_257 = arith.constant 3 : i32
      %dma_start3A_258 = arith.constant 0 : i32
      %dma_start3A_259 = arith.constant 0 : i32
      %dma_start3A_260 = tpu.memref_slice %arg8[%dma_start3A_257, %dma_start3A_258, %dma_start3A_259] : memref<5x128x32xf32, #tpu.memory_space<vmem>> -> memref<1x128x32xf32, #tpu.memory_space<vmem>>
      %dma_start3A_261 = tpu.memref_squeeze %dma_start3A_260 : memref<1x128x32xf32, #tpu.memory_space<vmem>> -> memref<128x32xf32, #tpu.memory_space<vmem>>
      %dma_start3A_262 = arith.constant 0 : i32
      %dma_start3A_263 = tpu.memref_slice %arg7[%add3A_241, %dma_start3A_262] : memref<80x128xi32, #tpu.memory_space<vmem>> -> memref<1x128xi32, #tpu.memory_space<vmem>>
      %dma_start3A_264 = tpu.memref_squeeze %dma_start3A_263 : memref<1x128xi32, #tpu.memory_space<vmem>> -> memref<128xi32, #tpu.memory_space<vmem>>
      %dma_start3A_265 = arith.constant 0 : i32
      %dma_start3A_266 = arith.constant 0 : i32
      %dma_start3A_267 = tpu.memref_slice %arg10[%dma_start3A_265, %dma_start3A_266] : memref<10240x32xf32, #tpu.memory_space<vmem_shared>> -> memref<10240x32xf32, #tpu.memory_space<vmem_shared>>
      tpu.enqueue_indirect_dma source(%dma_start3A_261 : memref<128x32xf32, #tpu.memory_space<vmem>>) target(%dma_start3A_267 : memref<10240x32xf32, #tpu.memory_space<vmem_shared>>) offsets(%dma_start3A_264 : memref<128xi32, #tpu.memory_space<vmem>>) semaphore(%arg19 : memref<!tpu.dma_semaphore, #tpu.memory_space<semaphore_mem>>) {add = true}
      %le3A_268 = arith.constant 14 : i32
      %le3A_269 = arith.cmpi sle, %scan3A_136, %le3A_268 : i32
      %convert_element_type3A_270 = arith.extui %le3A_269 : i1 to i32
      %cond3A_271 = arith.constant 0 : i32
      %cond3A_272 = arith.cmpi ne, %convert_element_type3A_270, %cond3A_271 : i32
      scf.if %cond3A_272 {
        %sub3A = arith.constant 1 : i32
        %sub3A_308 = arith.subi %add3A_241, %sub3A : i32
        %dma_wait3A_309 = arith.constant 2 : i32
        %dma_wait3A_310 = arith.constant 0 : i32
        %dma_wait3A_311 = arith.constant 0 : i32
        %dma_wait3A_312 = tpu.memref_slice %arg8[%dma_wait3A_309, %dma_wait3A_310, %dma_wait3A_311] : memref<5x128x32xf32, #tpu.memory_space<vmem>> -> memref<1x128x32xf32, #tpu.memory_space<vmem>>
        %dma_wait3A_313 = tpu.memref_squeeze %dma_wait3A_312 : memref<1x128x32xf32, #tpu.memory_space<vmem>> -> memref<128x32xf32, #tpu.memory_space<vmem>>
        %dma_wait3A_314 = arith.constant 0 : i32
        %dma_wait3A_315 = tpu.memref_slice %arg7[%sub3A_308, %dma_wait3A_314] : memref<80x128xi32, #tpu.memory_space<vmem>> -> memref<1x128xi32, #tpu.memory_space<vmem>>
        %dma_wait3A_316 = tpu.memref_squeeze %dma_wait3A_315 : memref<1x128xi32, #tpu.memory_space<vmem>> -> memref<128xi32, #tpu.memory_space<vmem>>
        %dma_wait3A_317 = arith.constant 0 : i32
        %dma_wait3A_318 = arith.constant 0 : i32
        %dma_wait3A_319 = tpu.memref_slice %arg10[%dma_wait3A_317, %dma_wait3A_318] : memref<10240x32xf32, #tpu.memory_space<vmem_shared>> -> memref<10240x32xf32, #tpu.memory_space<vmem_shared>>
        tpu.wait_indirect_dma semaphore(%arg18 : memref<!tpu.dma_semaphore, #tpu.memory_space<semaphore_mem>>) src(%dma_wait3A_313 : memref<128x32xf32, #tpu.memory_space<vmem>>) dst(%dma_wait3A_319 : memref<10240x32xf32, #tpu.memory_space<vmem_shared>>)
        %add3A_320 = arith.constant 5 : i32
        %add3A_321 = arith.addi %sub3A_308, %add3A_320 : i32
        %dma_start3A_322 = arith.constant 2 : i32
        %dma_start3A_323 = arith.constant 0 : i32
        %dma_start3A_324 = arith.constant 0 : i32
        %dma_start3A_325 = tpu.memref_slice %arg8[%dma_start3A_322, %dma_start3A_323, %dma_start3A_324] : memref<5x128x32xf32, #tpu.memory_space<vmem>> -> memref<1x128x32xf32, #tpu.memory_space<vmem>>
        %dma_start3A_326 = tpu.memref_squeeze %dma_start3A_325 : memref<1x128x32xf32, #tpu.memory_space<vmem>> -> memref<128x32xf32, #tpu.memory_space<vmem>>
        %dma_start3A_327 = arith.constant 0 : i32
        %dma_start3A_328 = tpu.memref_slice %arg6[%add3A_321, %dma_start3A_327] : memref<80x128xi32, #tpu.memory_space<vmem>> -> memref<1x128xi32, #tpu.memory_space<vmem>>
        %dma_start3A_329 = tpu.memref_squeeze %dma_start3A_328 : memref<1x128xi32, #tpu.memory_space<vmem>> -> memref<128xi32, #tpu.memory_space<vmem>>
        %dma_start3A_330 = arith.constant 0 : i32
        %dma_start3A_331 = arith.constant 0 : i32
        %dma_start3A_332 = tpu.memref_slice %arg9[%dma_start3A_330, %dma_start3A_331] : memref<10000x32xf32, #tpu.memory_space<vmem_shared>> -> memref<10000x32xf32, #tpu.memory_space<vmem_shared>>
        tpu.enqueue_indirect_dma source(%dma_start3A_332 : memref<10000x32xf32, #tpu.memory_space<vmem_shared>>) target(%dma_start3A_326 : memref<128x32xf32, #tpu.memory_space<vmem>>) offsets(%dma_start3A_329 : memref<128xi32, #tpu.memory_space<vmem>>) semaphore(%arg13 : memref<!tpu.dma_semaphore, #tpu.memory_space<semaphore_mem>>)
      } else {
      }
      %mul3A_273 = arith.constant 5 : i32
      %mul3A_274 = arith.muli %scan3A_136, %mul3A_273 : i32
      %add3A_275 = arith.constant 4 : i32
      %add3A_276 = arith.addi %mul3A_274, %add3A_275 : i32
      %dma_wait3A_277 = arith.constant 4 : i32
      %dma_wait3A_278 = arith.constant 0 : i32
      %dma_wait3A_279 = arith.constant 0 : i32
      %dma_wait3A_280 = tpu.memref_slice %arg8[%dma_wait3A_277, %dma_wait3A_278, %dma_wait3A_279] : memref<5x128x32xf32, #tpu.memory_space<vmem>> -> memref<1x128x32xf32, #tpu.memory_space<vmem>>
      %dma_wait3A_281 = tpu.memref_squeeze %dma_wait3A_280 : memref<1x128x32xf32, #tpu.memory_space<vmem>> -> memref<128x32xf32, #tpu.memory_space<vmem>>
      %dma_wait3A_282 = arith.constant 0 : i32
      %dma_wait3A_283 = arith.constant 0 : i32
      %dma_wait3A_284 = tpu.memref_slice %arg2[%dma_wait3A_282, %dma_wait3A_283] : memref<10000x32xf32, #tpu.memory_space<hbm>> -> memref<128x32xf32, #tpu.memory_space<hbm>>
      %dma_wait3A_285 = arith.constant 0 : i32
      %dma_wait3A_286 = arith.constant 0 : i32
      %dma_wait3A_287 = tpu.memref_slice %arg8[%dma_wait3A_277, %dma_wait3A_285, %dma_wait3A_286] : memref<5x128x32xf32, #tpu.memory_space<vmem>> -> memref<1x128x32xf32, #tpu.memory_space<vmem>>
      %dma_wait3A_288 = tpu.memref_squeeze %dma_wait3A_287 : memref<1x128x32xf32, #tpu.memory_space<vmem>> -> memref<128x32xf32, #tpu.memory_space<vmem>>
      %dma_wait3A_289 = arith.constant 0 : i32
      %dma_wait3A_290 = arith.constant 0 : i32
      %dma_wait3A_291 = tpu.memref_slice %arg2[%dma_wait3A_289, %dma_wait3A_290] : memref<10000x32xf32, #tpu.memory_space<hbm>> -> memref<128x32xf32, #tpu.memory_space<hbm>>
      tpu.wait_dma2 semaphore(%arg15 : memref<!tpu.dma_semaphore, #tpu.memory_space<semaphore_mem>>) src(%dma_wait3A_291 : memref<128x32xf32, #tpu.memory_space<hbm>>) dst(%dma_wait3A_288 : memref<128x32xf32, #tpu.memory_space<vmem>>)
      %dma_start3A_292 = arith.constant 4 : i32
      %dma_start3A_293 = arith.constant 0 : i32
      %dma_start3A_294 = arith.constant 0 : i32
      %dma_start3A_295 = tpu.memref_slice %arg8[%dma_start3A_292, %dma_start3A_293, %dma_start3A_294] : memref<5x128x32xf32, #tpu.memory_space<vmem>> -> memref<1x128x32xf32, #tpu.memory_space<vmem>>
      %dma_start3A_296 = tpu.memref_squeeze %dma_start3A_295 : memref<1x128x32xf32, #tpu.memory_space<vmem>> -> memref<128x32xf32, #tpu.memory_space<vmem>>
      %dma_start3A_297 = arith.constant 0 : i32
      %dma_start3A_298 = tpu.memref_slice %arg7[%add3A_276, %dma_start3A_297] : memref<80x128xi32, #tpu.memory_space<vmem>> -> memref<1x128xi32, #tpu.memory_space<vmem>>
      %dma_start3A_299 = tpu.memref_squeeze %dma_start3A_298 : memref<1x128xi32, #tpu.memory_space<vmem>> -> memref<128xi32, #tpu.memory_space<vmem>>
      %dma_start3A_300 = arith.constant 0 : i32
      %dma_start3A_301 = arith.constant 0 : i32
      %dma_start3A_302 = tpu.memref_slice %arg10[%dma_start3A_300, %dma_start3A_301] : memref<10240x32xf32, #tpu.memory_space<vmem_shared>> -> memref<10240x32xf32, #tpu.memory_space<vmem_shared>>
      tpu.enqueue_indirect_dma source(%dma_start3A_296 : memref<128x32xf32, #tpu.memory_space<vmem>>) target(%dma_start3A_302 : memref<10240x32xf32, #tpu.memory_space<vmem_shared>>) offsets(%dma_start3A_299 : memref<128xi32, #tpu.memory_space<vmem>>) semaphore(%arg20 : memref<!tpu.dma_semaphore, #tpu.memory_space<semaphore_mem>>) {add = true}
      %le3A_303 = arith.constant 14 : i32
      %le3A_304 = arith.cmpi sle, %scan3A_136, %le3A_303 : i32
      %convert_element_type3A_305 = arith.extui %le3A_304 : i1 to i32
      %cond3A_306 = arith.constant 0 : i32
      %cond3A_307 = arith.cmpi ne, %convert_element_type3A_305, %cond3A_306 : i32
      scf.if %cond3A_307 {
        %sub3A = arith.constant 1 : i32
        %sub3A_308 = arith.subi %add3A_276, %sub3A : i32
        %dma_wait3A_309 = arith.constant 3 : i32
        %dma_wait3A_310 = arith.constant 0 : i32
        %dma_wait3A_311 = arith.constant 0 : i32
        %dma_wait3A_312 = tpu.memref_slice %arg8[%dma_wait3A_309, %dma_wait3A_310, %dma_wait3A_311] : memref<5x128x32xf32, #tpu.memory_space<vmem>> -> memref<1x128x32xf32, #tpu.memory_space<vmem>>
        %dma_wait3A_313 = tpu.memref_squeeze %dma_wait3A_312 : memref<1x128x32xf32, #tpu.memory_space<vmem>> -> memref<128x32xf32, #tpu.memory_space<vmem>>
        %dma_wait3A_314 = arith.constant 0 : i32
        %dma_wait3A_315 = tpu.memref_slice %arg7[%sub3A_308, %dma_wait3A_314] : memref<80x128xi32, #tpu.memory_space<vmem>> -> memref<1x128xi32, #tpu.memory_space<vmem>>
        %dma_wait3A_316 = tpu.memref_squeeze %dma_wait3A_315 : memref<1x128xi32, #tpu.memory_space<vmem>> -> memref<128xi32, #tpu.memory_space<vmem>>
        %dma_wait3A_317 = arith.constant 0 : i32
        %dma_wait3A_318 = arith.constant 0 : i32
        %dma_wait3A_319 = tpu.memref_slice %arg10[%dma_wait3A_317, %dma_wait3A_318] : memref<10240x32xf32, #tpu.memory_space<vmem_shared>> -> memref<10240x32xf32, #tpu.memory_space<vmem_shared>>
        tpu.wait_indirect_dma semaphore(%arg19 : memref<!tpu.dma_semaphore, #tpu.memory_space<semaphore_mem>>) src(%dma_wait3A_313 : memref<128x32xf32, #tpu.memory_space<vmem>>) dst(%dma_wait3A_319 : memref<10240x32xf32, #tpu.memory_space<vmem_shared>>)
        %add3A_320 = arith.constant 5 : i32
        %add3A_321 = arith.addi %sub3A_308, %add3A_320 : i32
        %dma_start3A_322 = arith.constant 3 : i32
        %dma_start3A_323 = arith.constant 0 : i32
        %dma_start3A_324 = arith.constant 0 : i32
        %dma_start3A_325 = tpu.memref_slice %arg8[%dma_start3A_322, %dma_start3A_323, %dma_start3A_324] : memref<5x128x32xf32, #tpu.memory_space<vmem>> -> memref<1x128x32xf32, #tpu.memory_space<vmem>>
        %dma_start3A_326 = tpu.memref_squeeze %dma_start3A_325 : memref<1x128x32xf32, #tpu.memory_space<vmem>> -> memref<128x32xf32, #tpu.memory_space<vmem>>
        %dma_start3A_327 = arith.constant 0 : i32
        %dma_start3A_328 = tpu.memref_slice %arg6[%add3A_321, %dma_start3A_327] : memref<80x128xi32, #tpu.memory_space<vmem>> -> memref<1x128xi32, #tpu.memory_space<vmem>>
        %dma_start3A_329 = tpu.memref_squeeze %dma_start3A_328 : memref<1x128xi32, #tpu.memory_space<vmem>> -> memref<128xi32, #tpu.memory_space<vmem>>
        %dma_start3A_330 = arith.constant 0 : i32
        %dma_start3A_331 = arith.constant 0 : i32
        %dma_start3A_332 = tpu.memref_slice %arg9[%dma_start3A_330, %dma_start3A_331] : memref<10000x32xf32, #tpu.memory_space<vmem_shared>> -> memref<10000x32xf32, #tpu.memory_space<vmem_shared>>
        tpu.enqueue_indirect_dma source(%dma_start3A_332 : memref<10000x32xf32, #tpu.memory_space<vmem_shared>>) target(%dma_start3A_326 : memref<128x32xf32, #tpu.memory_space<vmem>>) offsets(%dma_start3A_329 : memref<128xi32, #tpu.memory_space<vmem>>) semaphore(%arg14 : memref<!tpu.dma_semaphore, #tpu.memory_space<semaphore_mem>>)
      } else {
      }
    }
    %scan3A_71 = arith.constant 16 : i32
    %dma_wait3A = arith.constant 0 : i32
    %dma_wait3A_72 = arith.constant 75 : i32
    %dma_wait3A_73 = arith.constant 0 : i32
    %dma_wait3A_74 = arith.constant 0 : i32
    %dma_wait3A_75 = tpu.memref_slice %arg8[%dma_wait3A, %dma_wait3A_73, %dma_wait3A_74] : memref<5x128x32xf32, #tpu.memory_space<vmem>> -> memref<1x128x32xf32, #tpu.memory_space<vmem>>
    %dma_wait3A_76 = tpu.memref_squeeze %dma_wait3A_75 : memref<1x128x32xf32, #tpu.memory_space<vmem>> -> memref<128x32xf32, #tpu.memory_space<vmem>>
    %dma_wait3A_77 = arith.constant 0 : i32
    %dma_wait3A_78 = tpu.memref_slice %arg7[%dma_wait3A_72, %dma_wait3A_77] : memref<80x128xi32, #tpu.memory_space<vmem>> -> memref<1x128xi32, #tpu.memory_space<vmem>>
    %dma_wait3A_79 = tpu.memref_squeeze %dma_wait3A_78 : memref<1x128xi32, #tpu.memory_space<vmem>> -> memref<128xi32, #tpu.memory_space<vmem>>
    %dma_wait3A_80 = arith.constant 0 : i32
    %dma_wait3A_81 = arith.constant 0 : i32
    %dma_wait3A_82 = tpu.memref_slice %arg10[%dma_wait3A_80, %dma_wait3A_81] : memref<10240x32xf32, #tpu.memory_space<vmem_shared>> -> memref<10240x32xf32, #tpu.memory_space<vmem_shared>>
    tpu.wait_indirect_dma semaphore(%arg16 : memref<!tpu.dma_semaphore, #tpu.memory_space<semaphore_mem>>) src(%dma_wait3A_76 : memref<128x32xf32, #tpu.memory_space<vmem>>) dst(%dma_wait3A_82 : memref<10240x32xf32, #tpu.memory_space<vmem_shared>>)
    %dma_wait3A_83 = arith.constant 1 : i32
    %dma_wait3A_84 = arith.constant 76 : i32
    %dma_wait3A_85 = arith.constant 0 : i32
    %dma_wait3A_86 = arith.constant 0 : i32
    %dma_wait3A_87 = tpu.memref_slice %arg8[%dma_wait3A_83, %dma_wait3A_85, %dma_wait3A_86] : memref<5x128x32xf32, #tpu.memory_space<vmem>> -> memref<1x128x32xf32, #tpu.memory_space<vmem>>
    %dma_wait3A_88 = tpu.memref_squeeze %dma_wait3A_87 : memref<1x128x32xf32, #tpu.memory_space<vmem>> -> memref<128x32xf32, #tpu.memory_space<vmem>>
    %dma_wait3A_89 = arith.constant 0 : i32
    %dma_wait3A_90 = tpu.memref_slice %arg7[%dma_wait3A_84, %dma_wait3A_89] : memref<80x128xi32, #tpu.memory_space<vmem>> -> memref<1x128xi32, #tpu.memory_space<vmem>>
    %dma_wait3A_91 = tpu.memref_squeeze %dma_wait3A_90 : memref<1x128xi32, #tpu.memory_space<vmem>> -> memref<128xi32, #tpu.memory_space<vmem>>
    %dma_wait3A_92 = arith.constant 0 : i32
    %dma_wait3A_93 = arith.constant 0 : i32
    %dma_wait3A_94 = tpu.memref_slice %arg10[%dma_wait3A_92, %dma_wait3A_93] : memref<10240x32xf32, #tpu.memory_space<vmem_shared>> -> memref<10240x32xf32, #tpu.memory_space<vmem_shared>>
    tpu.wait_indirect_dma semaphore(%arg17 : memref<!tpu.dma_semaphore, #tpu.memory_space<semaphore_mem>>) src(%dma_wait3A_88 : memref<128x32xf32, #tpu.memory_space<vmem>>) dst(%dma_wait3A_94 : memref<10240x32xf32, #tpu.memory_space<vmem_shared>>)
    %dma_wait3A_95 = arith.constant 2 : i32
    %dma_wait3A_96 = arith.constant 77 : i32
    %dma_wait3A_97 = arith.constant 0 : i32
    %dma_wait3A_98 = arith.constant 0 : i32
    %dma_wait3A_99 = tpu.memref_slice %arg8[%dma_wait3A_95, %dma_wait3A_97, %dma_wait3A_98] : memref<5x128x32xf32, #tpu.memory_space<vmem>> -> memref<1x128x32xf32, #tpu.memory_space<vmem>>
    %dma_wait3A_100 = tpu.memref_squeeze %dma_wait3A_99 : memref<1x128x32xf32, #tpu.memory_space<vmem>> -> memref<128x32xf32, #tpu.memory_space<vmem>>
    %dma_wait3A_101 = arith.constant 0 : i32
    %dma_wait3A_102 = tpu.memref_slice %arg7[%dma_wait3A_96, %dma_wait3A_101] : memref<80x128xi32, #tpu.memory_space<vmem>> -> memref<1x128xi32, #tpu.memory_space<vmem>>
    %dma_wait3A_103 = tpu.memref_squeeze %dma_wait3A_102 : memref<1x128xi32, #tpu.memory_space<vmem>> -> memref<128xi32, #tpu.memory_space<vmem>>
    %dma_wait3A_104 = arith.constant 0 : i32
    %dma_wait3A_105 = arith.constant 0 : i32
    %dma_wait3A_106 = tpu.memref_slice %arg10[%dma_wait3A_104, %dma_wait3A_105] : memref<10240x32xf32, #tpu.memory_space<vmem_shared>> -> memref<10240x32xf32, #tpu.memory_space<vmem_shared>>
    tpu.wait_indirect_dma semaphore(%arg18 : memref<!tpu.dma_semaphore, #tpu.memory_space<semaphore_mem>>) src(%dma_wait3A_100 : memref<128x32xf32, #tpu.memory_space<vmem>>) dst(%dma_wait3A_106 : memref<10240x32xf32, #tpu.memory_space<vmem_shared>>)
    %dma_wait3A_107 = arith.constant 3 : i32
    %dma_wait3A_108 = arith.constant 78 : i32
    %dma_wait3A_109 = arith.constant 0 : i32
    %dma_wait3A_110 = arith.constant 0 : i32
    %dma_wait3A_111 = tpu.memref_slice %arg8[%dma_wait3A_107, %dma_wait3A_109, %dma_wait3A_110] : memref<5x128x32xf32, #tpu.memory_space<vmem>> -> memref<1x128x32xf32, #tpu.memory_space<vmem>>
    %dma_wait3A_112 = tpu.memref_squeeze %dma_wait3A_111 : memref<1x128x32xf32, #tpu.memory_space<vmem>> -> memref<128x32xf32, #tpu.memory_space<vmem>>
    %dma_wait3A_113 = arith.constant 0 : i32
    %dma_wait3A_114 = tpu.memref_slice %arg7[%dma_wait3A_108, %dma_wait3A_113] : memref<80x128xi32, #tpu.memory_space<vmem>> -> memref<1x128xi32, #tpu.memory_space<vmem>>
    %dma_wait3A_115 = tpu.memref_squeeze %dma_wait3A_114 : memref<1x128xi32, #tpu.memory_space<vmem>> -> memref<128xi32, #tpu.memory_space<vmem>>
    %dma_wait3A_116 = arith.constant 0 : i32
    %dma_wait3A_117 = arith.constant 0 : i32
    %dma_wait3A_118 = tpu.memref_slice %arg10[%dma_wait3A_116, %dma_wait3A_117] : memref<10240x32xf32, #tpu.memory_space<vmem_shared>> -> memref<10240x32xf32, #tpu.memory_space<vmem_shared>>
    tpu.wait_indirect_dma semaphore(%arg19 : memref<!tpu.dma_semaphore, #tpu.memory_space<semaphore_mem>>) src(%dma_wait3A_112 : memref<128x32xf32, #tpu.memory_space<vmem>>) dst(%dma_wait3A_118 : memref<10240x32xf32, #tpu.memory_space<vmem_shared>>)
    %dma_wait3A_119 = arith.constant 4 : i32
    %dma_wait3A_120 = arith.constant 79 : i32
    %dma_wait3A_121 = arith.constant 0 : i32
    %dma_wait3A_122 = arith.constant 0 : i32
    %dma_wait3A_123 = tpu.memref_slice %arg8[%dma_wait3A_119, %dma_wait3A_121, %dma_wait3A_122] : memref<5x128x32xf32, #tpu.memory_space<vmem>> -> memref<1x128x32xf32, #tpu.memory_space<vmem>>
    %dma_wait3A_124 = tpu.memref_squeeze %dma_wait3A_123 : memref<1x128x32xf32, #tpu.memory_space<vmem>> -> memref<128x32xf32, #tpu.memory_space<vmem>>
    %dma_wait3A_125 = arith.constant 0 : i32
    %dma_wait3A_126 = tpu.memref_slice %arg7[%dma_wait3A_120, %dma_wait3A_125] : memref<80x128xi32, #tpu.memory_space<vmem>> -> memref<1x128xi32, #tpu.memory_space<vmem>>
    %dma_wait3A_127 = tpu.memref_squeeze %dma_wait3A_126 : memref<1x128xi32, #tpu.memory_space<vmem>> -> memref<128xi32, #tpu.memory_space<vmem>>
    %dma_wait3A_128 = arith.constant 0 : i32
    %dma_wait3A_129 = arith.constant 0 : i32
    %dma_wait3A_130 = tpu.memref_slice %arg10[%dma_wait3A_128, %dma_wait3A_129] : memref<10240x32xf32, #tpu.memory_space<vmem_shared>> -> memref<10240x32xf32, #tpu.memory_space<vmem_shared>>
    tpu.wait_indirect_dma semaphore(%arg20 : memref<!tpu.dma_semaphore, #tpu.memory_space<semaphore_mem>>) src(%dma_wait3A_124 : memref<128x32xf32, #tpu.memory_space<vmem>>) dst(%dma_wait3A_130 : memref<10240x32xf32, #tpu.memory_space<vmem_shared>>)
    %barrier3A_131 = arith.constant 0 : index
    tpu.barrier barrier_id(%barrier3A_131)
    %mul3A_132 = arith.constant 640 : i32
    %mul3A_133 = arith.muli %arg1, %mul3A_132 : i32
    %mul3A_134 = arith.constant 640 : i32
    %mul3A_135 = arith.muli %arg1, %mul3A_134 : i32
    "tpu.region"() ({
      %run_scoped3A_136 = tpu.sem_alloc : memref<!tpu.dma_semaphore, #tpu.memory_space<semaphore_mem>>
      %dma_start3A_137 = arith.constant 0 : i32
      %dma_start3A_138 = tpu.memref_slice %arg5[%arg0, %mul3A_135, %dma_start3A_137] : memref<2x10240x32xf32, #tpu.memory_space<hbm>> -> memref<1x640x32xf32, #tpu.memory_space<hbm>>
      %dma_start3A_139 = tpu.memref_squeeze %dma_start3A_138 : memref<1x640x32xf32, #tpu.memory_space<hbm>> -> memref<640x32xf32, #tpu.memory_space<hbm>>
      %dma_start3A_140 = arith.constant 0 : i32
      %dma_start3A_141 = tpu.memref_slice %arg10[%mul3A_133, %dma_start3A_140] : memref<10240x32xf32, #tpu.memory_space<vmem_shared>> -> memref<640x32xf32, #tpu.memory_space<vmem_shared>>
      tpu.enqueue_dma source(%dma_start3A_141 : memref<640x32xf32, #tpu.memory_space<vmem_shared>>) target(%dma_start3A_139 : memref<640x32xf32, #tpu.memory_space<hbm>>) target_semaphore(%run_scoped3A_136 : memref<!tpu.dma_semaphore, #tpu.memory_space<semaphore_mem>>)
      %dma_wait3A_142 = arith.constant 0 : i32
      %dma_wait3A_143 = tpu.memref_slice %arg5[%arg0, %mul3A_135, %dma_wait3A_142] : memref<2x10240x32xf32, #tpu.memory_space<hbm>> -> memref<1x640x32xf32, #tpu.memory_space<hbm>>
      %dma_wait3A_144 = tpu.memref_squeeze %dma_wait3A_143 : memref<1x640x32xf32, #tpu.memory_space<hbm>> -> memref<640x32xf32, #tpu.memory_space<hbm>>
      %dma_wait3A_145 = arith.constant 0 : i32
      %dma_wait3A_146 = tpu.memref_slice %arg10[%mul3A_133, %dma_wait3A_145] : memref<10240x32xf32, #tpu.memory_space<vmem_shared>> -> memref<640x32xf32, #tpu.memory_space<vmem_shared>>
      tpu.wait_dma2 semaphore(%run_scoped3A_136 : memref<!tpu.dma_semaphore, #tpu.memory_space<semaphore_mem>>) src(%dma_wait3A_146 : memref<640x32xf32, #tpu.memory_space<vmem_shared>>) dst(%dma_wait3A_144 : memref<640x32xf32, #tpu.memory_space<hbm>>)
      tpu.yield
    }) : () -> ()
    return
  }
}

module attributes {stable_mosaic.version = 14 : i64} {
  func.func @_proj_body(%arg0: memref<10000x128xf32, #tpu.memory_space<vmem>>, %arg1: memref<128x32xf32, #tpu.memory_space<vmem>>, %arg2: memref<128x32xf32, #tpu.memory_space<vmem>>, %arg3: memref<1x32xf32, #tpu.memory_space<vmem>>, %arg4: memref<10000x32xf32, #tpu.memory_space<vmem>>, %arg5: memref<10000x32xf32, #tpu.memory_space<vmem>>) attributes {dimension_semantics = [], scalar_prefetch = 0 : i64, scratch_operands = 0 : i64, tpu.core_type = #tpu.core_type<tc>} {
    %get3A = arith.constant 0 : index
    %get3A_0 = arith.constant 0 : index
    %get3A_1 = vector.load %arg0[%get3A, %get3A_0] : memref<10000x128xf32, #tpu.memory_space<vmem>>, vector<10000x128xf32>
    %get3A_2 = arith.constant 0 : index
    %get3A_3 = arith.constant 0 : index
    %get3A_4 = vector.load %arg1[%get3A_2, %get3A_3] : memref<128x32xf32, #tpu.memory_space<vmem>>, vector<128x32xf32>
    %dot_general3A = arith.constant dense<0.000000e+00> : vector<10000x32xf32>
    %dot_general3A_5 = tpu.matmul %get3A_1, %get3A_4, %dot_general3A {dimension_numbers = #tpu.dot_dimension_numbers<[1], [0], [0], [1], [0, 0, 1, 1], [], []>, transpose_lhs_hint = false} : vector<10000x128xf32>, vector<128x32xf32>, vector<10000x32xf32> -> vector<10000x32xf32>
    %swap3A = arith.constant 0 : index
    %swap3A_6 = arith.constant 0 : index
    %swap3A_7 = vector.load %arg4[%swap3A, %swap3A_6] : memref<10000x32xf32, #tpu.memory_space<vmem>>, vector<10000x32xf32>
    tpu.vector_store %arg4[%swap3A, %swap3A_6], %dot_general3A_5 {strides = array<i32>} : memref<10000x32xf32, #tpu.memory_space<vmem>>, vector<10000x32xf32>,
    %get3A_8 = arith.constant 0 : index
    %get3A_9 = arith.constant 0 : index
    %get3A_10 = vector.load %arg2[%get3A_8, %get3A_9] : memref<128x32xf32, #tpu.memory_space<vmem>>, vector<128x32xf32>
    %dot_general3A_11 = arith.constant dense<0.000000e+00> : vector<10000x32xf32>
    %dot_general3A_12 = tpu.matmul %get3A_1, %get3A_10, %dot_general3A_11 {dimension_numbers = #tpu.dot_dimension_numbers<[1], [0], [0], [1], [0, 0, 1, 1], [], []>, transpose_lhs_hint = false} : vector<10000x128xf32>, vector<128x32xf32>, vector<10000x32xf32> -> vector<10000x32xf32>
    %get3A_13 = arith.constant 0 : index
    %get3A_14 = arith.constant 0 : index
    %get3A_15 = vector.load %arg3[%get3A_13, %get3A_14] : memref<1x32xf32, #tpu.memory_space<vmem>>, vector<1x32xf32>
    %add3A = vector.broadcast %get3A_15 : vector<1x32xf32> to vector<10000x32xf32>
    %add3A_16 = arith.addf %dot_general3A_12, %add3A : vector<10000x32xf32>
    %swap3A_17 = arith.constant 0 : index
    %swap3A_18 = arith.constant 0 : index
    %swap3A_19 = vector.load %arg5[%swap3A_17, %swap3A_18] : memref<10000x32xf32, #tpu.memory_space<vmem>>, vector<10000x32xf32>
    tpu.vector_store %arg5[%swap3A_17, %swap3A_18], %add3A_16 {strides = array<i32>} : memref<10000x32xf32, #tpu.memory_space<vmem>>, vector<10000x32xf32>,
    return
  }
}

module attributes {stable_mosaic.version = 14 : i64} {
  func.func @_comb_body(%arg0: memref<2x2500x128xf32, #tpu.memory_space<vmem>>, %arg1: memref<2x2500x128xf32, #tpu.memory_space<vmem>>, %arg2: memref<2500x128xf32, #tpu.memory_space<vmem>>, %arg3: memref<128x128xf32, #tpu.memory_space<vmem>>, %arg4: memref<128x128xf32, #tpu.memory_space<vmem>>, %arg5: memref<1x128xf32, #tpu.memory_space<vmem>>, %arg6: memref<2500x128xf32, #tpu.memory_space<vmem>>, %arg7: memref<2500x128xf32, #tpu.memory_space<vmem>>) attributes {dimension_semantics = [], scalar_prefetch = 0 : i64, scratch_operands = 0 : i64, tpu.core_type = #tpu.core_type<tc>} {
    %get3A = arith.constant 0 : index
    %get3A_0 = arith.constant 0 : index
    %get3A_1 = arith.constant 0 : index
    %get3A_2 = vector.load %arg1[%get3A, %get3A_0, %get3A_1] : memref<2x2500x128xf32, #tpu.memory_space<vmem>>, vector<1x2500x128xf32>
    %get3A_3 = vector.shape_cast %get3A_2 : vector<1x2500x128xf32> to vector<2500x128xf32>
    %get3A_4 = arith.constant 1 : index
    %get3A_5 = arith.constant 0 : index
    %get3A_6 = arith.constant 0 : index
    %get3A_7 = vector.load %arg1[%get3A_4, %get3A_5, %get3A_6] : memref<2x2500x128xf32, #tpu.memory_space<vmem>>, vector<1x2500x128xf32>
    %get3A_8 = vector.shape_cast %get3A_7 : vector<1x2500x128xf32> to vector<2500x128xf32>
    %add3A = arith.addf %get3A_3, %get3A_8 : vector<2500x128xf32>
    %max3A = arith.constant 1.000000e+00 : f32
    %max3A_9 = vector.broadcast %max3A : f32 to vector<2500x128xf32>
    %max3A_10 = arith.maximumf %add3A, %max3A_9 : vector<2500x128xf32>
    %div3A = arith.constant 1.000000e+00 : f32
    %div3A_11 = vector.broadcast %div3A : f32 to vector<2500x128xf32>
    %div3A_12 = arith.divf %div3A_11, %max3A_10 : vector<2500x128xf32>
    %get3A_13 = arith.constant 0 : index
    %get3A_14 = arith.constant 0 : index
    %get3A_15 = arith.constant 0 : index
    %get3A_16 = vector.load %arg0[%get3A_13, %get3A_14, %get3A_15] : memref<2x2500x128xf32, #tpu.memory_space<vmem>>, vector<1x2500x128xf32>
    %get3A_17 = vector.shape_cast %get3A_16 : vector<1x2500x128xf32> to vector<2500x128xf32>
    %get3A_18 = arith.constant 1 : index
    %get3A_19 = arith.constant 0 : index
    %get3A_20 = arith.constant 0 : index
    %get3A_21 = vector.load %arg0[%get3A_18, %get3A_19, %get3A_20] : memref<2x2500x128xf32, #tpu.memory_space<vmem>>, vector<1x2500x128xf32>
    %get3A_22 = vector.shape_cast %get3A_21 : vector<1x2500x128xf32> to vector<2500x128xf32>
    %add3A_23 = arith.addf %get3A_17, %get3A_22 : vector<2500x128xf32>
    %mul3A = arith.mulf %add3A_23, %div3A_12 : vector<2500x128xf32>
    %get3A_24 = arith.constant 0 : index
    %get3A_25 = arith.constant 0 : index
    %get3A_26 = vector.load %arg2[%get3A_24, %get3A_25] : memref<2500x128xf32, #tpu.memory_space<vmem>>, vector<2500x128xf32>
    %add3A_27 = arith.addf %mul3A, %get3A_26 : vector<2500x128xf32>
    %max3A_28 = arith.constant 0.000000e+00 : f32
    %max3A_29 = vector.broadcast %max3A_28 : f32 to vector<2500x128xf32>
    %max3A_30 = arith.maximumf %add3A_27, %max3A_29 : vector<2500x128xf32>
    %get3A_31 = arith.constant 0 : index
    %get3A_32 = arith.constant 0 : index
    %get3A_33 = vector.load %arg3[%get3A_31, %get3A_32] : memref<128x128xf32, #tpu.memory_space<vmem>>, vector<128x128xf32>
    %dot_general3A = arith.constant dense<0.000000e+00> : vector<2500x128xf32>
    %dot_general3A_34 = tpu.matmul %max3A_30, %get3A_33, %dot_general3A {dimension_numbers = #tpu.dot_dimension_numbers<[1], [0], [0], [1], [0, 0, 1, 1], [], []>, transpose_lhs_hint = false} : vector<2500x128xf32>, vector<128x128xf32>, vector<2500x128xf32> -> vector<2500x128xf32>
    %swap3A = arith.constant 0 : index
    %swap3A_35 = arith.constant 0 : index
    %swap3A_36 = vector.load %arg6[%swap3A, %swap3A_35] : memref<2500x128xf32, #tpu.memory_space<vmem>>, vector<2500x128xf32>
    tpu.vector_store %arg6[%swap3A, %swap3A_35], %dot_general3A_34 {strides = array<i32>} : memref<2500x128xf32, #tpu.memory_space<vmem>>, vector<2500x128xf32>,
    %get3A_37 = arith.constant 0 : index
    %get3A_38 = arith.constant 0 : index
    %get3A_39 = vector.load %arg4[%get3A_37, %get3A_38] : memref<128x128xf32, #tpu.memory_space<vmem>>, vector<128x128xf32>
    %dot_general3A_40 = arith.constant dense<0.000000e+00> : vector<2500x128xf32>
    %dot_general3A_41 = tpu.matmul %max3A_30, %get3A_39, %dot_general3A_40 {dimension_numbers = #tpu.dot_dimension_numbers<[1], [0], [0], [1], [0, 0, 1, 1], [], []>, transpose_lhs_hint = false} : vector<2500x128xf32>, vector<128x128xf32>, vector<2500x128xf32> -> vector<2500x128xf32>
    %get3A_42 = arith.constant 0 : index
    %get3A_43 = arith.constant 0 : index
    %get3A_44 = vector.load %arg5[%get3A_42, %get3A_43] : memref<1x128xf32, #tpu.memory_space<vmem>>, vector<1x128xf32>
    %add3A_45 = vector.broadcast %get3A_44 : vector<1x128xf32> to vector<2500x128xf32>
    %add3A_46 = arith.addf %dot_general3A_41, %add3A_45 : vector<2500x128xf32>
    %swap3A_47 = arith.constant 0 : index
    %swap3A_48 = arith.constant 0 : index
    %swap3A_49 = vector.load %arg7[%swap3A_47, %swap3A_48] : memref<2500x128xf32, #tpu.memory_space<vmem>>, vector<2500x128xf32>
    tpu.vector_store %arg7[%swap3A_47, %swap3A_48], %add3A_46 {strides = array<i32>} : memref<2500x128xf32, #tpu.memory_space<vmem>>, vector<2500x128xf32>,
    return
  }
}

module attributes {stable_mosaic.version = 14 : i64} {
  func.func @_head_body(%arg0: memref<2x2500x128xf32, #tpu.memory_space<vmem>>, %arg1: memref<2x2500x128xf32, #tpu.memory_space<vmem>>, %arg2: memref<2500x128xf32, #tpu.memory_space<vmem>>, %arg3: memref<128x128xf32, #tpu.memory_space<vmem>>, %arg4: memref<1x128xf32, #tpu.memory_space<vmem>>, %arg5: memref<128x128xf32, #tpu.memory_space<vmem>>, %arg6: memref<1x128xf32, #tpu.memory_space<vmem>>, %arg7: memref<2500x128xf32, #tpu.memory_space<vmem>>) attributes {dimension_semantics = [], scalar_prefetch = 0 : i64, scratch_operands = 0 : i64, tpu.core_type = #tpu.core_type<tc>} {
    %get3A = arith.constant 0 : index
    %get3A_0 = arith.constant 0 : index
    %get3A_1 = arith.constant 0 : index
    %get3A_2 = vector.load %arg1[%get3A, %get3A_0, %get3A_1] : memref<2x2500x128xf32, #tpu.memory_space<vmem>>, vector<1x2500x128xf32>
    %get3A_3 = vector.shape_cast %get3A_2 : vector<1x2500x128xf32> to vector<2500x128xf32>
    %get3A_4 = arith.constant 1 : index
    %get3A_5 = arith.constant 0 : index
    %get3A_6 = arith.constant 0 : index
    %get3A_7 = vector.load %arg1[%get3A_4, %get3A_5, %get3A_6] : memref<2x2500x128xf32, #tpu.memory_space<vmem>>, vector<1x2500x128xf32>
    %get3A_8 = vector.shape_cast %get3A_7 : vector<1x2500x128xf32> to vector<2500x128xf32>
    %add3A = arith.addf %get3A_3, %get3A_8 : vector<2500x128xf32>
    %max3A = arith.constant 1.000000e+00 : f32
    %max3A_9 = vector.broadcast %max3A : f32 to vector<2500x128xf32>
    %max3A_10 = arith.maximumf %add3A, %max3A_9 : vector<2500x128xf32>
    %div3A = arith.constant 1.000000e+00 : f32
    %div3A_11 = vector.broadcast %div3A : f32 to vector<2500x128xf32>
    %div3A_12 = arith.divf %div3A_11, %max3A_10 : vector<2500x128xf32>
    %get3A_13 = arith.constant 0 : index
    %get3A_14 = arith.constant 0 : index
    %get3A_15 = arith.constant 0 : index
    %get3A_16 = vector.load %arg0[%get3A_13, %get3A_14, %get3A_15] : memref<2x2500x128xf32, #tpu.memory_space<vmem>>, vector<1x2500x128xf32>
    %get3A_17 = vector.shape_cast %get3A_16 : vector<1x2500x128xf32> to vector<2500x128xf32>
    %get3A_18 = arith.constant 1 : index
    %get3A_19 = arith.constant 0 : index
    %get3A_20 = arith.constant 0 : index
    %get3A_21 = vector.load %arg0[%get3A_18, %get3A_19, %get3A_20] : memref<2x2500x128xf32, #tpu.memory_space<vmem>>, vector<1x2500x128xf32>
    %get3A_22 = vector.shape_cast %get3A_21 : vector<1x2500x128xf32> to vector<2500x128xf32>
    %add3A_23 = arith.addf %get3A_17, %get3A_22 : vector<2500x128xf32>
    %mul3A = arith.mulf %add3A_23, %div3A_12 : vector<2500x128xf32>
    %get3A_24 = arith.constant 0 : index
    %get3A_25 = arith.constant 0 : index
    %get3A_26 = vector.load %arg2[%get3A_24, %get3A_25] : memref<2500x128xf32, #tpu.memory_space<vmem>>, vector<2500x128xf32>
    %add3A_27 = arith.addf %mul3A, %get3A_26 : vector<2500x128xf32>
    %max3A_28 = arith.constant 0.000000e+00 : f32
    %max3A_29 = vector.broadcast %max3A_28 : f32 to vector<2500x128xf32>
    %max3A_30 = arith.maximumf %add3A_27, %max3A_29 : vector<2500x128xf32>
    %get3A_31 = arith.constant 0 : index
    %get3A_32 = arith.constant 0 : index
    %get3A_33 = vector.load %arg3[%get3A_31, %get3A_32] : memref<128x128xf32, #tpu.memory_space<vmem>>, vector<128x128xf32>
    %dot_general3A = arith.constant dense<0.000000e+00> : vector<2500x128xf32>
    %dot_general3A_34 = tpu.matmul %max3A_30, %get3A_33, %dot_general3A {dimension_numbers = #tpu.dot_dimension_numbers<[1], [0], [0], [1], [0, 0, 1, 1], [], []>, transpose_lhs_hint = false} : vector<2500x128xf32>, vector<128x128xf32>, vector<2500x128xf32> -> vector<2500x128xf32>
    %get3A_35 = arith.constant 0 : index
    %get3A_36 = arith.constant 0 : index
    %get3A_37 = vector.load %arg4[%get3A_35, %get3A_36] : memref<1x128xf32, #tpu.memory_space<vmem>>, vector<1x128xf32>
    %add3A_38 = vector.broadcast %get3A_37 : vector<1x128xf32> to vector<2500x128xf32>
    %add3A_39 = arith.addf %dot_general3A_34, %add3A_38 : vector<2500x128xf32>
    %max3A_40 = arith.constant 0.000000e+00 : f32
    %max3A_41 = vector.broadcast %max3A_40 : f32 to vector<2500x128xf32>
    %max3A_42 = arith.maximumf %add3A_39, %max3A_41 : vector<2500x128xf32>
    %get3A_43 = arith.constant 0 : index
    %get3A_44 = arith.constant 0 : index
    %get3A_45 = vector.load %arg5[%get3A_43, %get3A_44] : memref<128x128xf32, #tpu.memory_space<vmem>>, vector<128x128xf32>
    %dot_general3A_46 = arith.constant dense<0.000000e+00> : vector<2500x128xf32>
    %dot_general3A_47 = tpu.matmul %max3A_42, %get3A_45, %dot_general3A_46 {dimension_numbers = #tpu.dot_dimension_numbers<[1], [0], [0], [1], [0, 0, 1, 1], [], []>, transpose_lhs_hint = false} : vector<2500x128xf32>, vector<128x128xf32>, vector<2500x128xf32> -> vector<2500x128xf32>
    %get3A_48 = arith.constant 0 : index
    %get3A_49 = arith.constant 0 : index
    %get3A_50 = vector.load %arg6[%get3A_48, %get3A_49] : memref<1x128xf32, #tpu.memory_space<vmem>>, vector<1x128xf32>
    %add3A_51 = vector.broadcast %get3A_50 : vector<1x128xf32> to vector<2500x128xf32>
    %add3A_52 = arith.addf %dot_general3A_47, %add3A_51 : vector<2500x128xf32>
    %swap3A = arith.constant 0 : index
    %swap3A_53 = arith.constant 0 : index
    %swap3A_54 = vector.load %arg7[%swap3A, %swap3A_53] : memref<2500x128xf32, #tpu.memory_space<vmem>>, vector<2500x128xf32>
    tpu.vector_store %arg7[%swap3A, %swap3A_53], %add3A_52 {strides = array<i32>} : memref<2500x128xf32, #tpu.memory_space<vmem>>, vector<2500x128xf32>,
    return
  }
}

</mosaic_0001>

<sc_bundles>
// kernel: kernel.12.cloned.1.call-start
scs
__scs_entry_jumppad:
0x0: {  	(pc) =	sbr.rel $0x88, $3  }
0x1: {  	(tag) =	ssettag $0x0;
	lr =	simm.s32 $0x1  }
0x2: {  	[smem:$0x3F92] =	sst lr;
	_ =	strace $0xD0000000  }
0x3: {  	_ = 	snop  }
0x4: {  	_ = 	snop  }
0x5: {  	_ = 	snop  }
0x6: {  	_ = 	snop  }
0x7: {  	_ = 	snop  }
__scs_overlays_trampoline_lowered:
0x8: {  	[smem:$0x3FA1] =	sst s0  }
0x9: {  	[smem:$0x3FA2] =	sst s1  }
0xa: {  	[smem:$0x3FA3] =	sst s2  }
0xb: {  	[smem:$0x3FA4] =	sst s3  }
0xc: {  	[smem:$0x3FA5] =	sst s4  }
0xd: {  	[smem:$0x3FA6] =	sst s5  }
0xe: {  	[smem:$0x3FA7] =	sst s6  }
0xf: {  	[smem:$0x3FA8] =	sst s7  }
0x10: {  	[smem:$0x3FA9] =	sst s8  }
0x11: {  	[smem:$0x3FAA] =	sst s9;
	s0 =	simm.s32 @!p0 $0x0  }
0x12: {  	s1 =	sld [smem:$0x3F90];
	s0 =	simm.s32 @p0 $0x1  }
0x13: {  	[smem:$0x3FAB] =	sst s0;
	s0 =	simm.s32 @!p1 $0x0  }
0x14: {  	s2 =	sld [smem:$0x3F8F];
	s0 =	simm.s32 @p1 $0x1  }
0x15: {  	[smem:$0x3FAC] =	sst s0;
	s0 =	simm.s32 @!p2 $0x0  }
0x16: {  	s3 =	sld [smem:$0x3FDB];
	s0 =	simm.s32 @p2 $0x1  }
0x17: {  	s4 =	simm.s32 $0x1BF5;
	[smem:$0x3FAE] =	sst s0  }
0x18: {  	s0 =	sld [smem:$0x3F91];
	_ =	swait.ge [sflag:s4], $0x0  }
0x19: {  	s7 =	sld [smem:$0x3F92]  }
0x1a: {  	s8 =	sadd.s32 $0xFFFFE003, lr  }
0x1b: {  	s9 =	sadd.s32 $0xFFFFFEF7, lr;
	s5 =	simm.s32 $0xFFFFFFFF;
	p2 =	slt.u32 s8, $0xFFFFF086  }
0x1c: {  	p1 =	slt.u32 s9, $0xF7A;
	s5 =	simm.s32 @!p2 $0x0  }
0x1d: {  	s5 =	simm.s32 @p1 $0x1;
	p0 =	seq.s32 s7, s2  }
0x1e: {  	s7 =	smul.u32 @!p0 $0xF7A, s2;
	p2 =	seq.s32 @!p0 s5, $0x0  }
0x1f: {  	s9 =	smul.u32 $0xF7A, s1;
	s8 =	simm.s32 @!p0 $0x1BF5;
	p2 =	por !p2, p0  }
0x20: {  	[sflag:s8] =	ssyncset.s32 @!p0 $0xFFFFF086;
	s6 =	sadd.s32 @!p0 s3, s7;
	s7 =	simm.s32 @!p0 $0x108  }
0x21: {  	s3 =	sadd.s32 s3, s9;
	s6 =	sadd.s32 @!p0 $0x88, s6;
	s7 =	simm.s32 @p2 $0x1082  }
0x22: {  	[simem:s7], [sflag:s8] =	dma.local @!p0 [hbm:s6], $0xF7A  }
0x23: {  	s9 =	sor.u32 $0xD0000000, s2;
	s6 =	simm.s32 $0x108;
	_ =	swait.ge @!p0 [sflag:s8], $0x0  }
0x24: {  	s3 =	sadd.s32 $0x88, s3;
	s6 =	simm.s32 @!p1 $0x1082;
	[sflag:s4] =	ssyncset.s32 $0xFFFFF086  }
0x25: {  	[simem:s6], [sflag:s4] =	dma.local [hbm:s3], $0xF7A  }
0x26: {  	[smem:$0x3F92] =	sst s1;
	(tag) =	ssettag s2;
	_ =	strace s9  }
0x27: {  	s1 =	sld [smem:$0x3FA2]  }
0x28: {  	s2 =	sld [smem:$0x3FA3]  }
0x29: {  	s4 =	sld [smem:$0x3FA5]  }
0x2a: {  	p0 =	seq.s32 s5, $0x0;
	s5 =	sld [smem:$0x3FA6]  }
0x2b: {  	s6 =	sld [smem:$0x3FA7]  }
0x2c: {  	s7 =	sld [smem:$0x3FA8]  }
0x2d: {  	s3 =	simm.s32 $0x108;
	s8 =	sld [smem:$0x3FA9]  }
0x2e: {  	s3 =	simm.s32 @!p0 $0x1082;
	s9 =	sld [smem:$0x3FAA]  }
0x2f: {  	lr =	sadd.s32 s0, s3;
	s0 =	sld [smem:$0x3FA1]  }
0x30: {  	s3 =	sld [smem:$0x3FA4]  }
0x31: {  	[smem:$0x3FAD] =	sst s10  }
0x32: {  	s10 =	sld [smem:$0x3FAB];
	_ =	sdelay $0x3  }
0x33: {  	p0 =	seq.s32 s10, $0x1;
	s10 =	sld [smem:$0x3FAD];
	_ =	sdelay $0x3  }
0x34: {  	[smem:$0x3FAD] =	sst s10  }
0x35: {  	s10 =	sld [smem:$0x3FAC];
	_ =	sdelay $0x3  }
0x36: {  	p1 =	seq.s32 s10, $0x1;
	s10 =	sld [smem:$0x3FAD];
	_ =	sdelay $0x3  }
0x37: {  	[smem:$0x3FAD] =	sst s10  }
0x38: {  	s10 =	sld [smem:$0x3FAE]  }
0x39: {  	_ = 	snop;
	(pc) =	sbr.ind lr, $3  }
0x3a: {  	_ = 	snop  }
0x3b: {  	_ = 	snop  }
0x3c: {  	p2 =	seq.s32 s10, $0x1;
	s10 =	sld [smem:$0x3FAD]  }
0x3d: {  	_ =	shalt  }
0x3e: {  	_ =	shalt  }
0x3f: {  	_ =	shalt  }
0x40: {  	_ =	shalt  }
0x41: {  	_ =	shalt  }
0x42: {  	_ =	shalt  }
0x43: {  	_ =	shalt  }
0x44: {  	_ =	shalt  }
0x45: {  	_ =	shalt  }
0x46: {  	_ =	shalt  }
0x47: {  	_ =	shalt  }
0x48: {  	_ =	shalt  }
0x49: {  	_ =	shalt  }
0x4a: {  	_ =	shalt  }
0x4b: {  	_ =	shalt  }
0x4c: {  	_ =	shalt  }
0x4d: {  	_ =	shalt  }
0x4e: {  	_ =	shalt  }
0x4f: {  	_ =	shalt  }
0x50: {  	_ =	shalt  }
0x51: {  	_ =	shalt  }
0x52: {  	_ =	shalt  }
0x53: {  	_ =	shalt  }
0x54: {  	_ =	shalt  }
0x55: {  	_ =	shalt  }
0x56: {  	_ =	shalt  }
0x57: {  	_ =	shalt  }
0x58: {  	_ =	shalt  }
0x59: {  	_ =	shalt  }
0x5a: {  	_ =	shalt  }
0x5b: {  	_ =	shalt  }
0x5c: {  	_ =	shalt  }
0x5d: {  	_ =	shalt  }
0x5e: {  	_ =	shalt  }
0x5f: {  	_ =	shalt  }
0x60: {  	_ =	shalt  }
0x61: {  	_ =	shalt  }
0x62: {  	_ =	shalt  }
0x63: {  	_ =	shalt  }
0x64: {  	_ =	shalt  }
0x65: {  	_ =	shalt  }
0x66: {  	_ =	shalt  }
0x67: {  	_ =	shalt  }
0x68: {  	_ =	shalt  }
0x69: {  	_ =	shalt  }
0x6a: {  	_ =	shalt  }
0x6b: {  	_ =	shalt  }
0x6c: {  	_ =	shalt  }
0x6d: {  	_ =	shalt  }
0x6e: {  	_ =	shalt  }
0x6f: {  	_ =	shalt  }
0x70: {  	_ =	shalt  }
0x71: {  	_ =	shalt  }
0x72: {  	_ =	shalt  }
0x73: {  	_ =	shalt  }
0x74: {  	_ =	shalt  }
0x75: {  	_ =	shalt  }
0x76: {  	_ =	shalt  }
0x77: {  	_ =	shalt  }
0x78: {  	_ =	shalt  }
0x79: {  	_ =	shalt  }
0x7a: {  	_ =	shalt  }
0x7b: {  	_ =	shalt  }
0x7c: {  	_ =	shalt  }
0x7d: {  	_ =	shalt  }
0x7e: {  	_ =	shalt  }
0x7f: {  	_ =	shalt  }
0x80: {  	_ =	shalt  }
0x81: {  	_ =	shalt  }
0x82: {  	_ =	shalt  }
0x83: {  	_ =	shalt  }
0x84: {  	_ =	shalt  }
0x85: {  	_ =	shalt  }
0x86: {  	_ =	shalt  }
0x87: {  	_ =	shalt  }
.Lfunc_end0:
.L_simem_size_0:
called_computation.1_lowered:
.L_overlay_start_0:
0x88: {  	s2 =	sld [smem:$0x3FD9]  }
0x89: {  	s3 =	sld [smem:$0x3FFE];
	_ =	sdelay $0x1  }
0x8a: {  	s1 =	srdreg.scid  }
0x8b: {  	s0 =	sand.u32 $0x1, s1  }
0x8c: {  	s17 =	sshll.u32 s0, $0xA;
	s2 =	sadd.s32 s3, s2  }
0x8d: {  	s2 =	sadd.s32 s2, s17  }
0x8e: {  	[smem:$0x3FB9] =	sst s2  }
0x8f: {  	_ = 	snop  }
0x90: {  	s2 =	sld [smem:$0x3FD0];
	(tm) =	ssettm $0x1  }
0x91: {  	s18 =	sld [smem:$0x3FFB];
	_ =	sdelay $0x3  }
0x92: {  	_ =	strace s18  }
0x93: {  	s3 =	sld [smem:$0x3FFC];
	_ =	sdelay $0x3  }
0x94: {  	_ =	strace s3  }
0x95: {  	s3 =	sld [smem:$0x3FFD];
	_ =	sdelay $0x3  }
0x96: {  	_ =	strace s3  }
0x97: {  	_ =	strace $0x8FFFFFFF  }
0x98: {  	s19 =	sld [smem:$0x3FDB];
	_ =	sdelay $0x1  }
0x99: {  	s4 =	simm.s32 $_scs_section_size  }
0x9a: {  	s5 =	simm.s32 $_size__tile_overlayer_lowered;
	s6 =	simm.s32 $_tile_overlayer_lowered  }
0x9b: {  	s22 =	simm.s32 $0x1BFF;
	s21 =	sshll.u32 s6, $0x1;
	s3 =	sadd.s32 s4, s19  }
0x9c: {  	s7 =	simm.s32 $0x0;
	s20 =	sshll.u32 s5, $0x1;
	s5 =	sadd.s32 s21, s3  }
0x9d: {  	[timem:s7], [sflag:s22] =	dma.local [hbm:s5], s20  }
0x9e: {  	_ =	swait.ge [sflag:s22], s20  }
0x9f: {  	s4 =	ssub.s32 $0x0, s20;
	[sflag:s22] =	ssyncset.done $0x0  }
0xa0: {  	[sflag:s22] =	ssyncadd.s32 s4;
	_ =	sdelay $0x1  }
0xa1: {  	s23 =	simm.s32 $0x1B8B  }
0xa2: {  	_ =	swait.ge [sflag:s23], $0x1  }
0xa3: {  	[sflag:s23] =	ssyncset.done $0x0  }
0xa4: {  	s25 =	simm.s32 $0x1B8E;
	s24 =	sld [smem:$0x3FFE];
	[sflag:s23] =	ssyncadd.s32 $0xFFFFFFFF  }
0xa5: {  	s26 =	simm.s32 $execute0_lowered;
	[smem:$0x3FD2] =	sst s25  }
0xa6: {  	s5 =	sshll.u32 s26, $0x1;
	_ =	strace $0x80000049;
	[dreg:$0x1] =	wrdreg $0xFFFFFFFF  }
0xa7: {  	s28 =	simm.s32 $_size_execute0_lowered;
	s3 =	sadd.s32 s3, s5;
	[dreg:$0x0] =	wrdreg $0x0  }
0xa8: {  	s5 =	sshll.u32 s28, $0x1;
	[dreg:$0x2] =	wrdreg s3  }
0xa9: {  	[dreg:$0x3] =	wrdreg s5  }
0xaa: {  	[dreg:$0x4] =	wrdreg $0xC0  }
0xab: {  	_ =	task [dreg:s7], $0x5FFFF  }
0xac: {  	[dreg:$0x1] =	wrdreg $0xFFFFFFFF  }
0xad: {  	[dreg:$0x0] =	wrdreg $0x60  }
0xae: {  	[dreg:$0x2] =	wrdreg s24  }
0xaf: {  	[dreg:$0x3] =	wrdreg s2  }
0xb0: {  	[dreg:$0x4] =	wrdreg $0xEE200  }
0xb1: {  	[dreg:$0x5] =	wrdreg $0xA0000  }
0xb2: {  	[dreg:$0x6] =	wrdreg $0x9  }
0xb3: {  	_ =	task.clear_ibuf [dreg:s7], $0x7FFFF;
	_ =	strace $0x90000049  }
0xb4: {  	s29 =	simm.s32 $0x9;
	_ =	strace $0x8000004B  }
0xb5: {  	_ =	swait.ge [sflag:s29], $0x1  }
0xb6: {  	[sflag:s29] =	ssyncadd.s32 $0xFFFFFFFF  }
0xb7: {  	_ =	strace $0x9000004B  }
0xb8: {  	_ =	sfence  }
0xb9: {  	s30 =	sld [smem:$0x0];
	_ =	sdelay $0x2  }
0xba: {  	s31 =	sshll.u32 s1, $0xD;
	s1 =	sshrl.u32 s1, $0x2  }
0xbb: {  	s3 =	sand.u32 $0x4000, s31;
	s1 =	sadd.s32 s1, s30  }
0xbc: {  	s0 =	sor.u32 s3, s0;
	s1 =	sshll.u32 s1, $0x11  }
0xbd: {  	s0 =	sor.u32 s1, s0  }
0xbe: {  	s0 =	sadd.s32 $0x8F2B, s0  }
0xbf: {  	[sflag:s0] =	ssyncadd.remote.s32 $0x1  }
0xc0: {  	_ =	sfence.sel $0xFFFF  }
0xc1: {  	[dreg:$0x0] =	wrdreg $0xFFFFFFFF;
	(pc) =	sbr.abs _section_cstart, $3  }
0xc2: {  	[dreg:$0x1] =	wrdreg $0xFFFFFFFF  }
0xc3: {  	_ =	task.clear_ibuf [dreg:s7], $0x2FFFF;
	_ =	strace $0x9FFFFFFF  }
0xc4: {  	(tm) =	ssettm $0x7FFFFFFF  }
0xc5: {  	_ =	shalt  }
tec
execute0_lowered:
.L_overlay_start_1:
0x0: {  	(tag) =	ssettag $0x1  }
0x1: {  	s0 =	rddreg [dreg:$0x0]  }
0x2: {  	s3 =	rddreg [dreg:$0x2]  }
0x3: {  	s4 =	rddreg [dreg:$0x3];
	s11 =	stileid.u32  }
0x4: {  	s2 =	srdreg.scid;
	s5 =	simm.s32 $0x0;
	s13 =	simm.s32 $0xB  }
0x5: {  	s15 =	simm.s32 $0x2800;
	s16 =	simm.s32 $0x80;
	s17 =	simm.s32 $0x5000  }
0x6: {  	s18 =	simm.s32 $0x6000;
	s20 =	simm.s32 $0x7000;
	s29 =	simm.s32 $0x6  }
0x7: {  	s31 =	simm.s32 $0x3;
	s19 =	simm.s32 $0x4;
	s30 =	simm.s32 $0x5  }
0x8: {  	s28 =	simm.s32 $0xA;
	s1 =	smul.u32 $0x4E20, s11;
	s2 =	sand.u32 $0x1, s2  }
0x9: {  	s6 =	sshll.u32 s11, $0x1;
	s7 =	smul.u32 $0x5000, s11;
	[smem:$0x7FF] =	sst s5  }
0xa: {  	s22 =	sshll.u32 s11, $0x6;
	s6 =	sor.u32 s2, s6;
	s8 =	smul.u32 $0x50000, s2  }
0xb: {  	_ =	strace $0x8000004A;
	s2 =	ssub.s32 $0x2, s2;
	s9 =	sshrl.u32 s1, $0x3  }
0xc: {  	s6 =	smul.u32 $0x2800, s6;
	s21 =	sshrl.u32 s2, $0x1;
	s1 =	sadd.s32 s1, s4  }
0xd: {  	s9 =	sadd.s32 s9, s0;
	s8 =	sadd.s32 s7, s8;
	s2 =	ssub.s32 s2, s21  }
0xe: {  	s7 =	sadd.s32 s7, s3;
	s14 =	sshrl.u32 s1, $0x3;
	s1 =	simm.s32 $0x7  }
0xf: {  	s6 =	sshrl.u32 s6, $0x3;
	s8 =	sshrl.u32 s8, $0x3;
	s23 =	sadd.s32 $0x17E00, s9  }
0x10: {  	s26 =	smax.u32 s2, $0x1;
	s12 =	sshrl.u32 s7, $0x3;
	s2 =	simm.s32 $0x9  }
0x11: {  	s10 =	sadd.s32 s6, s0;
	s0 =	sadd.s32 s8, s0;
	[dreg:$0x5] =	wrdreg s23  }
.Ltmp0:
0x12: {  	[dreg:$0x9] =	wrdreg s26;
	s24 =	sadd.s32 $0x3E00, s10;
	(pc) =	sbr.rel .LBB2_1-.Ltmp0, $4  }
0x13: {  	s6 =	sor.u32 $0x1C0B, s22;
	s25 =	sadd.s32 $0xDE00, s10;
	[dreg:$0x6] =	wrdreg s24  }
0x14: {  	s22 =	simm.s32 $0x8000;
	s0 =	sadd.s32 $0x21C00, s0;
	[dreg:$0x7] =	wrdreg s25  }
0x15: {  	s26 =	simm.s32 $0x2;
	s23 =	simm.s32 $0x8;
	[dreg:$0x8] =	wrdreg s0  }
0x16: {  	s24 =	simm.s32 $0x9000;
	s25 =	simm.s32 $0x1;
	s0 =	simm.s32 $0x0  }
.LBB2_4:
0x17: {  	_ =	swait.ge [sflag:s30], $0x1000  }
0x18: {  	[sflag:s30] =	ssyncset.done $0x0  }
0x19: {  	[sflag:s30] =	ssyncadd.s32 $0xFFFFF000  }
0x1a: {  	[spmem:s3] =	stream.indirect.scatter.add.f32 [tilespmem:s24], [sflag:$0xA], $0x20, s8, s16, $0xb8;
	[tilespmem:$0x13E20] =	vst v63  }
0x1b: {  	_ =	swait.ge [sflag:s29], $0x1000  }
0x1c: {  	[sflag:s29] =	ssyncset.done $0x0  }
0x1d: {  	[sflag:s29] =	ssyncadd.s32 $0xFFFFF000  }
0x1e: {  	_ =	swait.ge [sflag:s1], $0x1000  }
0x1f: {  	[sflag:s1] =	ssyncset.done $0x0  }
0x20: {  	[sflag:s1] =	ssyncadd.s32 $0xFFFFF000  }
0x21: {  	_ =	swait.ge [sflag:s23], $0x1000  }
0x22: {  	[sflag:s23] =	ssyncset.done $0x0  }
0x23: {  	[sflag:s23] =	ssyncadd.s32 $0xFFFFF000  }
0x24: {  	_ =	swait.ge [sflag:s2], $0x1000  }
0x25: {  	[sflag:s2] =	ssyncset.done $0x0  }
0x26: {  	[sflag:s2] =	ssyncadd.s32 $0xFFFFF000  }
0x27: {  	_ =	swait.ge [sflag:s28], $0x1000  }
0x28: {  	[sflag:s28] =	ssyncset.done $0x0  }
0x29: {  	[sflag:s28] =	ssyncadd.s32 $0xFFFFF000  }
0x2a: {  	[bflag:$0x0] =	sbarrier.arrive $0xFFFF  }
0x2b: {  	s7 =	rddreg [dreg:$0x8]  }
0x2c: {  	[hbm:s7], [sflag:s6] =	dma.local [spmem:s12], $0xA00  }
0x2d: {  	_ =	swait.ge [sflag:s13], $0xA00  }
0x2e: {  	s0 =	sadd.s32 $0x1, s0;
	s21 =	rddreg [dreg:$0x9]  }
0x2f: {  	p0 =	sne.s32 s0, s21  }
.Ltmp1:
0x30: {  	_ = 	snop;
	(pc) =	sbr.rel @!p0 .LBB2_5-.Ltmp1, $3  }
0x31: {  	_ =	sdelay $0x1  }
0x32: {  	[sflag:s13] =	ssyncset.done $0x0  }
0x33: {  	[sflag:s13] =	ssyncadd.s32 $0xFFFFF600  }
.LBB2_1:
0x34: {  	s7 =	rddreg [dreg:$0x1]  }
0x35: {  	[spmem:s12], [sflag:s6] =	dma.local [hbm:s7], $0xA00  }
0x36: {  	_ =	swait.ge [sflag:s13], $0xA00  }
0x37: {  	[sflag:s13] =	ssyncset.done $0x0  }
0x38: {  	s9 =	rddreg [dreg:$0x5];
	[sflag:s13] =	ssyncadd.s32 $0xFFFFF600  }
0x39: {  	[spmem:s14], [sflag:s6] =	dma.local [hbm:s9], $0x9C4  }
0x3a: {  	_ =	swait.ge [sflag:s13], $0x9C4  }
0x3b: {  	[sflag:s13] =	ssyncset.done $0x0  }
0x3c: {  	s10 =	rddreg [dreg:$0x6];
	[sflag:s13] =	ssyncadd.s32 $0xFFFFF63C  }
0x3d: {  	[tilespmem:s5], [sflag:$0xB] =	stream.linear.gather [hbm4b:s10+s5], $0x2800, $0x38;
	[tilespmem:$0x13E20] =	vst v63  }
0x3e: {  	_ =	swait.ge [sflag:s13], $0x2800  }
0x3f: {  	[sflag:s13] =	ssyncset.done $0x0  }
0x40: {  	s11 =	rddreg [dreg:$0x7];
	[sflag:s13] =	ssyncadd.s32 $0xFFFFD800  }
0x41: {  	[tilespmem:s15], [sflag:$0xB] =	stream.linear.gather [hbm4b:s11+s5], $0x2800, $0x38;
	[tilespmem:$0x13E20] =	vst v63  }
0x42: {  	_ =	swait.ge [sflag:s13], $0x2800  }
0x43: {  	[sflag:s13] =	ssyncset.done $0x0  }
0x44: {  	[sflag:s13] =	ssyncadd.s32 $0xFFFFD800  }
0x45: {  	[bflag:$0x0] =	sbarrier.arrive $0xFFFF  }
0x46: {  	[tilespmem:s17], [sflag:$0x1] =	stream.indirect.gather [spmem:s4], $0x20, s5, s16, $0xb8;
	[tilespmem:$0x13E20] =	vst v63  }
0x47: {  	_ = 	snop  }
0x48: {  	[tilespmem:s18], [sflag:$0x2] =	stream.indirect.gather [spmem:s4], $0x20, s16, s16, $0xb8;
	[tilespmem:$0x13E20] =	vst v63  }
0x49: {  	s21 =	simm.s32 $0x100  }
0x4a: {  	[tilespmem:s20], [sflag:$0x3] =	stream.indirect.gather [spmem:s4], $0x20, s21, s16, $0xb8;
	[tilespmem:$0x13E20] =	vst v63  }
0x4b: {  	s8 =	simm.s32 $0x180  }
0x4c: {  	[tilespmem:s22], [sflag:$0x4] =	stream.indirect.gather [spmem:s4], $0x20, s8, s16, $0xb8;
	[tilespmem:$0x13E20] =	vst v63  }
0x4d: {  	s9 =	simm.s32 $0x200  }
0x4e: {  	[tilespmem:s24], [sflag:$0x5] =	stream.indirect.gather [spmem:s4], $0x20, s9, s16, $0xb8;
	[tilespmem:$0x13E20] =	vst v63  }
0x4f: {  	_ =	swait.ge [sflag:s25], $0x1000  }
0x50: {  	[sflag:s25] =	ssyncset.done $0x0  }
0x51: {  	[sflag:s25] =	ssyncadd.s32 $0xFFFFF000  }
0x52: {  	[spmem:s3] =	stream.indirect.scatter.add.f32 [tilespmem:s17], [sflag:$0x6], $0x20, s15, s16, $0xb8;
	[tilespmem:$0x13E20] =	vst v63  }
0x53: {  	_ =	swait.ge [sflag:s26], $0x1000  }
0x54: {  	[sflag:s26] =	ssyncset.done $0x0  }
0x55: {  	s10 =	simm.s32 $0x2880;
	[sflag:s26] =	ssyncadd.s32 $0xFFFFF000  }
0x56: {  	[spmem:s3] =	stream.indirect.scatter.add.f32 [tilespmem:s18], [sflag:$0x7], $0x20, s10, s16, $0xb8;
	[tilespmem:$0x13E20] =	vst v63  }
0x57: {  	_ =	swait.ge [sflag:s29], $0x1000  }
0x58: {  	[sflag:s29] =	ssyncset.done $0x0  }
0x59: {  	s11 =	simm.s32 $0x280;
	[sflag:s29] =	ssyncadd.s32 $0xFFFFF000  }
0x5a: {  	[tilespmem:s17], [sflag:$0x1] =	stream.indirect.gather [spmem:s4], $0x20, s11, s16, $0xb8;
	[tilespmem:$0x13E20] =	vst v63  }
0x5b: {  	_ =	swait.ge [sflag:s31], $0x1000  }
0x5c: {  	[sflag:s31] =	ssyncset.done $0x0  }
0x5d: {  	s21 =	simm.s32 $0x2900;
	[sflag:s31] =	ssyncadd.s32 $0xFFFFF000  }
0x5e: {  	[spmem:s3] =	stream.indirect.scatter.add.f32 [tilespmem:s20], [sflag:$0x8], $0x20, s21, s16, $0xb8;
	[tilespmem:$0x13E20] =	vst v63  }
0x5f: {  	_ =	swait.ge [sflag:s1], $0x1000  }
0x60: {  	[sflag:s1] =	ssyncset.done $0x0  }
0x61: {  	s8 =	simm.s32 $0x300;
	[sflag:s1] =	ssyncadd.s32 $0xFFFFF000  }
0x62: {  	[tilespmem:s18], [sflag:$0x2] =	stream.indirect.gather [spmem:s4], $0x20, s8, s16, $0xb8;
	[tilespmem:$0x13E20] =	vst v63  }
0x63: {  	_ =	swait.ge [sflag:s19], $0x1000  }
0x64: {  	[sflag:s19] =	ssyncset.done $0x0  }
0x65: {  	s9 =	simm.s32 $0x2980;
	[sflag:s19] =	ssyncadd.s32 $0xFFFFF000  }
0x66: {  	[spmem:s3] =	stream.indirect.scatter.add.f32 [tilespmem:s22], [sflag:$0x9], $0x20, s9, s16, $0xb8;
	[tilespmem:$0x13E20] =	vst v63  }
0x67: {  	_ =	swait.ge [sflag:s23], $0x1000  }
0x68: {  	[sflag:s23] =	ssyncset.done $0x0  }
0x69: {  	s10 =	simm.s32 $0x380;
	[sflag:s23] =	ssyncadd.s32 $0xFFFFF000  }
0x6a: {  	[tilespmem:s20], [sflag:$0x3] =	stream.indirect.gather [spmem:s4], $0x20, s10, s16, $0xb8;
	[tilespmem:$0x13E20] =	vst v63  }
0x6b: {  	_ =	swait.ge [sflag:s30], $0x1000  }
0x6c: {  	[sflag:s30] =	ssyncset.done $0x0  }
0x6d: {  	s11 =	simm.s32 $0x2A00;
	[sflag:s30] =	ssyncadd.s32 $0xFFFFF000  }
0x6e: {  	[spmem:s3] =	stream.indirect.scatter.add.f32 [tilespmem:s24], [sflag:$0xA], $0x20, s11, s16, $0xb8;
	[tilespmem:$0x13E20] =	vst v63  }
0x6f: {  	_ =	swait.ge [sflag:s2], $0x1000  }
0x70: {  	[sflag:s2] =	ssyncset.done $0x0  }
0x71: {  	s21 =	simm.s32 $0x400;
	[sflag:s2] =	ssyncadd.s32 $0xFFFFF000  }
0x72: {  	[tilespmem:s22], [sflag:$0x4] =	stream.indirect.gather [spmem:s4], $0x20, s21, s16, $0xb8;
	[tilespmem:$0x13E20] =	vst v63  }
0x73: {  	s21 =	simm.s32 $0x0  }
.LBB2_2:
0x74: {  	_ =	swait.ge [sflag:s25], $0x1000  }
0x75: {  	s7 =	sshra.s32 s21, $0x2;
	[sflag:s25] =	ssyncset.done $0x0  }
0x76: {  	s8 =	sadd.s32 $0x2A80, s7;
	[sflag:s25] =	ssyncadd.s32 $0xFFFFF000  }
0x77: {  	[spmem:s3] =	stream.indirect.scatter.add.f32 [tilespmem:s17], [sflag:$0x6], $0x20, s8, s16, $0xb8;
	[tilespmem:$0x13E20] =	vst v63  }
0x78: {  	_ =	swait.ge [sflag:s28], $0x1000  }
0x79: {  	[sflag:s28] =	ssyncset.done $0x0  }
0x7a: {  	s9 =	sadd.s32 $0x480, s7;
	[sflag:s28] =	ssyncadd.s32 $0xFFFFF000  }
0x7b: {  	[tilespmem:s24], [sflag:$0x5] =	stream.indirect.gather [spmem:s4], $0x20, s9, s16, $0xb8;
	[tilespmem:$0x13E20] =	vst v63  }
0x7c: {  	_ =	swait.ge [sflag:s26], $0x1000  }
0x7d: {  	p0 =	seq.s32 s21, $0x8C00;
	[sflag:s26] =	ssyncset.done $0x0  }
0x7e: {  	s10 =	sadd.s32 $0x2B00, s7;
	s8 =	simm.s32 @p0 $0x3;
	[sflag:s26] =	ssyncadd.s32 $0xFFFFF000  }
0x7f: {  	[spmem:s3] =	stream.indirect.scatter.add.f32 [tilespmem:s18], [sflag:$0x7], $0x20, s10, s16, $0xb8;
	[tilespmem:$0x13E20] =	vst v63  }
0x80: {  	_ =	swait.ge @p0 [sflag:s8], $0x1000  }
0x81: {  	[sflag:s8] =	ssyncset.done @p0 $0x0  }
0x82: {  	[sflag:s8] =	ssyncadd.s32 @p0 $0xFFFFF000;
	s8 =	sshra.s32 @p0 s21, $0x2  }
0x83: {  	s9 =	simm.s32 @p0 $0x80;
	s10 =	simm.s32 @p0 $0x7000;
	s8 =	sadd.s32 @p0 $0x2B80, s8  }
0x84: {  	[spmem:s3] =	stream.indirect.scatter.add.f32 @p0 [tilespmem:s10], [sflag:$0x8], $0x20, s8, s9, $0xb8;
	[tilespmem:$0x13E20] =	vst v63  }
0x85: {  	s8 =	simm.s32 @!p0 $0x6  }
0x86: {  	_ =	swait.ge @!p0 [sflag:s8], $0x1000  }
0x87: {  	[sflag:s8] =	ssyncset.done @!p0 $0x0  }
0x88: {  	[sflag:s8] =	ssyncadd.s32 @!p0 $0xFFFFF000;
	s8 =	sshra.s32 @!p0 s21, $0x2  }
0x89: {  	s11 =	simm.s32 @!p0 $0x5000;
	s10 =	simm.s32 @!p0 $0x80;
	s9 =	sadd.s32 @!p0 $0x500, s8  }
0x8a: {  	[tilespmem:s11], [sflag:$0x1] =	stream.indirect.gather @!p0 [spmem:s4], $0x20, s9, s10, $0xb8;
	[tilespmem:$0x13E20] =	vst v63  }
0x8b: {  	s9 =	simm.s32 @!p0 $0x3  }
0x8c: {  	_ =	swait.ge @!p0 [sflag:s9], $0x1000  }
0x8d: {  	[sflag:s9] =	ssyncset.done @!p0 $0x0  }
0x8e: {  	s11 =	simm.s32 @!p0 $0x7000;
	[sflag:s9] =	ssyncadd.s32 @!p0 $0xFFFFF000;
	s9 =	sadd.s32 @!p0 $0x2B80, s8  }
0x8f: {  	[spmem:s3] =	stream.indirect.scatter.add.f32 @!p0 [tilespmem:s11], [sflag:$0x8], $0x20, s9, s10, $0xb8;
	[tilespmem:$0x13E20] =	vst v63  }
0x90: {  	s9 =	simm.s32 @!p0 $0x7  }
0x91: {  	_ =	swait.ge @!p0 [sflag:s9], $0x1000  }
0x92: {  	[sflag:s9] =	ssyncset.done @!p0 $0x0  }
0x93: {  	s8 =	sadd.s32 @!p0 $0x580, s8;
	[sflag:s9] =	ssyncadd.s32 @!p0 $0xFFFFF000;
	s9 =	simm.s32 @!p0 $0x6000  }
0x94: {  	[tilespmem:s9], [sflag:$0x2] =	stream.indirect.gather @!p0 [spmem:s4], $0x20, s8, s10, $0xb8;
	[tilespmem:$0x13E20] =	vst v63  }
.Ltmp2:
0x95: {  	_ = 	snop;
	(pc) =	sbr.rel @p0 .LBB2_4-.Ltmp2, $4  }
0x96: {  	_ =	swait.ge [sflag:s19], $0x1000  }
0x97: {  	[sflag:s19] =	ssyncset.done $0x0  }
0x98: {  	s11 =	sadd.s32 $0x2C00, s7;
	s8 =	sadd.s32 $0x2C80, s7;
	[sflag:s19] =	ssyncadd.s32 $0xFFFFF000  }
0x99: {  	[spmem:s3] =	stream.indirect.scatter.add.f32 [tilespmem:s22], [sflag:$0x9], $0x20, s11, s16, $0xb8;
	[tilespmem:$0x13E20] =	vst v63  }
0x9a: {  	_ =	swait.ge [sflag:s23], $0x1000  }
0x9b: {  	[sflag:s23] =	ssyncset.done $0x0  }
0x9c: {  	s9 =	sadd.s32 $0x600, s7;
	[sflag:s23] =	ssyncadd.s32 $0xFFFFF000  }
0x9d: {  	[tilespmem:s20], [sflag:$0x3] =	stream.indirect.gather [spmem:s4], $0x20, s9, s16, $0xb8;
	[tilespmem:$0x13E20] =	vst v63  }
0x9e: {  	_ =	swait.ge [sflag:s30], $0x1000  }
0x9f: {  	[sflag:s30] =	ssyncset.done $0x0  }
0xa0: {  	[sflag:s30] =	ssyncadd.s32 $0xFFFFF000  }
0xa1: {  	[spmem:s3] =	stream.indirect.scatter.add.f32 [tilespmem:s24], [sflag:$0xA], $0x20, s8, s16, $0xb8;
	[tilespmem:$0x13E20] =	vst v63  }
.Ltmp3:
0xa2: {  	_ = 	snop;
	(pc) =	sbr.rel .LBB2_2-.Ltmp3, $4  }
0xa3: {  	_ =	swait.ge [sflag:s2], $0x1000  }
0xa4: {  	[sflag:s2] =	ssyncset.done $0x0  }
0xa5: {  	s11 =	sadd.s32 $0x680, s7;
	s21 =	sadd.s32 $0xA00, s21;
	[sflag:s2] =	ssyncadd.s32 $0xFFFFF000  }
0xa6: {  	[tilespmem:s22], [sflag:$0x4] =	stream.indirect.gather [spmem:s4], $0x20, s11, s16, $0xb8;
	[tilespmem:$0x13E20] =	vst v63  }
.LBB2_5:
0xa7: {  	_ =	sfence.sel $0x180000  }
0xa8: {  	[bflag:$0x0] =	sbarrier.arrive $0xFFFF  }
0xa9: {  	_ =	strace $0x9000004A  }
0xaa: {  	s0 =	stileid.u32;
	[bflag:$0x2] =	sbarrier.arrive $0xFFFF  }
0xab: {  	p0 =	sne.s32 s0, $0x0;
	s0 =	rddreg [dreg:$0x4]  }
0xac: {  	s0 =	sadd.s32 @!p0 $0x100000, s0  }
0xad: {  	[sflag:s0] =	ssyncadd.tile.s32 @!p0 $0x1;
	_ =	shalt  }
.Lfunc_end2:
_tile_overlayer_lowered:
.L_overlay_start_2:
0xae: {  	(tag) =	ssettag $0x2  }
0xaf: {  	s0 =	rddreg [dreg:$0x0];
	s2 =	stileid.u32  }
0xb0: {  	s1 =	rddreg [dreg:$0x1];
	p0 =	sne.s32 s2, $0x0  }
0xb1: {  	s3 =	rddreg [dreg:$0x2];
	[bflag:$0x3] =	sbarrier.arrive $0xFFFF;
	s2 =	simm.s32 @!p0 $0x1C0B  }
0xb2: {  	[timem:s3], [sflag:s2] =	dma.local @!p0 [hbm:s0], s1  }
0xb3: {  	s0 =	simm.s32 @!p0 $0xB  }
0xb4: {  	_ =	swait.ge @!p0 [sflag:s0], s1  }
0xb5: {  	s1 =	ssub.s32 @!p0 $0x0, s1;
	[sflag:s0] =	ssyncset.done @!p0 $0x0  }
0xb6: {  	[sflag:s0] =	ssyncadd.s32 @!p0 s1  }
0xb7: {  	[bflag:$0x3] =	sbarrier.arrive $0xFFFF  }
0xb8: {  	_ =	shalt  }

// kernel: kernel.15.cloned.1.call-start
scs
__scs_entry_jumppad:
0x0: {  	(pc) =	sbr.rel $0x88, $3  }
0x1: {  	(tag) =	ssettag $0x0;
	lr =	simm.s32 $0x1  }
0x2: {  	[smem:$0x3F92] =	sst lr;
	_ =	strace $0xD0000000  }
0x3: {  	_ = 	snop  }
0x4: {  	_ = 	snop  }
0x5: {  	_ = 	snop  }
0x6: {  	_ = 	snop  }
0x7: {  	_ = 	snop  }
__scs_overlays_trampoline_lowered:
0x8: {  	[smem:$0x3FA1] =	sst s0  }
0x9: {  	[smem:$0x3FA2] =	sst s1  }
0xa: {  	[smem:$0x3FA3] =	sst s2  }
0xb: {  	[smem:$0x3FA4] =	sst s3  }
0xc: {  	[smem:$0x3FA5] =	sst s4  }
0xd: {  	[smem:$0x3FA6] =	sst s5  }
0xe: {  	[smem:$0x3FA7] =	sst s6  }
0xf: {  	[smem:$0x3FA8] =	sst s7  }
0x10: {  	[smem:$0x3FA9] =	sst s8  }
0x11: {  	[smem:$0x3FAA] =	sst s9;
	s0 =	simm.s32 @!p0 $0x0  }
0x12: {  	s1 =	sld [smem:$0x3F90];
	s0 =	simm.s32 @p0 $0x1  }
0x13: {  	[smem:$0x3FAB] =	sst s0;
	s0 =	simm.s32 @!p1 $0x0  }
0x14: {  	s2 =	sld [smem:$0x3F8F];
	s0 =	simm.s32 @p1 $0x1  }
0x15: {  	[smem:$0x3FAC] =	sst s0;
	s0 =	simm.s32 @!p2 $0x0  }
0x16: {  	s3 =	sld [smem:$0x3FDB];
	s0 =	simm.s32 @p2 $0x1  }
0x17: {  	s4 =	simm.s32 $0x1BF5;
	[smem:$0x3FAE] =	sst s0  }
0x18: {  	s0 =	sld [smem:$0x3F91];
	_ =	swait.ge [sflag:s4], $0x0  }
0x19: {  	s7 =	sld [smem:$0x3F92]  }
0x1a: {  	s8 =	sadd.s32 $0xFFFFE003, lr  }
0x1b: {  	s9 =	sadd.s32 $0xFFFFFEF7, lr;
	s5 =	simm.s32 $0xFFFFFFFF;
	p2 =	slt.u32 s8, $0xFFFFF086  }
0x1c: {  	p1 =	slt.u32 s9, $0xF7A;
	s5 =	simm.s32 @!p2 $0x0  }
0x1d: {  	s5 =	simm.s32 @p1 $0x1;
	p0 =	seq.s32 s7, s2  }
0x1e: {  	s7 =	smul.u32 @!p0 $0xF7A, s2;
	p2 =	seq.s32 @!p0 s5, $0x0  }
0x1f: {  	s9 =	smul.u32 $0xF7A, s1;
	s8 =	simm.s32 @!p0 $0x1BF5;
	p2 =	por !p2, p0  }
0x20: {  	[sflag:s8] =	ssyncset.s32 @!p0 $0xFFFFF086;
	s6 =	sadd.s32 @!p0 s3, s7;
	s7 =	simm.s32 @!p0 $0x108  }
0x21: {  	s3 =	sadd.s32 s3, s9;
	s6 =	sadd.s32 @!p0 $0x88, s6;
	s7 =	simm.s32 @p2 $0x1082  }
0x22: {  	[simem:s7], [sflag:s8] =	dma.local @!p0 [hbm:s6], $0xF7A  }
0x23: {  	s9 =	sor.u32 $0xD0000000, s2;
	s6 =	simm.s32 $0x108;
	_ =	swait.ge @!p0 [sflag:s8], $0x0  }
0x24: {  	s3 =	sadd.s32 $0x88, s3;
	s6 =	simm.s32 @!p1 $0x1082;
	[sflag:s4] =	ssyncset.s32 $0xFFFFF086  }
0x25: {  	[simem:s6], [sflag:s4] =	dma.local [hbm:s3], $0xF7A  }
0x26: {  	[smem:$0x3F92] =	sst s1;
	(tag) =	ssettag s2;
	_ =	strace s9  }
0x27: {  	s1 =	sld [smem:$0x3FA2]  }
0x28: {  	s2 =	sld [smem:$0x3FA3]  }
0x29: {  	s4 =	sld [smem:$0x3FA5]  }
0x2a: {  	p0 =	seq.s32 s5, $0x0;
	s5 =	sld [smem:$0x3FA6]  }
0x2b: {  	s6 =	sld [smem:$0x3FA7]  }
0x2c: {  	s7 =	sld [smem:$0x3FA8]  }
0x2d: {  	s3 =	simm.s32 $0x108;
	s8 =	sld [smem:$0x3FA9]  }
0x2e: {  	s3 =	simm.s32 @!p0 $0x1082;
	s9 =	sld [smem:$0x3FAA]  }
0x2f: {  	lr =	sadd.s32 s0, s3;
	s0 =	sld [smem:$0x3FA1]  }
0x30: {  	s3 =	sld [smem:$0x3FA4]  }
0x31: {  	[smem:$0x3FAD] =	sst s10  }
0x32: {  	s10 =	sld [smem:$0x3FAB];
	_ =	sdelay $0x3  }
0x33: {  	p0 =	seq.s32 s10, $0x1;
	s10 =	sld [smem:$0x3FAD];
	_ =	sdelay $0x3  }
0x34: {  	[smem:$0x3FAD] =	sst s10  }
0x35: {  	s10 =	sld [smem:$0x3FAC];
	_ =	sdelay $0x3  }
0x36: {  	p1 =	seq.s32 s10, $0x1;
	s10 =	sld [smem:$0x3FAD];
	_ =	sdelay $0x3  }
0x37: {  	[smem:$0x3FAD] =	sst s10  }
0x38: {  	s10 =	sld [smem:$0x3FAE]  }
0x39: {  	_ = 	snop;
	(pc) =	sbr.ind lr, $3  }
0x3a: {  	_ = 	snop  }
0x3b: {  	_ = 	snop  }
0x3c: {  	p2 =	seq.s32 s10, $0x1;
	s10 =	sld [smem:$0x3FAD]  }
0x3d: {  	_ =	shalt  }
0x3e: {  	_ =	shalt  }
0x3f: {  	_ =	shalt  }
0x40: {  	_ =	shalt  }
0x41: {  	_ =	shalt  }
0x42: {  	_ =	shalt  }
0x43: {  	_ =	shalt  }
0x44: {  	_ =	shalt  }
0x45: {  	_ =	shalt  }
0x46: {  	_ =	shalt  }
0x47: {  	_ =	shalt  }
0x48: {  	_ =	shalt  }
0x49: {  	_ =	shalt  }
0x4a: {  	_ =	shalt  }
0x4b: {  	_ =	shalt  }
0x4c: {  	_ =	shalt  }
0x4d: {  	_ =	shalt  }
0x4e: {  	_ =	shalt  }
0x4f: {  	_ =	shalt  }
0x50: {  	_ =	shalt  }
0x51: {  	_ =	shalt  }
0x52: {  	_ =	shalt  }
0x53: {  	_ =	shalt  }
0x54: {  	_ =	shalt  }
0x55: {  	_ =	shalt  }
0x56: {  	_ =	shalt  }
0x57: {  	_ =	shalt  }
0x58: {  	_ =	shalt  }
0x59: {  	_ =	shalt  }
0x5a: {  	_ =	shalt  }
0x5b: {  	_ =	shalt  }
0x5c: {  	_ =	shalt  }
0x5d: {  	_ =	shalt  }
0x5e: {  	_ =	shalt  }
0x5f: {  	_ =	shalt  }
0x60: {  	_ =	shalt  }
0x61: {  	_ =	shalt  }
0x62: {  	_ =	shalt  }
0x63: {  	_ =	shalt  }
0x64: {  	_ =	shalt  }
0x65: {  	_ =	shalt  }
0x66: {  	_ =	shalt  }
0x67: {  	_ =	shalt  }
0x68: {  	_ =	shalt  }
0x69: {  	_ =	shalt  }
0x6a: {  	_ =	shalt  }
0x6b: {  	_ =	shalt  }
0x6c: {  	_ =	shalt  }
0x6d: {  	_ =	shalt  }
0x6e: {  	_ =	shalt  }
0x6f: {  	_ =	shalt  }
0x70: {  	_ =	shalt  }
0x71: {  	_ =	shalt  }
0x72: {  	_ =	shalt  }
0x73: {  	_ =	shalt  }
0x74: {  	_ =	shalt  }
0x75: {  	_ =	shalt  }
0x76: {  	_ =	shalt  }
0x77: {  	_ =	shalt  }
0x78: {  	_ =	shalt  }
0x79: {  	_ =	shalt  }
0x7a: {  	_ =	shalt  }
0x7b: {  	_ =	shalt  }
0x7c: {  	_ =	shalt  }
0x7d: {  	_ =	shalt  }
0x7e: {  	_ =	shalt  }
0x7f: {  	_ =	shalt  }
0x80: {  	_ =	shalt  }
0x81: {  	_ =	shalt  }
0x82: {  	_ =	shalt  }
0x83: {  	_ =	shalt  }
0x84: {  	_ =	shalt  }
0x85: {  	_ =	shalt  }
0x86: {  	_ =	shalt  }
0x87: {  	_ =	shalt  }
.Lfunc_end0:
.L_simem_size_0:
called_computation.2_lowered:
.L_overlay_start_0:
0x88: {  	s2 =	sld [smem:$0x3FD9]  }
0x89: {  	s3 =	sld [smem:$0x3FFE];
	_ =	sdelay $0x1  }
0x8a: {  	s1 =	srdreg.scid  }
0x8b: {  	s0 =	sand.u32 $0x1, s1  }
0x8c: {  	s17 =	sshll.u32 s0, $0xA;
	s2 =	sadd.s32 s3, s2  }
0x8d: {  	s2 =	sadd.s32 s2, s17  }
0x8e: {  	[smem:$0x3FB9] =	sst s2  }
0x8f: {  	_ = 	snop  }
0x90: {  	s2 =	sld [smem:$0x3FD0];
	(tm) =	ssettm $0x1  }
0x91: {  	s18 =	sld [smem:$0x3FFB];
	_ =	sdelay $0x3  }
0x92: {  	_ =	strace s18  }
0x93: {  	s3 =	sld [smem:$0x3FFC];
	_ =	sdelay $0x3  }
0x94: {  	_ =	strace s3  }
0x95: {  	s3 =	sld [smem:$0x3FFD];
	_ =	sdelay $0x3  }
0x96: {  	_ =	strace s3  }
0x97: {  	_ =	strace $0x8FFFFFFF  }
0x98: {  	s19 =	sld [smem:$0x3FDB];
	_ =	sdelay $0x1  }
0x99: {  	s4 =	simm.s32 $_scs_section_size  }
0x9a: {  	s5 =	simm.s32 $_size__tile_overlayer_lowered;
	s6 =	simm.s32 $_tile_overlayer_lowered  }
0x9b: {  	s22 =	simm.s32 $0x1BFF;
	s21 =	sshll.u32 s6, $0x1;
	s3 =	sadd.s32 s4, s19  }
0x9c: {  	s7 =	simm.s32 $0x0;
	s20 =	sshll.u32 s5, $0x1;
	s5 =	sadd.s32 s21, s3  }
0x9d: {  	[timem:s7], [sflag:s22] =	dma.local [hbm:s5], s20  }
0x9e: {  	_ =	swait.ge [sflag:s22], s20  }
0x9f: {  	s4 =	ssub.s32 $0x0, s20;
	[sflag:s22] =	ssyncset.done $0x0  }
0xa0: {  	[sflag:s22] =	ssyncadd.s32 s4;
	_ =	sdelay $0x1  }
0xa1: {  	s23 =	simm.s32 $0x1B8B  }
0xa2: {  	_ =	swait.ge [sflag:s23], $0x1  }
0xa3: {  	[sflag:s23] =	ssyncset.done $0x0  }
0xa4: {  	s25 =	simm.s32 $0x1B8E;
	s24 =	sld [smem:$0x3FFE];
	[sflag:s23] =	ssyncadd.s32 $0xFFFFFFFF  }
0xa5: {  	s26 =	simm.s32 $execute0_lowered;
	[smem:$0x3FD2] =	sst s25  }
0xa6: {  	s5 =	sshll.u32 s26, $0x1;
	_ =	strace $0x8000004C;
	[dreg:$0x1] =	wrdreg $0xFFFFFFFF  }
0xa7: {  	s28 =	simm.s32 $_size_execute0_lowered;
	s3 =	sadd.s32 s3, s5;
	[dreg:$0x0] =	wrdreg $0x0  }
0xa8: {  	s5 =	sshll.u32 s28, $0x1;
	[dreg:$0x2] =	wrdreg s3  }
0xa9: {  	[dreg:$0x3] =	wrdreg s5  }
0xaa: {  	[dreg:$0x4] =	wrdreg $0xC0  }
0xab: {  	_ =	task [dreg:s7], $0x5FFFF  }
0xac: {  	[dreg:$0x1] =	wrdreg $0xFFFFFFFF  }
0xad: {  	[dreg:$0x0] =	wrdreg $0x60  }
0xae: {  	[dreg:$0x2] =	wrdreg s24  }
0xaf: {  	[dreg:$0x3] =	wrdreg s2  }
0xb0: {  	[dreg:$0x4] =	wrdreg $0xEE200  }
0xb1: {  	[dreg:$0x5] =	wrdreg $0xA0000  }
0xb2: {  	[dreg:$0x6] =	wrdreg $0x9  }
0xb3: {  	_ =	task.clear_ibuf [dreg:s7], $0x7FFFF;
	_ =	strace $0x9000004C  }
0xb4: {  	s29 =	simm.s32 $0x9;
	_ =	strace $0x8000004E  }
0xb5: {  	_ =	swait.ge [sflag:s29], $0x1  }
0xb6: {  	[sflag:s29] =	ssyncadd.s32 $0xFFFFFFFF  }
0xb7: {  	_ =	strace $0x9000004E  }
0xb8: {  	_ =	sfence  }
0xb9: {  	s30 =	sld [smem:$0x0];
	_ =	sdelay $0x2  }
0xba: {  	s31 =	sshll.u32 s1, $0xD;
	s1 =	sshrl.u32 s1, $0x2  }
0xbb: {  	s3 =	sand.u32 $0x4000, s31;
	s1 =	sadd.s32 s1, s30  }
0xbc: {  	s0 =	sor.u32 s3, s0;
	s1 =	sshll.u32 s1, $0x11  }
0xbd: {  	s0 =	sor.u32 s1, s0  }
0xbe: {  	s0 =	sadd.s32 $0x8F2B, s0  }
0xbf: {  	[sflag:s0] =	ssyncadd.remote.s32 $0x1  }
0xc0: {  	_ =	sfence.sel $0xFFFF  }
0xc1: {  	[dreg:$0x0] =	wrdreg $0xFFFFFFFF;
	(pc) =	sbr.abs _section_cstart, $3  }
0xc2: {  	[dreg:$0x1] =	wrdreg $0xFFFFFFFF  }
0xc3: {  	_ =	task.clear_ibuf [dreg:s7], $0x2FFFF;
	_ =	strace $0x9FFFFFFF  }
0xc4: {  	(tm) =	ssettm $0x7FFFFFFF  }
0xc5: {  	_ =	shalt  }
tec
execute0_lowered:
.L_overlay_start_1:
0x0: {  	(tag) =	ssettag $0x1  }
0x1: {  	s0 =	rddreg [dreg:$0x0]  }
0x2: {  	s3 =	rddreg [dreg:$0x2]  }
0x3: {  	s4 =	rddreg [dreg:$0x3];
	s11 =	stileid.u32  }
0x4: {  	s2 =	srdreg.scid;
	s5 =	simm.s32 $0x0;
	s13 =	simm.s32 $0xB  }
0x5: {  	s15 =	simm.s32 $0x2800;
	s16 =	simm.s32 $0x80;
	s17 =	simm.s32 $0x5000  }
0x6: {  	s18 =	simm.s32 $0x6000;
	s20 =	simm.s32 $0x7000;
	s29 =	simm.s32 $0x6  }
0x7: {  	s31 =	simm.s32 $0x3;
	s19 =	simm.s32 $0x4;
	s30 =	simm.s32 $0x5  }
0x8: {  	s28 =	simm.s32 $0xA;
	s1 =	smul.u32 $0x4E20, s11;
	s2 =	sand.u32 $0x1, s2  }
0x9: {  	s6 =	sshll.u32 s11, $0x1;
	s7 =	smul.u32 $0x5000, s11;
	[smem:$0x7FF] =	sst s5  }
0xa: {  	s22 =	sshll.u32 s11, $0x6;
	s6 =	sor.u32 s2, s6;
	s8 =	smul.u32 $0x50000, s2  }
0xb: {  	_ =	strace $0x8000004D;
	s2 =	ssub.s32 $0x2, s2;
	s9 =	sshrl.u32 s1, $0x3  }
0xc: {  	s6 =	smul.u32 $0x2800, s6;
	s21 =	sshrl.u32 s2, $0x1;
	s1 =	sadd.s32 s1, s4  }
0xd: {  	s9 =	sadd.s32 s9, s0;
	s8 =	sadd.s32 s7, s8;
	s2 =	ssub.s32 s2, s21  }
0xe: {  	s7 =	sadd.s32 s7, s3;
	s14 =	sshrl.u32 s1, $0x3;
	s1 =	simm.s32 $0x7  }
0xf: {  	s6 =	sshrl.u32 s6, $0x3;
	s8 =	sshrl.u32 s8, $0x3;
	s23 =	sadd.s32 $0x17E00, s9  }
0x10: {  	s26 =	smax.u32 s2, $0x1;
	s12 =	sshrl.u32 s7, $0x3;
	s2 =	simm.s32 $0x9  }
0x11: {  	s10 =	sadd.s32 s6, s0;
	s0 =	sadd.s32 s8, s0;
	[dreg:$0x5] =	wrdreg s23  }
.Ltmp0:
0x12: {  	[dreg:$0x9] =	wrdreg s26;
	s24 =	sadd.s32 $0x3E00, s10;
	(pc) =	sbr.rel .LBB2_1-.Ltmp0, $4  }
0x13: {  	s6 =	sor.u32 $0x1C0B, s22;
	s25 =	sadd.s32 $0xDE00, s10;
	[dreg:$0x6] =	wrdreg s24  }
0x14: {  	s22 =	simm.s32 $0x8000;
	s0 =	sadd.s32 $0x21C00, s0;
	[dreg:$0x7] =	wrdreg s25  }
0x15: {  	s26 =	simm.s32 $0x2;
	s23 =	simm.s32 $0x8;
	[dreg:$0x8] =	wrdreg s0  }
0x16: {  	s24 =	simm.s32 $0x9000;
	s25 =	simm.s32 $0x1;
	s0 =	simm.s32 $0x0  }
.LBB2_4:
0x17: {  	_ =	swait.ge [sflag:s30], $0x1000  }
0x18: {  	[sflag:s30] =	ssyncset.done $0x0  }
0x19: {  	[sflag:s30] =	ssyncadd.s32 $0xFFFFF000  }
0x1a: {  	[spmem:s3] =	stream.indirect.scatter.add.f32 [tilespmem:s24], [sflag:$0xA], $0x20, s8, s16, $0xb8;
	[tilespmem:$0x13E20] =	vst v63  }
0x1b: {  	_ =	swait.ge [sflag:s29], $0x1000  }
0x1c: {  	[sflag:s29] =	ssyncset.done $0x0  }
0x1d: {  	[sflag:s29] =	ssyncadd.s32 $0xFFFFF000  }
0x1e: {  	_ =	swait.ge [sflag:s1], $0x1000  }
0x1f: {  	[sflag:s1] =	ssyncset.done $0x0  }
0x20: {  	[sflag:s1] =	ssyncadd.s32 $0xFFFFF000  }
0x21: {  	_ =	swait.ge [sflag:s23], $0x1000  }
0x22: {  	[sflag:s23] =	ssyncset.done $0x0  }
0x23: {  	[sflag:s23] =	ssyncadd.s32 $0xFFFFF000  }
0x24: {  	_ =	swait.ge [sflag:s2], $0x1000  }
0x25: {  	[sflag:s2] =	ssyncset.done $0x0  }
0x26: {  	[sflag:s2] =	ssyncadd.s32 $0xFFFFF000  }
0x27: {  	_ =	swait.ge [sflag:s28], $0x1000  }
0x28: {  	[sflag:s28] =	ssyncset.done $0x0  }
0x29: {  	[sflag:s28] =	ssyncadd.s32 $0xFFFFF000  }
0x2a: {  	[bflag:$0x0] =	sbarrier.arrive $0xFFFF  }
0x2b: {  	s7 =	rddreg [dreg:$0x8]  }
0x2c: {  	[hbm:s7], [sflag:s6] =	dma.local [spmem:s12], $0xA00  }
0x2d: {  	_ =	swait.ge [sflag:s13], $0xA00  }
0x2e: {  	s0 =	sadd.s32 $0x1, s0;
	s21 =	rddreg [dreg:$0x9]  }
0x2f: {  	p0 =	sne.s32 s0, s21  }
.Ltmp1:
0x30: {  	_ = 	snop;
	(pc) =	sbr.rel @!p0 .LBB2_5-.Ltmp1, $3  }
0x31: {  	_ =	sdelay $0x1  }
0x32: {  	[sflag:s13] =	ssyncset.done $0x0  }
0x33: {  	[sflag:s13] =	ssyncadd.s32 $0xFFFFF600  }
.LBB2_1:
0x34: {  	s7 =	rddreg [dreg:$0x1]  }
0x35: {  	[spmem:s12], [sflag:s6] =	dma.local [hbm:s7], $0xA00  }
0x36: {  	_ =	swait.ge [sflag:s13], $0xA00  }
0x37: {  	[sflag:s13] =	ssyncset.done $0x0  }
0x38: {  	s9 =	rddreg [dreg:$0x5];
	[sflag:s13] =	ssyncadd.s32 $0xFFFFF600  }
0x39: {  	[spmem:s14], [sflag:s6] =	dma.local [hbm:s9], $0x9C4  }
0x3a: {  	_ =	swait.ge [sflag:s13], $0x9C4  }
0x3b: {  	[sflag:s13] =	ssyncset.done $0x0  }
0x3c: {  	s10 =	rddreg [dreg:$0x6];
	[sflag:s13] =	ssyncadd.s32 $0xFFFFF63C  }
0x3d: {  	[tilespmem:s5], [sflag:$0xB] =	stream.linear.gather [hbm4b:s10+s5], $0x2800, $0x38;
	[tilespmem:$0x13E20] =	vst v63  }
0x3e: {  	_ =	swait.ge [sflag:s13], $0x2800  }
0x3f: {  	[sflag:s13] =	ssyncset.done $0x0  }
0x40: {  	s11 =	rddreg [dreg:$0x7];
	[sflag:s13] =	ssyncadd.s32 $0xFFFFD800  }
0x41: {  	[tilespmem:s15], [sflag:$0xB] =	stream.linear.gather [hbm4b:s11+s5], $0x2800, $0x38;
	[tilespmem:$0x13E20] =	vst v63  }
0x42: {  	_ =	swait.ge [sflag:s13], $0x2800  }
0x43: {  	[sflag:s13] =	ssyncset.done $0x0  }
0x44: {  	[sflag:s13] =	ssyncadd.s32 $0xFFFFD800  }
0x45: {  	[bflag:$0x0] =	sbarrier.arrive $0xFFFF  }
0x46: {  	[tilespmem:s17], [sflag:$0x1] =	stream.indirect.gather [spmem:s4], $0x20, s5, s16, $0xb8;
	[tilespmem:$0x13E20] =	vst v63  }
0x47: {  	_ = 	snop  }
0x48: {  	[tilespmem:s18], [sflag:$0x2] =	stream.indirect.gather [spmem:s4], $0x20, s16, s16, $0xb8;
	[tilespmem:$0x13E20] =	vst v63  }
0x49: {  	s21 =	simm.s32 $0x100  }
0x4a: {  	[tilespmem:s20], [sflag:$0x3] =	stream.indirect.gather [spmem:s4], $0x20, s21, s16, $0xb8;
	[tilespmem:$0x13E20] =	vst v63  }
0x4b: {  	s8 =	simm.s32 $0x180  }
0x4c: {  	[tilespmem:s22], [sflag:$0x4] =	stream.indirect.gather [spmem:s4], $0x20, s8, s16, $0xb8;
	[tilespmem:$0x13E20] =	vst v63  }
0x4d: {  	s9 =	simm.s32 $0x200  }
0x4e: {  	[tilespmem:s24], [sflag:$0x5] =	stream.indirect.gather [spmem:s4], $0x20, s9, s16, $0xb8;
	[tilespmem:$0x13E20] =	vst v63  }
0x4f: {  	_ =	swait.ge [sflag:s25], $0x1000  }
0x50: {  	[sflag:s25] =	ssyncset.done $0x0  }
0x51: {  	[sflag:s25] =	ssyncadd.s32 $0xFFFFF000  }
0x52: {  	[spmem:s3] =	stream.indirect.scatter.add.f32 [tilespmem:s17], [sflag:$0x6], $0x20, s15, s16, $0xb8;
	[tilespmem:$0x13E20] =	vst v63  }
0x53: {  	_ =	swait.ge [sflag:s26], $0x1000  }
0x54: {  	[sflag:s26] =	ssyncset.done $0x0  }
0x55: {  	s10 =	simm.s32 $0x2880;
	[sflag:s26] =	ssyncadd.s32 $0xFFFFF000  }
0x56: {  	[spmem:s3] =	stream.indirect.scatter.add.f32 [tilespmem:s18], [sflag:$0x7], $0x20, s10, s16, $0xb8;
	[tilespmem:$0x13E20] =	vst v63  }
0x57: {  	_ =	swait.ge [sflag:s29], $0x1000  }
0x58: {  	[sflag:s29] =	ssyncset.done $0x0  }
0x59: {  	s11 =	simm.s32 $0x280;
	[sflag:s29] =	ssyncadd.s32 $0xFFFFF000  }
0x5a: {  	[tilespmem:s17], [sflag:$0x1] =	stream.indirect.gather [spmem:s4], $0x20, s11, s16, $0xb8;
	[tilespmem:$0x13E20] =	vst v63  }
0x5b: {  	_ =	swait.ge [sflag:s31], $0x1000  }
0x5c: {  	[sflag:s31] =	ssyncset.done $0x0  }
0x5d: {  	s21 =	simm.s32 $0x2900;
	[sflag:s31] =	ssyncadd.s32 $0xFFFFF000  }
0x5e: {  	[spmem:s3] =	stream.indirect.scatter.add.f32 [tilespmem:s20], [sflag:$0x8], $0x20, s21, s16, $0xb8;
	[tilespmem:$0x13E20] =	vst v63  }
0x5f: {  	_ =	swait.ge [sflag:s1], $0x1000  }
0x60: {  	[sflag:s1] =	ssyncset.done $0x0  }
0x61: {  	s8 =	simm.s32 $0x300;
	[sflag:s1] =	ssyncadd.s32 $0xFFFFF000  }
0x62: {  	[tilespmem:s18], [sflag:$0x2] =	stream.indirect.gather [spmem:s4], $0x20, s8, s16, $0xb8;
	[tilespmem:$0x13E20] =	vst v63  }
0x63: {  	_ =	swait.ge [sflag:s19], $0x1000  }
0x64: {  	[sflag:s19] =	ssyncset.done $0x0  }
0x65: {  	s9 =	simm.s32 $0x2980;
	[sflag:s19] =	ssyncadd.s32 $0xFFFFF000  }
0x66: {  	[spmem:s3] =	stream.indirect.scatter.add.f32 [tilespmem:s22], [sflag:$0x9], $0x20, s9, s16, $0xb8;
	[tilespmem:$0x13E20] =	vst v63  }
0x67: {  	_ =	swait.ge [sflag:s23], $0x1000  }
0x68: {  	[sflag:s23] =	ssyncset.done $0x0  }
0x69: {  	s10 =	simm.s32 $0x380;
	[sflag:s23] =	ssyncadd.s32 $0xFFFFF000  }
0x6a: {  	[tilespmem:s20], [sflag:$0x3] =	stream.indirect.gather [spmem:s4], $0x20, s10, s16, $0xb8;
	[tilespmem:$0x13E20] =	vst v63  }
0x6b: {  	_ =	swait.ge [sflag:s30], $0x1000  }
0x6c: {  	[sflag:s30] =	ssyncset.done $0x0  }
0x6d: {  	s11 =	simm.s32 $0x2A00;
	[sflag:s30] =	ssyncadd.s32 $0xFFFFF000  }
0x6e: {  	[spmem:s3] =	stream.indirect.scatter.add.f32 [tilespmem:s24], [sflag:$0xA], $0x20, s11, s16, $0xb8;
	[tilespmem:$0x13E20] =	vst v63  }
0x6f: {  	_ =	swait.ge [sflag:s2], $0x1000  }
0x70: {  	[sflag:s2] =	ssyncset.done $0x0  }
0x71: {  	s21 =	simm.s32 $0x400;
	[sflag:s2] =	ssyncadd.s32 $0xFFFFF000  }
0x72: {  	[tilespmem:s22], [sflag:$0x4] =	stream.indirect.gather [spmem:s4], $0x20, s21, s16, $0xb8;
	[tilespmem:$0x13E20] =	vst v63  }
0x73: {  	s21 =	simm.s32 $0x0  }
.LBB2_2:
0x74: {  	_ =	swait.ge [sflag:s25], $0x1000  }
0x75: {  	s7 =	sshra.s32 s21, $0x2;
	[sflag:s25] =	ssyncset.done $0x0  }
0x76: {  	s8 =	sadd.s32 $0x2A80, s7;
	[sflag:s25] =	ssyncadd.s32 $0xFFFFF000  }
0x77: {  	[spmem:s3] =	stream.indirect.scatter.add.f32 [tilespmem:s17], [sflag:$0x6], $0x20, s8, s16, $0xb8;
	[tilespmem:$0x13E20] =	vst v63  }
0x78: {  	_ =	swait.ge [sflag:s28], $0x1000  }
0x79: {  	[sflag:s28] =	ssyncset.done $0x0  }
0x7a: {  	s9 =	sadd.s32 $0x480, s7;
	[sflag:s28] =	ssyncadd.s32 $0xFFFFF000  }
0x7b: {  	[tilespmem:s24], [sflag:$0x5] =	stream.indirect.gather [spmem:s4], $0x20, s9, s16, $0xb8;
	[tilespmem:$0x13E20] =	vst v63  }
0x7c: {  	_ =	swait.ge [sflag:s26], $0x1000  }
0x7d: {  	p0 =	seq.s32 s21, $0x8C00;
	[sflag:s26] =	ssyncset.done $0x0  }
0x7e: {  	s10 =	sadd.s32 $0x2B00, s7;
	s8 =	simm.s32 @p0 $0x3;
	[sflag:s26] =	ssyncadd.s32 $0xFFFFF000  }
0x7f: {  	[spmem:s3] =	stream.indirect.scatter.add.f32 [tilespmem:s18], [sflag:$0x7], $0x20, s10, s16, $0xb8;
	[tilespmem:$0x13E20] =	vst v63  }
0x80: {  	_ =	swait.ge @p0 [sflag:s8], $0x1000  }
0x81: {  	[sflag:s8] =	ssyncset.done @p0 $0x0  }
0x82: {  	[sflag:s8] =	ssyncadd.s32 @p0 $0xFFFFF000;
	s8 =	sshra.s32 @p0 s21, $0x2  }
0x83: {  	s9 =	simm.s32 @p0 $0x80;
	s10 =	simm.s32 @p0 $0x7000;
	s8 =	sadd.s32 @p0 $0x2B80, s8  }
0x84: {  	[spmem:s3] =	stream.indirect.scatter.add.f32 @p0 [tilespmem:s10], [sflag:$0x8], $0x20, s8, s9, $0xb8;
	[tilespmem:$0x13E20] =	vst v63  }
0x85: {  	s8 =	simm.s32 @!p0 $0x6  }
0x86: {  	_ =	swait.ge @!p0 [sflag:s8], $0x1000  }
0x87: {  	[sflag:s8] =	ssyncset.done @!p0 $0x0  }
0x88: {  	[sflag:s8] =	ssyncadd.s32 @!p0 $0xFFFFF000;
	s8 =	sshra.s32 @!p0 s21, $0x2  }
0x89: {  	s11 =	simm.s32 @!p0 $0x5000;
	s10 =	simm.s32 @!p0 $0x80;
	s9 =	sadd.s32 @!p0 $0x500, s8  }
0x8a: {  	[tilespmem:s11], [sflag:$0x1] =	stream.indirect.gather @!p0 [spmem:s4], $0x20, s9, s10, $0xb8;
	[tilespmem:$0x13E20] =	vst v63  }
0x8b: {  	s9 =	simm.s32 @!p0 $0x3  }
0x8c: {  	_ =	swait.ge @!p0 [sflag:s9], $0x1000  }
0x8d: {  	[sflag:s9] =	ssyncset.done @!p0 $0x0  }
0x8e: {  	s11 =	simm.s32 @!p0 $0x7000;
	[sflag:s9] =	ssyncadd.s32 @!p0 $0xFFFFF000;
	s9 =	sadd.s32 @!p0 $0x2B80, s8  }
0x8f: {  	[spmem:s3] =	stream.indirect.scatter.add.f32 @!p0 [tilespmem:s11], [sflag:$0x8], $0x20, s9, s10, $0xb8;
	[tilespmem:$0x13E20] =	vst v63  }
0x90: {  	s9 =	simm.s32 @!p0 $0x7  }
0x91: {  	_ =	swait.ge @!p0 [sflag:s9], $0x1000  }
0x92: {  	[sflag:s9] =	ssyncset.done @!p0 $0x0  }
0x93: {  	s8 =	sadd.s32 @!p0 $0x580, s8;
	[sflag:s9] =	ssyncadd.s32 @!p0 $0xFFFFF000;
	s9 =	simm.s32 @!p0 $0x6000  }
0x94: {  	[tilespmem:s9], [sflag:$0x2] =	stream.indirect.gather @!p0 [spmem:s4], $0x20, s8, s10, $0xb8;
	[tilespmem:$0x13E20] =	vst v63  }
.Ltmp2:
0x95: {  	_ = 	snop;
	(pc) =	sbr.rel @p0 .LBB2_4-.Ltmp2, $4  }
0x96: {  	_ =	swait.ge [sflag:s19], $0x1000  }
0x97: {  	[sflag:s19] =	ssyncset.done $0x0  }
0x98: {  	s11 =	sadd.s32 $0x2C00, s7;
	s8 =	sadd.s32 $0x2C80, s7;
	[sflag:s19] =	ssyncadd.s32 $0xFFFFF000  }
0x99: {  	[spmem:s3] =	stream.indirect.scatter.add.f32 [tilespmem:s22], [sflag:$0x9], $0x20, s11, s16, $0xb8;
	[tilespmem:$0x13E20] =	vst v63  }
0x9a: {  	_ =	swait.ge [sflag:s23], $0x1000  }
0x9b: {  	[sflag:s23] =	ssyncset.done $0x0  }
0x9c: {  	s9 =	sadd.s32 $0x600, s7;
	[sflag:s23] =	ssyncadd.s32 $0xFFFFF000  }
0x9d: {  	[tilespmem:s20], [sflag:$0x3] =	stream.indirect.gather [spmem:s4], $0x20, s9, s16, $0xb8;
	[tilespmem:$0x13E20] =	vst v63  }
0x9e: {  	_ =	swait.ge [sflag:s30], $0x1000  }
0x9f: {  	[sflag:s30] =	ssyncset.done $0x0  }
0xa0: {  	[sflag:s30] =	ssyncadd.s32 $0xFFFFF000  }
0xa1: {  	[spmem:s3] =	stream.indirect.scatter.add.f32 [tilespmem:s24], [sflag:$0xA], $0x20, s8, s16, $0xb8;
	[tilespmem:$0x13E20] =	vst v63  }
.Ltmp3:
0xa2: {  	_ = 	snop;
	(pc) =	sbr.rel .LBB2_2-.Ltmp3, $4  }
0xa3: {  	_ =	swait.ge [sflag:s2], $0x1000  }
0xa4: {  	[sflag:s2] =	ssyncset.done $0x0  }
0xa5: {  	s11 =	sadd.s32 $0x680, s7;
	s21 =	sadd.s32 $0xA00, s21;
	[sflag:s2] =	ssyncadd.s32 $0xFFFFF000  }
0xa6: {  	[tilespmem:s22], [sflag:$0x4] =	stream.indirect.gather [spmem:s4], $0x20, s11, s16, $0xb8;
	[tilespmem:$0x13E20] =	vst v63  }
.LBB2_5:
0xa7: {  	_ =	sfence.sel $0x180000  }
0xa8: {  	[bflag:$0x0] =	sbarrier.arrive $0xFFFF  }
0xa9: {  	_ =	strace $0x9000004D  }
0xaa: {  	s0 =	stileid.u32;
	[bflag:$0x2] =	sbarrier.arrive $0xFFFF  }
0xab: {  	p0 =	sne.s32 s0, $0x0;
	s0 =	rddreg [dreg:$0x4]  }
0xac: {  	s0 =	sadd.s32 @!p0 $0x100000, s0  }
0xad: {  	[sflag:s0] =	ssyncadd.tile.s32 @!p0 $0x1;
	_ =	shalt  }
.Lfunc_end2:
_tile_overlayer_lowered:
.L_overlay_start_2:
0xae: {  	(tag) =	ssettag $0x2  }
0xaf: {  	s0 =	rddreg [dreg:$0x0];
	s2 =	stileid.u32  }
0xb0: {  	s1 =	rddreg [dreg:$0x1];
	p0 =	sne.s32 s2, $0x0  }
0xb1: {  	s3 =	rddreg [dreg:$0x2];
	[bflag:$0x3] =	sbarrier.arrive $0xFFFF;
	s2 =	simm.s32 @!p0 $0x1C0B  }
0xb2: {  	[timem:s3], [sflag:s2] =	dma.local @!p0 [hbm:s0], s1  }
0xb3: {  	s0 =	simm.s32 @!p0 $0xB  }
0xb4: {  	_ =	swait.ge @!p0 [sflag:s0], s1  }
0xb5: {  	s1 =	ssub.s32 @!p0 $0x0, s1;
	[sflag:s0] =	ssyncset.done @!p0 $0x0  }
0xb6: {  	[sflag:s0] =	ssyncadd.s32 @!p0 s1  }
0xb7: {  	[bflag:$0x3] =	sbarrier.arrive $0xFFFF  }
0xb8: {  	_ =	shalt  }

// kernel: kernel.9.cloned.1.call-start
scs
__scs_entry_jumppad:
0x0: {  	(pc) =	sbr.rel $0x88, $3  }
0x1: {  	(tag) =	ssettag $0x0;
	lr =	simm.s32 $0x1  }
0x2: {  	[smem:$0x3F92] =	sst lr;
	_ =	strace $0xD0000000  }
0x3: {  	_ = 	snop  }
0x4: {  	_ = 	snop  }
0x5: {  	_ = 	snop  }
0x6: {  	_ = 	snop  }
0x7: {  	_ = 	snop  }
__scs_overlays_trampoline_lowered:
0x8: {  	[smem:$0x3FA1] =	sst s0  }
0x9: {  	[smem:$0x3FA2] =	sst s1  }
0xa: {  	[smem:$0x3FA3] =	sst s2  }
0xb: {  	[smem:$0x3FA4] =	sst s3  }
0xc: {  	[smem:$0x3FA5] =	sst s4  }
0xd: {  	[smem:$0x3FA6] =	sst s5  }
0xe: {  	[smem:$0x3FA7] =	sst s6  }
0xf: {  	[smem:$0x3FA8] =	sst s7  }
0x10: {  	[smem:$0x3FA9] =	sst s8  }
0x11: {  	[smem:$0x3FAA] =	sst s9;
	s0 =	simm.s32 @!p0 $0x0  }
0x12: {  	s1 =	sld [smem:$0x3F90];
	s0 =	simm.s32 @p0 $0x1  }
0x13: {  	[smem:$0x3FAB] =	sst s0;
	s0 =	simm.s32 @!p1 $0x0  }
0x14: {  	s2 =	sld [smem:$0x3F8F];
	s0 =	simm.s32 @p1 $0x1  }
0x15: {  	[smem:$0x3FAC] =	sst s0;
	s0 =	simm.s32 @!p2 $0x0  }
0x16: {  	s3 =	sld [smem:$0x3FDB];
	s0 =	simm.s32 @p2 $0x1  }
0x17: {  	s4 =	simm.s32 $0x1BF5;
	[smem:$0x3FAE] =	sst s0  }
0x18: {  	s0 =	sld [smem:$0x3F91];
	_ =	swait.ge [sflag:s4], $0x0  }
0x19: {  	s7 =	sld [smem:$0x3F92]  }
0x1a: {  	s8 =	sadd.s32 $0xFFFFE003, lr  }
0x1b: {  	s9 =	sadd.s32 $0xFFFFFEF7, lr;
	s5 =	simm.s32 $0xFFFFFFFF;
	p2 =	slt.u32 s8, $0xFFFFF086  }
0x1c: {  	p1 =	slt.u32 s9, $0xF7A;
	s5 =	simm.s32 @!p2 $0x0  }
0x1d: {  	s5 =	simm.s32 @p1 $0x1;
	p0 =	seq.s32 s7, s2  }
0x1e: {  	s7 =	smul.u32 @!p0 $0xF7A, s2;
	p2 =	seq.s32 @!p0 s5, $0x0  }
0x1f: {  	s9 =	smul.u32 $0xF7A, s1;
	s8 =	simm.s32 @!p0 $0x1BF5;
	p2 =	por !p2, p0  }
0x20: {  	[sflag:s8] =	ssyncset.s32 @!p0 $0xFFFFF086;
	s6 =	sadd.s32 @!p0 s3, s7;
	s7 =	simm.s32 @!p0 $0x108  }
0x21: {  	s3 =	sadd.s32 s3, s9;
	s6 =	sadd.s32 @!p0 $0x88, s6;
	s7 =	simm.s32 @p2 $0x1082  }
0x22: {  	[simem:s7], [sflag:s8] =	dma.local @!p0 [hbm:s6], $0xF7A  }
0x23: {  	s9 =	sor.u32 $0xD0000000, s2;
	s6 =	simm.s32 $0x108;
	_ =	swait.ge @!p0 [sflag:s8], $0x0  }
0x24: {  	s3 =	sadd.s32 $0x88, s3;
	s6 =	simm.s32 @!p1 $0x1082;
	[sflag:s4] =	ssyncset.s32 $0xFFFFF086  }
0x25: {  	[simem:s6], [sflag:s4] =	dma.local [hbm:s3], $0xF7A  }
0x26: {  	[smem:$0x3F92] =	sst s1;
	(tag) =	ssettag s2;
	_ =	strace s9  }
0x27: {  	s1 =	sld [smem:$0x3FA2]  }
0x28: {  	s2 =	sld [smem:$0x3FA3]  }
0x29: {  	s4 =	sld [smem:$0x3FA5]  }
0x2a: {  	p0 =	seq.s32 s5, $0x0;
	s5 =	sld [smem:$0x3FA6]  }
0x2b: {  	s6 =	sld [smem:$0x3FA7]  }
0x2c: {  	s7 =	sld [smem:$0x3FA8]  }
0x2d: {  	s3 =	simm.s32 $0x108;
	s8 =	sld [smem:$0x3FA9]  }
0x2e: {  	s3 =	simm.s32 @!p0 $0x1082;
	s9 =	sld [smem:$0x3FAA]  }
0x2f: {  	lr =	sadd.s32 s0, s3;
	s0 =	sld [smem:$0x3FA1]  }
0x30: {  	s3 =	sld [smem:$0x3FA4]  }
0x31: {  	[smem:$0x3FAD] =	sst s10  }
0x32: {  	s10 =	sld [smem:$0x3FAB];
	_ =	sdelay $0x3  }
0x33: {  	p0 =	seq.s32 s10, $0x1;
	s10 =	sld [smem:$0x3FAD];
	_ =	sdelay $0x3  }
0x34: {  	[smem:$0x3FAD] =	sst s10  }
0x35: {  	s10 =	sld [smem:$0x3FAC];
	_ =	sdelay $0x3  }
0x36: {  	p1 =	seq.s32 s10, $0x1;
	s10 =	sld [smem:$0x3FAD];
	_ =	sdelay $0x3  }
0x37: {  	[smem:$0x3FAD] =	sst s10  }
0x38: {  	s10 =	sld [smem:$0x3FAE]  }
0x39: {  	_ = 	snop;
	(pc) =	sbr.ind lr, $3  }
0x3a: {  	_ = 	snop  }
0x3b: {  	_ = 	snop  }
0x3c: {  	p2 =	seq.s32 s10, $0x1;
	s10 =	sld [smem:$0x3FAD]  }
0x3d: {  	_ =	shalt  }
0x3e: {  	_ =	shalt  }
0x3f: {  	_ =	shalt  }
0x40: {  	_ =	shalt  }
0x41: {  	_ =	shalt  }
0x42: {  	_ =	shalt  }
0x43: {  	_ =	shalt  }
0x44: {  	_ =	shalt  }
0x45: {  	_ =	shalt  }
0x46: {  	_ =	shalt  }
0x47: {  	_ =	shalt  }
0x48: {  	_ =	shalt  }
0x49: {  	_ =	shalt  }
0x4a: {  	_ =	shalt  }
0x4b: {  	_ =	shalt  }
0x4c: {  	_ =	shalt  }
0x4d: {  	_ =	shalt  }
0x4e: {  	_ =	shalt  }
0x4f: {  	_ =	shalt  }
0x50: {  	_ =	shalt  }
0x51: {  	_ =	shalt  }
0x52: {  	_ =	shalt  }
0x53: {  	_ =	shalt  }
0x54: {  	_ =	shalt  }
0x55: {  	_ =	shalt  }
0x56: {  	_ =	shalt  }
0x57: {  	_ =	shalt  }
0x58: {  	_ =	shalt  }
0x59: {  	_ =	shalt  }
0x5a: {  	_ =	shalt  }
0x5b: {  	_ =	shalt  }
0x5c: {  	_ =	shalt  }
0x5d: {  	_ =	shalt  }
0x5e: {  	_ =	shalt  }
0x5f: {  	_ =	shalt  }
0x60: {  	_ =	shalt  }
0x61: {  	_ =	shalt  }
0x62: {  	_ =	shalt  }
0x63: {  	_ =	shalt  }
0x64: {  	_ =	shalt  }
0x65: {  	_ =	shalt  }
0x66: {  	_ =	shalt  }
0x67: {  	_ =	shalt  }
0x68: {  	_ =	shalt  }
0x69: {  	_ =	shalt  }
0x6a: {  	_ =	shalt  }
0x6b: {  	_ =	shalt  }
0x6c: {  	_ =	shalt  }
0x6d: {  	_ =	shalt  }
0x6e: {  	_ =	shalt  }
0x6f: {  	_ =	shalt  }
0x70: {  	_ =	shalt  }
0x71: {  	_ =	shalt  }
0x72: {  	_ =	shalt  }
0x73: {  	_ =	shalt  }
0x74: {  	_ =	shalt  }
0x75: {  	_ =	shalt  }
0x76: {  	_ =	shalt  }
0x77: {  	_ =	shalt  }
0x78: {  	_ =	shalt  }
0x79: {  	_ =	shalt  }
0x7a: {  	_ =	shalt  }
0x7b: {  	_ =	shalt  }
0x7c: {  	_ =	shalt  }
0x7d: {  	_ =	shalt  }
0x7e: {  	_ =	shalt  }
0x7f: {  	_ =	shalt  }
0x80: {  	_ =	shalt  }
0x81: {  	_ =	shalt  }
0x82: {  	_ =	shalt  }
0x83: {  	_ =	shalt  }
0x84: {  	_ =	shalt  }
0x85: {  	_ =	shalt  }
0x86: {  	_ =	shalt  }
0x87: {  	_ =	shalt  }
.Lfunc_end0:
.L_simem_size_0:
called_computation_lowered:
.L_overlay_start_0:
0x88: {  	s2 =	sld [smem:$0x3FD9]  }
0x89: {  	s3 =	sld [smem:$0x3FFE];
	_ =	sdelay $0x1  }
0x8a: {  	s1 =	srdreg.scid  }
0x8b: {  	s0 =	sand.u32 $0x1, s1  }
0x8c: {  	s17 =	sshll.u32 s0, $0xA;
	s2 =	sadd.s32 s3, s2  }
0x8d: {  	s2 =	sadd.s32 s2, s17  }
0x8e: {  	[smem:$0x3FB9] =	sst s2  }
0x8f: {  	_ = 	snop  }
0x90: {  	s2 =	sld [smem:$0x3FD0];
	(tm) =	ssettm $0x1  }
0x91: {  	s18 =	sld [smem:$0x3FFB];
	_ =	sdelay $0x3  }
0x92: {  	_ =	strace s18  }
0x93: {  	s3 =	sld [smem:$0x3FFC];
	_ =	sdelay $0x3  }
0x94: {  	_ =	strace s3  }
0x95: {  	s3 =	sld [smem:$0x3FFD];
	_ =	sdelay $0x3  }
0x96: {  	_ =	strace s3  }
0x97: {  	_ =	strace $0x8FFFFFFF  }
0x98: {  	s19 =	sld [smem:$0x3FDB];
	_ =	sdelay $0x1  }
0x99: {  	s4 =	simm.s32 $_scs_section_size  }
0x9a: {  	s5 =	simm.s32 $_size__tile_overlayer_lowered;
	s6 =	simm.s32 $_tile_overlayer_lowered  }
0x9b: {  	s22 =	simm.s32 $0x1BFF;
	s21 =	sshll.u32 s6, $0x1;
	s3 =	sadd.s32 s4, s19  }
0x9c: {  	s7 =	simm.s32 $0x0;
	s20 =	sshll.u32 s5, $0x1;
	s5 =	sadd.s32 s21, s3  }
0x9d: {  	[timem:s7], [sflag:s22] =	dma.local [hbm:s5], s20  }
0x9e: {  	_ =	swait.ge [sflag:s22], s20  }
0x9f: {  	s4 =	ssub.s32 $0x0, s20;
	[sflag:s22] =	ssyncset.done $0x0  }
0xa0: {  	[sflag:s22] =	ssyncadd.s32 s4;
	_ =	sdelay $0x1  }
0xa1: {  	s23 =	simm.s32 $0x1B8B  }
0xa2: {  	_ =	swait.ge [sflag:s23], $0x1  }
0xa3: {  	[sflag:s23] =	ssyncset.done $0x0  }
0xa4: {  	s25 =	simm.s32 $0x1B8E;
	s24 =	sld [smem:$0x3FFE];
	[sflag:s23] =	ssyncadd.s32 $0xFFFFFFFF  }
0xa5: {  	s26 =	simm.s32 $execute0_lowered;
	[smem:$0x3FD2] =	sst s25  }
0xa6: {  	s5 =	sshll.u32 s26, $0x1;
	_ =	strace $0x80000046;
	[dreg:$0x1] =	wrdreg $0xFFFFFFFF  }
0xa7: {  	s28 =	simm.s32 $_size_execute0_lowered;
	s3 =	sadd.s32 s3, s5;
	[dreg:$0x0] =	wrdreg $0x0  }
0xa8: {  	s5 =	sshll.u32 s28, $0x1;
	[dreg:$0x2] =	wrdreg s3  }
0xa9: {  	[dreg:$0x3] =	wrdreg s5  }
0xaa: {  	[dreg:$0x4] =	wrdreg $0xC0  }
0xab: {  	_ =	task [dreg:s7], $0x5FFFF  }
0xac: {  	[dreg:$0x1] =	wrdreg $0xFFFFFFFF  }
0xad: {  	[dreg:$0x0] =	wrdreg $0x60  }
0xae: {  	[dreg:$0x2] =	wrdreg s24  }
0xaf: {  	[dreg:$0x3] =	wrdreg s2  }
0xb0: {  	[dreg:$0x4] =	wrdreg $0xEE200  }
0xb1: {  	[dreg:$0x5] =	wrdreg $0x14E200  }
0xb2: {  	[dreg:$0x6] =	wrdreg $0xA0000  }
0xb3: {  	[dreg:$0x7] =	wrdreg $0x9  }
0xb4: {  	_ =	task.clear_ibuf [dreg:s7], $0x8FFFF;
	_ =	strace $0x90000046  }
0xb5: {  	s29 =	simm.s32 $0x9;
	_ =	strace $0x80000048  }
0xb6: {  	_ =	swait.ge [sflag:s29], $0x1  }
0xb7: {  	[sflag:s29] =	ssyncadd.s32 $0xFFFFFFFF  }
0xb8: {  	_ =	strace $0x90000048  }
0xb9: {  	_ =	sfence  }
0xba: {  	s30 =	sld [smem:$0x0];
	_ =	sdelay $0x2  }
0xbb: {  	s31 =	sshll.u32 s1, $0xD;
	s1 =	sshrl.u32 s1, $0x2  }
0xbc: {  	s3 =	sand.u32 $0x4000, s31;
	s1 =	sadd.s32 s1, s30  }
0xbd: {  	s0 =	sor.u32 s3, s0;
	s1 =	sshll.u32 s1, $0x11  }
0xbe: {  	s0 =	sor.u32 s1, s0  }
0xbf: {  	s0 =	sadd.s32 $0x8F2B, s0  }
0xc0: {  	[sflag:s0] =	ssyncadd.remote.s32 $0x1  }
0xc1: {  	_ =	sfence.sel $0xFFFF  }
0xc2: {  	[dreg:$0x0] =	wrdreg $0xFFFFFFFF;
	(pc) =	sbr.abs _section_cstart, $3  }
0xc3: {  	[dreg:$0x1] =	wrdreg $0xFFFFFFFF  }
0xc4: {  	_ =	task.clear_ibuf [dreg:s7], $0x2FFFF;
	_ =	strace $0x9FFFFFFF  }
0xc5: {  	(tm) =	ssettm $0x7FFFFFFF  }
tec
execute0_lowered:
.L_overlay_start_1:
0x0: {  	(tag) =	ssettag $0x1  }
0x1: {  	s0 =	rddreg [dreg:$0x0]  }
0x2: {  	s2 =	rddreg [dreg:$0x2]  }
0x3: {  	s12 =	stileid.u32;
	s4 =	rddreg [dreg:$0x3]  }
0x4: {  	s1 =	srdreg.scid;
	s5 =	rddreg [dreg:$0x4];
	s6 =	simm.s32 $0x0  }
0x5: {  	s16 =	simm.s32 $0xC;
	s28 =	simm.s32 $0x8000;
	s30 =	simm.s32 $0x9000  }
0x6: {  	s31 =	simm.s32 $0x1;
	s19 =	simm.s32 $0x3;
	s29 =	simm.s32 $0xB  }
0x7: {  	s1 =	sand.u32 $0x1, s1;
	s3 =	sshll.u32 s12, $0x1;
	s7 =	smul.u32 $0x4E20, s12  }
0x8: {  	s9 =	smul.u32 $0x5000, s12;
	[smem:$0x7FF] =	sst s6;
	s11 =	sadd.s32 $0x21C00, s0  }
0x9: {  	s22 =	sshll.u32 s12, $0x6;
	s3 =	sor.u32 s1, s3;
	s8 =	smul.u32 $0x50000, s1  }
0xa: {  	_ =	strace $0x80000047;
	s1 =	ssub.s32 $0x2, s1;
	[dreg:$0x6] =	wrdreg s11  }
0xb: {  	s11 =	simm.s32 $0x0;
	s3 =	smul.u32 $0x2800, s3;
	s10 =	sshrl.u32 s7, $0x3  }
0xc: {  	s20 =	sshrl.u32 s1, $0x1;
	s21 =	sadd.s32 s9, s2;
	s7 =	sadd.s32 s7, s5  }
0xd: {  	s10 =	sadd.s32 s10, s0;
	s8 =	sadd.s32 s9, s8;
	s1 =	ssub.s32 s1, s20  }
0xe: {  	s9 =	sadd.s32 s9, s4;
	s15 =	sshrl.u32 s21, $0x3;
	s26 =	sshrl.u32 s7, $0x3  }
0xf: {  	s20 =	simm.s32 $0x13E20;
	s21 =	simm.s32 $0x80;
	s3 =	sshrl.u32 s3, $0x3  }
0x10: {  	s8 =	sshrl.u32 s8, $0x3;
	s10 =	sadd.s32 $0x17E00, s10;
	s25 =	smax.u32 s1, $0x1  }
0x11: {  	s17 =	sshrl.u32 s9, $0x3;
	[dreg:$0xd] =	wrdreg s26;
	s26 =	simm.s32 $0x5  }
0x12: {  	s3 =	sadd.s32 s3, s0;
	s0 =	sadd.s32 s8, s0;
	[dreg:$0x7] =	wrdreg s10  }
0x13: {  	s8 =	sor.u32 $0x1C0C, s22;
	[dreg:$0xc] =	wrdreg s25;
	s23 =	sadd.s32 $0x3E00, s3  }
.Ltmp0:
0x14: {  	s3 =	sadd.s32 $0xDE00, s3;
	[dreg:$0x8] =	wrdreg s23;
	(pc) =	sbr.rel .LBB2_1-.Ltmp0, $4  }
0x15: {  	s22 =	simm.s32 $0x5000;
	s24 =	sadd.s32 $0x21E00, s0;
	[dreg:$0x9] =	wrdreg s3  }
0x16: {  	s25 =	simm.s32 $0x7000;
	s0 =	sadd.s32 $0x35E00, s0;
	[dreg:$0xa] =	wrdreg s24  }
0x17: {  	s10 =	simm.s32 $0xA;
	[dreg:$0xb] =	wrdreg s0;
	s23 =	simm.s32 $0x6000  }
0x18: {  	s3 =	simm.s32 $0x2;
	s0 =	simm.s32 $0x6;
	s24 =	simm.s32 $0x4  }
.LBB2_7:
0x19: {  	_ =	swait.ge [sflag:s0], $0x1000  }
0x1a: {  	[sflag:s0] =	ssyncset.done $0x0  }
0x1b: {  	[sflag:s0] =	ssyncadd.s32 $0xFFFFF000  }
0x1c: {  	_ =	swait.ge [sflag:s29], $0x1000  }
0x1d: {  	[sflag:s29] =	ssyncset.done $0x0  }
0x1e: {  	s1 =	simm.s32 $0x7;
	[sflag:s29] =	ssyncadd.s32 $0xFFFFF000  }
0x1f: {  	_ =	swait.ge [sflag:s1], $0x1000  }
0x20: {  	[sflag:s1] =	ssyncset.done $0x0  }
0x21: {  	[sflag:s1] =	ssyncadd.s32 $0xFFFFF000  }
0x22: {  	_ =	swait.ge [sflag:s29], $0x1000  }
0x23: {  	[sflag:s29] =	ssyncset.done $0x0  }
0x24: {  	s9 =	simm.s32 $0x8;
	[sflag:s29] =	ssyncadd.s32 $0xFFFFF000  }
0x25: {  	_ =	swait.ge [sflag:s9], $0x1000  }
0x26: {  	[sflag:s9] =	ssyncset.done $0x0  }
0x27: {  	[sflag:s9] =	ssyncadd.s32 $0xFFFFF000  }
0x28: {  	_ =	swait.ge [sflag:s29], $0x1000  }
0x29: {  	[sflag:s29] =	ssyncset.done $0x0  }
0x2a: {  	s12 =	simm.s32 $0x9;
	[sflag:s29] =	ssyncadd.s32 $0xFFFFF000  }
0x2b: {  	_ =	swait.ge [sflag:s12], $0x1000  }
0x2c: {  	[sflag:s12] =	ssyncset.done $0x0  }
0x2d: {  	[sflag:s12] =	ssyncadd.s32 $0xFFFFF000  }
0x2e: {  	_ =	swait.ge [sflag:s29], $0x1000  }
0x2f: {  	[sflag:s29] =	ssyncset.done $0x0  }
0x30: {  	[sflag:s29] =	ssyncadd.s32 $0xFFFFF000  }
0x31: {  	_ =	swait.ge [sflag:s10], $0x1000  }
0x32: {  	[sflag:s10] =	ssyncset.done $0x0  }
0x33: {  	[sflag:s10] =	ssyncadd.s32 $0xFFFFF000  }
0x34: {  	_ =	swait.ge [sflag:s29], $0x1000  }
0x35: {  	[sflag:s29] =	ssyncset.done $0x0  }
0x36: {  	[sflag:s29] =	ssyncadd.s32 $0xFFFFF000  }
0x37: {  	[bflag:$0x0] =	sbarrier.arrive $0xFFFF  }
0x38: {  	s13 =	rddreg [dreg:$0xa]  }
0x39: {  	[hbm:s13], [sflag:s8] =	dma.local [spmem:s15], $0xA00  }
0x3a: {  	_ =	swait.ge [sflag:s16], $0xA00  }
0x3b: {  	[sflag:s16] =	ssyncset.done $0x0  }
0x3c: {  	s14 =	rddreg [dreg:$0xb];
	[sflag:s16] =	ssyncadd.s32 $0xFFFFF600  }
0x3d: {  	[hbm:s14], [sflag:s8] =	dma.local [spmem:s17], $0xA00  }
0x3e: {  	_ =	swait.ge [sflag:s16], $0xA00  }
0x3f: {  	s11 =	sadd.s32 $0x1, s11;
	s18 =	rddreg [dreg:$0xc]  }
0x40: {  	p0 =	sne.s32 s11, s18  }
.Ltmp1:
0x41: {  	_ = 	snop;
	(pc) =	sbr.rel @!p0 .LBB2_8-.Ltmp1, $3  }
0x42: {  	_ =	sdelay $0x1  }
0x43: {  	[sflag:s16] =	ssyncset.done $0x0  }
0x44: {  	[sflag:s16] =	ssyncadd.s32 $0xFFFFF600  }
.LBB2_1:
0x45: {  	s1 =	rddreg [dreg:$0x1]  }
0x46: {  	[spmem:s15], [sflag:s8] =	dma.local [hbm:s1], $0xA00  }
0x47: {  	_ =	swait.ge [sflag:s16], $0xA00  }
0x48: {  	[sflag:s16] =	ssyncset.done $0x0  }
0x49: {  	[sflag:s16] =	ssyncadd.s32 $0xFFFFF600  }
0x4a: {  	[spmem:s17], [sflag:s8] =	dma.local [hbm:s1], $0xA00  }
0x4b: {  	_ =	swait.ge [sflag:s16], $0xA00  }
0x4c: {  	[sflag:s16] =	ssyncset.done $0x0;
	s14 =	rddreg [dreg:$0x7]  }
0x4d: {  	s7 =	rddreg [dreg:$0xd];
	[sflag:s16] =	ssyncadd.s32 $0xFFFFF600  }
0x4e: {  	[spmem:s7], [sflag:s8] =	dma.local [hbm:s14], $0x9C4  }
0x4f: {  	_ =	swait.ge [sflag:s16], $0x9C4  }
0x50: {  	[sflag:s16] =	ssyncset.done $0x0  }
0x51: {  	s18 =	rddreg [dreg:$0x8];
	[sflag:s16] =	ssyncadd.s32 $0xFFFFF63C  }
0x52: {  	[tilespmem:s6], [sflag:$0xC] =	stream.linear.gather [hbm4b:s18+s6], $0x2800, $0x38;
	[tilespmem:$0x19E20] =	vst v63  }
0x53: {  	_ =	swait.ge [sflag:s16], $0x2800  }
0x54: {  	[sflag:s16] =	ssyncset.done $0x0  }
0x55: {  	s9 =	simm.s32 $0x2800;
	s7 =	rddreg [dreg:$0x9];
	[sflag:s16] =	ssyncadd.s32 $0xFFFFD800  }
0x56: {  	[tilespmem:s9], [sflag:$0xC] =	stream.linear.gather [hbm4b:s7+s6], $0x2800, $0x38;
	[tilespmem:$0x19E20] =	vst v63  }
0x57: {  	_ =	swait.ge [sflag:s16], $0x2800  }
0x58: {  	[sflag:s16] =	ssyncset.done $0x0  }
0x59: {  	s12 =	rddreg [dreg:$0x6];
	[sflag:s16] =	ssyncadd.s32 $0xFFFFD800  }
0x5a: {  	[tilespmem:s20], [sflag:$0xC] =	stream.linear.gather [hbm4b:s12+s6], $0x1000, $0x38;
	[tilespmem:$0x19E20] =	vst v63  }
0x5b: {  	_ =	swait.ge [sflag:s16], $0x1000  }
0x5c: {  	[sflag:s16] =	ssyncset.done $0x0  }
0x5d: {  	[sflag:s16] =	ssyncadd.s32 $0xFFFFF000  }
0x5e: {  	[bflag:$0x0] =	sbarrier.arrive $0xFFFF  }
0x5f: {  	[tilespmem:s22], [sflag:$0x1] =	stream.indirect.gather [spmem:s5], $0x20, s6, s21, $0xb8;
	[tilespmem:$0x19E20] =	vst v63  }
0x60: {  	_ = 	snop  }
0x61: {  	[tilespmem:s23], [sflag:$0x2] =	stream.indirect.gather [spmem:s5], $0x20, s21, s21, $0xb8;
	[tilespmem:$0x19E20] =	vst v63  }
0x62: {  	s13 =	simm.s32 $0x100  }
0x63: {  	[tilespmem:s25], [sflag:$0x3] =	stream.indirect.gather [spmem:s5], $0x20, s13, s21, $0xb8;
	[tilespmem:$0x19E20] =	vst v63  }
.Ltmp2:
0x64: {  	_ = 	snop;
	(pc) =	sbr.rel .LBB2_2-.Ltmp2, $4  }
0x65: {  	s14 =	simm.s32 $0x180  }
0x66: {  	[tilespmem:s28], [sflag:$0x4] =	stream.indirect.gather [spmem:s5], $0x20, s14, s21, $0xb8;
	[tilespmem:$0x19E20] =	vst v63  }
0x67: {  	s18 =	simm.s32 $0x200;
	s12 =	simm.s32 $0x0  }
0x68: {  	[tilespmem:s30], [sflag:$0x5] =	stream.indirect.gather [spmem:s5], $0x20, s18, s21, $0xb8;
	[tilespmem:$0x19E20] =	vst v63  }
.LBB2_3:
0x69: {  	_ =	swait.ge [sflag:s3], $0x1000  }
0x6a: {  	[sflag:s3] =	ssyncset.done $0x0  }
0x6b: {  	[sflag:s3] =	ssyncadd.s32 $0xFFFFF000  }
0x6c: {  	[spmem:s2] =	stream.indirect.scatter.add.f32 [tilespmem:s23], [sflag:$0x7], $0x20, s14, s21, $0xb8;
	[tilespmem:$0x19E20] =	vst v63  }
0x6d: {  	_ = 	snop  }
0x6e: {  	[spmem:s4] =	stream.indirect.scatter.add.f32 [tilespmem:s20], [sflag:$0xB], $0x20, s14, s21, $0xb8;
	[tilespmem:$0x19E20] =	vst v63  }
.LBB2_5:
0x6f: {  	_ =	swait.ge [sflag:s0], $0x1000  }
0x70: {  	[sflag:s0] =	ssyncset.done $0x0  }
0x71: {  	s14 =	sadd.s32 $0x280, s13;
	p0 =	por $0x0, $0x0;
	[sflag:s0] =	ssyncadd.s32 $0xFFFFF000  }
0x72: {  	[tilespmem:s22], [sflag:$0x1] =	stream.indirect.gather [spmem:s5], $0x20, s14, s21, $0xb8;
	[tilespmem:$0x19E20] =	vst v63  }
.LBB2_6:
0x73: {  	_ =	swait.ge [sflag:s19], $0x1000  }
0x74: {  	[sflag:s19] =	ssyncset.done $0x0  }
0x75: {  	s14 =	sadd.s32 $0x2900, s13;
	[sflag:s19] =	ssyncadd.s32 $0xFFFFF000  }
0x76: {  	[spmem:s2] =	stream.indirect.scatter.add.f32 [tilespmem:s25], [sflag:$0x8], $0x20, s14, s21, $0xb8;
	[tilespmem:$0x19E20] =	vst v63  }
0x77: {  	p1 =	seq.s32 s12, $0x0  }
0x78: {  	[spmem:s4] =	stream.indirect.scatter.add.f32 [tilespmem:s20], [sflag:$0xB], $0x20, s14, s21, $0xb8;
	[tilespmem:$0x19E20] =	vst v63  }
0x79: {  	s14 =	simm.s32 @!p1 $0xB  }
0x7a: {  	_ =	swait.ge @!p1 [sflag:s14], $0x1000  }
0x7b: {  	[sflag:s14] =	ssyncset.done @!p1 $0x0  }
0x7c: {  	s18 =	simm.s32 @!p0 $0x7;
	[sflag:s14] =	ssyncadd.s32 @!p1 $0xFFFFF000  }
0x7d: {  	_ =	swait.ge @!p0 [sflag:s18], $0x1000  }
0x7e: {  	[sflag:s18] =	ssyncset.done @!p0 $0x0  }
0x7f: {  	[sflag:s18] =	ssyncadd.s32 @!p0 $0xFFFFF000;
	s18 =	sshra.s32 @!p0 s12, $0x2  }
0x80: {  	s7 =	simm.s32 @!p0 $0x80;
	s9 =	simm.s32 @!p0 $0x6000;
	s1 =	sadd.s32 @!p0 $0x300, s18  }
0x81: {  	[tilespmem:s9], [sflag:$0x2] =	stream.indirect.gather @!p0 [spmem:s5], $0x20, s1, s7, $0xb8;
	[tilespmem:$0x19E20] =	vst v63  }
0x82: {  	_ =	swait.ge [sflag:s24], $0x1000  }
0x83: {  	[sflag:s24] =	ssyncset.done $0x0  }
0x84: {  	s9 =	sadd.s32 $0x2980, s13;
	[sflag:s24] =	ssyncadd.s32 $0xFFFFF000  }
0x85: {  	[spmem:s2] =	stream.indirect.scatter.add.f32 [tilespmem:s28], [sflag:$0x9], $0x20, s9, s21, $0xb8;
	[tilespmem:$0x19E20] =	vst v63  }
0x86: {  	_ = 	snop  }
0x87: {  	[spmem:s4] =	stream.indirect.scatter.add.f32 [tilespmem:s20], [sflag:$0xB], $0x20, s9, s21, $0xb8;
	[tilespmem:$0x19E20] =	vst v63  }
0x88: {  	_ =	swait.ge @!p1 [sflag:s14], $0x1000  }
0x89: {  	[sflag:s14] =	ssyncset.done @!p1 $0x0  }
0x8a: {  	s1 =	simm.s32 @!p0 $0x8;
	[sflag:s14] =	ssyncadd.s32 @!p1 $0xFFFFF000  }
0x8b: {  	_ =	swait.ge @!p0 [sflag:s1], $0x1000  }
0x8c: {  	[sflag:s1] =	ssyncset.done @!p0 $0x0  }
0x8d: {  	s9 =	simm.s32 @!p0 $0x7000;
	[sflag:s1] =	ssyncadd.s32 @!p0 $0xFFFFF000;
	s1 =	sadd.s32 @!p0 $0x380, s18  }
0x8e: {  	[tilespmem:s9], [sflag:$0x3] =	stream.indirect.gather @!p0 [spmem:s5], $0x20, s1, s7, $0xb8;
	[tilespmem:$0x19E20] =	vst v63  }
0x8f: {  	_ =	swait.ge [sflag:s26], $0x1000  }
0x90: {  	[sflag:s26] =	ssyncset.done $0x0  }
0x91: {  	s13 =	sadd.s32 $0x2A00, s13;
	[sflag:s26] =	ssyncadd.s32 $0xFFFFF000  }
0x92: {  	[spmem:s2] =	stream.indirect.scatter.add.f32 [tilespmem:s30], [sflag:$0xA], $0x20, s13, s21, $0xb8;
	[tilespmem:$0x19E20] =	vst v63  }
0x93: {  	_ = 	snop  }
0x94: {  	[spmem:s4] =	stream.indirect.scatter.add.f32 [tilespmem:s20], [sflag:$0xB], $0x20, s13, s21, $0xb8;
	[tilespmem:$0x19E20] =	vst v63  }
0x95: {  	_ =	swait.ge @!p1 [sflag:s14], $0x1000  }
0x96: {  	[sflag:s14] =	ssyncset.done @!p1 $0x0  }
0x97: {  	s1 =	simm.s32 @!p0 $0x9;
	[sflag:s14] =	ssyncadd.s32 @!p1 $0xFFFFF000  }
0x98: {  	_ =	swait.ge @!p0 [sflag:s1], $0x1000  }
0x99: {  	s12 =	sadd.s32 $0xA00, s12;
	[sflag:s1] =	ssyncset.done @!p0 $0x0  }
0x9a: {  	s9 =	simm.s32 @!p0 $0x8000;
	[sflag:s1] =	ssyncadd.s32 @!p0 $0xFFFFF000;
	s1 =	sadd.s32 @!p0 $0x400, s18  }
0x9b: {  	[tilespmem:s9], [sflag:$0x4] =	stream.indirect.gather @!p0 [spmem:s5], $0x20, s1, s7, $0xb8;
	[tilespmem:$0x19E20] =	vst v63  }
0x9c: {  	p0 =	sne.s32 s12, $0xA000  }
.Ltmp3:
0x9d: {  	_ = 	snop;
	(pc) =	sbr.rel @!p0 .LBB2_7-.Ltmp3, $1  }
0x9e: {  	_ =	sdelay $0x3  }
.LBB2_2:
0x9f: {  	_ =	swait.ge [sflag:s31], $0x1000  }
0xa0: {  	s13 =	sshra.s32 s12, $0x2;
	p0 =	sne.s32 s12, $0x0;
	[sflag:s31] =	ssyncset.done $0x0  }
.Ltmp4:
0xa1: {  	s14 =	sadd.s32 $0x2800, s13;
	[sflag:s31] =	ssyncadd.s32 $0xFFFFF000;
	(pc) =	sbr.rel @!p0 .LBB2_3-.Ltmp4, $4  }
0xa2: {  	[spmem:s2] =	stream.indirect.scatter.add.f32 [tilespmem:s22], [sflag:$0x6], $0x20, s14, s21, $0xb8;
	[tilespmem:$0x19E20] =	vst v63  }
0xa3: {  	_ = 	snop  }
0xa4: {  	[spmem:s4] =	stream.indirect.scatter.add.f32 [tilespmem:s20], [sflag:$0xB], $0x20, s14, s21, $0xb8;
	[tilespmem:$0x19E20] =	vst v63  }
0xa5: {  	s14 =	sadd.s32 $0x2880, s13  }
0xa6: {  	_ =	swait.ge [sflag:s29], $0x1000  }
0xa7: {  	[sflag:s29] =	ssyncset.done $0x0  }
0xa8: {  	[sflag:s29] =	ssyncadd.s32 $0xFFFFF000  }
0xa9: {  	_ =	swait.ge [sflag:s10], $0x1000  }
0xaa: {  	[sflag:s10] =	ssyncset.done $0x0  }
0xab: {  	s18 =	sadd.s32 $0x200, s13;
	[sflag:s10] =	ssyncadd.s32 $0xFFFFF000  }
0xac: {  	[tilespmem:s30], [sflag:$0x5] =	stream.indirect.gather [spmem:s5], $0x20, s18, s21, $0xb8;
	[tilespmem:$0x19E20] =	vst v63  }
0xad: {  	_ =	swait.ge [sflag:s3], $0x1000  }
0xae: {  	[sflag:s3] =	ssyncset.done $0x0  }
0xaf: {  	[sflag:s3] =	ssyncadd.s32 $0xFFFFF000  }
0xb0: {  	[spmem:s2] =	stream.indirect.scatter.add.f32 [tilespmem:s23], [sflag:$0x7], $0x20, s14, s21, $0xb8;
	[tilespmem:$0x19E20] =	vst v63  }
0xb1: {  	p1 =	seq.s32 s12, $0x9600  }
0xb2: {  	[spmem:s4] =	stream.indirect.scatter.add.f32 [tilespmem:s20], [sflag:$0xB], $0x20, s14, s21, $0xb8;
	[tilespmem:$0x19E20] =	vst v63  }
.Ltmp5:
0xb3: {  	_ = 	snop;
	(pc) =	sbr.rel @p1 .LBB2_6-.Ltmp5, $4  }
.Ltmp6:
0xb4: {  	_ = 	snop;
	(pc) =	sbr.rel @!p1 .LBB2_5-.Ltmp6, $4  }
0xb5: {  	_ =	swait.ge [sflag:s29], $0x1000  }
0xb6: {  	[sflag:s29] =	ssyncset.done $0x0  }
0xb7: {  	p0 =	por $0x1, $0x1;
	[sflag:s29] =	ssyncadd.s32 $0xFFFFF000  }
0xb8: {  	_ = 	snop  }
.LBB2_8:
0xb9: {  	_ =	sfence.sel $0x180000  }
0xba: {  	[bflag:$0x0] =	sbarrier.arrive $0xFFFF  }
0xbb: {  	_ =	strace $0x90000047  }
0xbc: {  	s0 =	stileid.u32;
	[bflag:$0x2] =	sbarrier.arrive $0xFFFF  }
0xbd: {  	p0 =	sne.s32 s0, $0x0;
	s0 =	rddreg [dreg:$0x5]  }
0xbe: {  	s0 =	sadd.s32 @!p0 $0x100000, s0  }
0xbf: {  	[sflag:s0] =	ssyncadd.tile.s32 @!p0 $0x1;
	_ =	shalt  }
.Lfunc_end2:
_tile_overlayer_lowered:
.L_overlay_start_2:
0xc0: {  	(tag) =	ssettag $0x2  }
0xc1: {  	s0 =	rddreg [dreg:$0x0];
	s2 =	stileid.u32  }
0xc2: {  	s1 =	rddreg [dreg:$0x1];
	p0 =	sne.s32 s2, $0x0  }
0xc3: {  	s3 =	rddreg [dreg:$0x2];
	[bflag:$0x3] =	sbarrier.arrive $0xFFFF;
	s2 =	simm.s32 @!p0 $0x1C0C  }
0xc4: {  	[timem:s3], [sflag:s2] =	dma.local @!p0 [hbm:s0], s1  }
0xc5: {  	s0 =	simm.s32 @!p0 $0xC  }
0xc6: {  	_ =	swait.ge @!p0 [sflag:s0], s1  }
0xc7: {  	s1 =	ssub.s32 @!p0 $0x0, s1;
	[sflag:s0] =	ssyncset.done @!p0 $0x0  }
0xc8: {  	[sflag:s0] =	ssyncadd.s32 @!p0 s1  }
0xc9: {  	[bflag:$0x3] =	sbarrier.arrive $0xFFFF  }
0xca: {  	_ =	shalt  }

</sc_bundles>
